<compile_context>
chip_gen: v7x
topology: tpu7x:2x2x1
jax: 0.10.2.dev20260603
libtpu: 0.0.44.dev20260713+nightly
codegen_flags: <defaults>
</compile_context>

<pallas_src>
import functools

import jax
import jax.numpy as jnp
from jax import lax
from jax.experimental import pallas as pl
from jax.experimental.pallas import tpu as pltpu
from jax.experimental.pallas import tpu_sc as plsc

_K = 16
_ROWS = 256
_RP = 1024



def _knn_body(xr_ref, xc_ref, idx_ref, *, P, R, K):
    b = pl.program_id(0)
    xr = xr_ref[0]
    xc = xc_ref[0]
    x0r, x1r, x2r = xr[:, 0:1], xr[:, 1:2], xr[:, 2:3]
    x0c, x1c, x2c = xc[0:1, :], xc[1:2, :], xc[2:3, :]
    sqr = x0r * x0r + x1r * x1r + x2r * x2r
    sqc = x0c * x0c + x1c * x1c + x2c * x2c
    dot = jnp.dot(xr, xc, preferred_element_type=jnp.float32)
    d2 = jnp.maximum(sqr + sqc - 2.0 * dot, 0.0)
    colsf = lax.broadcasted_iota(jnp.int32, (R, P), 1).astype(jnp.float32)
    inf = jnp.float32(jnp.inf)
    big = jnp.float32(P)
    picks = []
    d2m = d2
    j = None
    for t in range(K):
        if t:
            d2m = jnp.where(colsf == j, inf, d2m)
        m = jnp.min(d2m, axis=1, keepdims=True)
        cand = jnp.where(d2m == m, colsf, big)
        j = jnp.min(cand, axis=1, keepdims=True)
        picks.append(j)
    idx = jnp.concatenate(picks, axis=1).astype(jnp.int32)
    idx_ref[...] = idx + b * P


def _knn_idx(x):
    B, P, _ = x.shape
    R = _ROWS
    xyz = x[..., :3]
    xr = jnp.concatenate([xyz, jnp.zeros((B, P, 5), x.dtype)], axis=-1)
    xc = jnp.transpose(xr, (0, 2, 1))
    return pl.pallas_call(
        functools.partial(_knn_body, P=P, R=R, K=_K),
        grid=(B, P // R),
        in_specs=[
            pl.BlockSpec((1, R, 8), lambda b, i: (b, i, 0)),
            pl.BlockSpec((1, 8, P), lambda b, i: (b, 0, 0)),
        ],
        out_specs=pl.BlockSpec((R, _K), lambda b, i: (b * (P // R) + i, 0)),
        out_shape=jax.ShapeDtypeStruct((B * P, _K), jnp.int32),
    )(xr, xc)



def _sc_gather(table, idx):
    N = idx.shape[0]
    D = table.shape[1]
    info = plsc.get_sparse_core_info()
    NC = info.num_cores
    NW = NC * info.num_subcores
    CH = 128
    per_w = N // NW
    n_ch = per_w // CH
    mesh = plsc.VectorSubcoreMesh(core_axis_name="c", subcore_axis_name="s")

    G = 8
    GW = G * CH
    n_grp = per_w // GW

    @functools.partial(
        pl.kernel,
        out_type=jax.ShapeDtypeStruct((N, D), jnp.float32),
        mesh=mesh,
        compiler_params=pltpu.CompilerParams(use_tc_tiling_on_sc=False),
        scratch_types=[
            pltpu.VMEM((GW,), jnp.int32),
            pltpu.VMEM((GW, D), jnp.float32),
            pltpu.SemaphoreType.DMA,
        ],
    )
    def gather(table_hbm, idx_hbm, out_hbm, idx_v, rows_v, sem):
        wid = lax.axis_index("s") * NC + lax.axis_index("c")
        base = wid * per_w

        def body(g, carry):
            off = base + g * GW
            pltpu.sync_copy(idx_hbm.at[pl.ds(off, GW)], idx_v)
            for b in range(G):
                pltpu.async_copy(
                    table_hbm.at[idx_v.at[pl.ds(b * CH, CH)]],
                    rows_v.at[pl.ds(b * CH, CH)], sem)
            for b in range(G):
                pltpu.make_async_copy(
                    table_hbm.at[idx_v.at[pl.ds(b * CH, CH)]],
                    rows_v.at[pl.ds(b * CH, CH)], sem).wait()
            pltpu.sync_copy(rows_v, out_hbm.at[pl.ds(off, GW)])
            return carry

        lax.fori_loop(0, n_grp, body, 0)

    return gather(table, idx)



def _gelu(x):
    return 0.5 * x * (1.0 + lax.erf(x * jnp.float32(0.7071067811865476)))


def _h1_t(xb, xj_t, w1t, C):
    dx = xj_t - xb
    return (jnp.dot(xb, w1t[:C], preferred_element_type=jnp.float32)
            + jnp.dot(dx, w1t[C:], preferred_element_type=jnp.float32))


def _stats1_body(x_ref, xj_ref, w1t_ref, sum_ref, sq_ref, *, K, C):
    @pl.when(pl.program_id(0) == 0)
    def _():
        sum_ref[...] = jnp.zeros_like(sum_ref)
        sq_ref[...] = jnp.zeros_like(sq_ref)

    xb = x_ref[...]
    w1t = w1t_ref[...]
    s = jnp.zeros(sum_ref.shape, jnp.float32)
    s2 = jnp.zeros(sq_ref.shape, jnp.float32)
    for t in range(K):
        h1 = _h1_t(xb, xj_ref[t], w1t, C)
        s += jnp.sum(h1, axis=0, keepdims=True)
        s2 += jnp.sum(h1 * h1, axis=0, keepdims=True)
    sum_ref[...] += s
    sq_ref[...] += s2


def _bn_coeffs(s_ref, q_ref, g_ref, b_ref, n):
    mean = s_ref[...] / n
    var = q_ref[...] / n - mean * mean
    sc = g_ref[...] * lax.rsqrt(var + 1e-5)
    return sc, b_ref[...] - mean * sc


def _stats2_body(x_ref, xj_ref, w1t_ref, w2t_ref, s1_ref, q1_ref,
                 g1_ref, b1_ref, sum_ref, sq_ref, *, K, C, N):
    @pl.when(pl.program_id(0) == 0)
    def _():
        sum_ref[...] = jnp.zeros_like(sum_ref)
        sq_ref[...] = jnp.zeros_like(sq_ref)

    xb = x_ref[...]
    w1t = w1t_ref[...]
    w2t = w2t_ref[...]
    sc1, sh1 = _bn_coeffs(s1_ref, q1_ref, g1_ref, b1_ref, jnp.float32(N))
    s = jnp.zeros(sum_ref.shape, jnp.float32)
    s2 = jnp.zeros(sq_ref.shape, jnp.float32)
    for t in range(K):
        h1 = _h1_t(xb, xj_ref[t], w1t, C)
        a = _gelu(h1 * sc1 + sh1)
        h2 = jnp.dot(a, w2t, preferred_element_type=jnp.float32)
        s += jnp.sum(h2, axis=0, keepdims=True)
        s2 += jnp.sum(h2 * h2, axis=0, keepdims=True)
    sum_ref[...] += s
    sq_ref[...] += s2


def _final_body(x_ref, xj_ref, w1t_ref, w2t_ref, s1_ref, q1_ref,
                g1_ref, b1_ref, s2_ref, q2_ref, g2_ref, b2_ref,
                out_ref, *, K, C, N):
    xb = x_ref[...]
    w1t = w1t_ref[...]
    w2t = w2t_ref[...]
    sc1, sh1 = _bn_coeffs(s1_ref, q1_ref, g1_ref, b1_ref, jnp.float32(N))
    sc2, sh2 = _bn_coeffs(s2_ref, q2_ref, g2_ref, b2_ref, jnp.float32(N))
    acc = jnp.full(out_ref.shape, -jnp.inf, jnp.float32)
    for t in range(K):
        h1 = _h1_t(xb, xj_ref[t], w1t, C)
        a = _gelu(h1 * sc1 + sh1)
        h2 = jnp.dot(a, w2t, preferred_element_type=jnp.float32)
        acc = jnp.maximum(acc, _gelu(h2 * sc2 + sh2))
    out_ref[...] = acc


def _row_spec(C):
    return pl.BlockSpec((_RP, C), lambda i: (i, 0))


def _xj_spec(C):
    return pl.BlockSpec((_K, _RP, C), lambda i: (0, i, 0))


def _full_spec(shape):
    return pl.BlockSpec(shape, lambda i: tuple(0 for _ in shape))


def _stats1(x_flat, xj, w1t):
    NP, C = x_flat.shape
    O = w1t.shape[1]
    return pl.pallas_call(
        functools.partial(_stats1_body, K=_K, C=C),
        grid=(NP // _RP,),
        in_specs=[_row_spec(C), _xj_spec(C), _full_spec(w1t.shape)],
        out_specs=[_full_spec((1, O)), _full_spec((1, O))],
        out_shape=[jax.ShapeDtypeStruct((1, O), jnp.float32),
                   jax.ShapeDtypeStruct((1, O), jnp.float32)],
    )(x_flat, xj, w1t)


def _stats2(x_flat, xj, w1t, w2t, s1, q1, g1, b1):
    NP, C = x_flat.shape
    O = w2t.shape[1]
    return pl.pallas_call(
        functools.partial(_stats2_body, K=_K, C=C, N=NP * _K),
        grid=(NP // _RP,),
        in_specs=[_row_spec(C), _xj_spec(C), _full_spec(w1t.shape),
                  _full_spec(w2t.shape), _full_spec(s1.shape),
                  _full_spec(q1.shape), _full_spec(g1.shape),
                  _full_spec(b1.shape)],
        out_specs=[_full_spec((1, O)), _full_spec((1, O))],
        out_shape=[jax.ShapeDtypeStruct((1, O), jnp.float32),
                   jax.ShapeDtypeStruct((1, O), jnp.float32)],
    )(x_flat, xj, w1t, w2t, s1, q1, g1, b1)


def _final(x_flat, xj, w1t, w2t, s1, q1, g1, b1, s2, q2, g2, b2):
    NP, C = x_flat.shape
    O = w2t.shape[1]
    return pl.pallas_call(
        functools.partial(_final_body, K=_K, C=C, N=NP * _K),
        grid=(NP // _RP,),
        in_specs=[_row_spec(C), _xj_spec(C), _full_spec(w1t.shape),
                  _full_spec(w2t.shape), _full_spec(s1.shape),
                  _full_spec(q1.shape), _full_spec(g1.shape),
                  _full_spec(b1.shape), _full_spec(s2.shape),
                  _full_spec(q2.shape), _full_spec(g2.shape),
                  _full_spec(b2.shape)],
        out_specs=pl.BlockSpec((_RP, O), lambda i: (i, 0)),
        out_shape=jax.ShapeDtypeStruct((NP, O), jnp.float32),
    )(x_flat, xj, w1t, w2t, s1, q1, g1, b1, s2, q2, g2, b2)



def kernel(x, W1, g1, b1, W2, g2, b2):
    B, P, C = x.shape

    idx = _knn_idx(x)
    idx_t = jnp.transpose(idx).reshape(-1)
    x_flat = x.reshape(B * P, C)
    xj = _sc_gather(x_flat, idx_t).reshape(_K, B * P, C)

    w1t = W1.T
    w2t = W2.T
    g1r, b1r = g1[None, :], b1[None, :]
    g2r, b2r = g2[None, :], b2[None, :]

    s1, q1 = _stats1(x_flat, xj, w1t)
    s2, q2 = _stats2(x_flat, xj, w1t, w2t, s1, q1, g1r, b1r)
    out = _final(x_flat, xj, w1t, w2t, s1, q1, g1r, b1r, s2, q2, g2r, b2r)
    return out.reshape(B, P, -1)

# --- scband reference (transcript-rebuilt; emitter-appended) ---
"""Pipeline reference for scband-edge-conv-35991825940497 (READ-ONLY COPY).

The authoritative reference and input builder live on the scoring server;
editing this copy changes nothing except your own understanding.
"""

import jax, jax.numpy as jnp
import numpy as np

K = 16


def _bn(h, g, b, eps=1e-5):
    # BatchNorm2d in training mode: batch statistics over (B, P, k) per channel
    mean = jnp.mean(h, axis=(0, 2, 3), keepdims=True)
    var = jnp.mean((h - mean) ** 2, axis=(0, 2, 3), keepdims=True)
    hn = (h - mean) / jnp.sqrt(var + eps)
    return hn * g.reshape(1, -1, 1, 1) + b.reshape(1, -1, 1, 1)


def _forward(x, W1, g1, b1, W2, g2, b2):
    # x: [B, P, C]
    xyz = jax.lax.stop_gradient(x[..., :3])
    # torch.cdist (euclidean) via gram trick
    sq = jnp.sum(xyz ** 2, axis=-1)  # [B, P]
    d2 = sq[:, :, None] + sq[:, None, :] - 2.0 * jnp.einsum('bpc,bqc->bpq', xyz, xyz)
    d = jnp.sqrt(jnp.clip(d2, 0.0, None))  # [B, P, P]
    _, idx = jax.lax.top_k(-d, K)  # smallest-k -> [B, P, K] int32 indices
    # gather_neighbors: x_j[b, p, j, :] = x[b, idx[b, p, j], :]
    x_j = jax.vmap(lambda xb, ib: xb[ib])(x, idx)  # [B, P, K, C]
    x_i = jnp.broadcast_to(x[:, :, None, :], x_j.shape)  # [B, P, K, C]
    edge = jnp.concatenate([x_i, x_j - x_i], axis=-1)  # [B, P, K, 2C]
    edge = jnp.transpose(edge, (0, 3, 1, 2))  # [B, 2C, P, K]
    h = jnp.einsum('oc,bcpk->bopk', W1, edge)  # 1x1 conv, no bias
    h = jax.nn.gelu(_bn(h, g1, b1), approximate=False)
    h = jnp.einsum('oc,bcpk->bopk', W2, h)
    h = jax.nn.gelu(_bn(h, g2, b2), approximate=False)
    h = jnp.max(h, axis=-1)  # max over neighbors -> [B, out_ch, P]
    return jnp.transpose(h, (0, 2, 1))  # [B, P, out_ch]


def setup_inputs(seed: int = 0) -> dict:
    key = jax.random.key(seed)
    ks = [jax.random.fold_in(key, i) for i in range(3)]
    x = jax.random.normal(ks[0], (2, 4096, 16), dtype=jnp.float32)
    W1 = jax.random.normal(ks[1], (64, 32), dtype=jnp.float32) * 0.05   # Conv2d(2*16 -> 64, 1x1, bias=False)
    W2 = jax.random.normal(ks[2], (128, 64), dtype=jnp.float32) * 0.05  # Conv2d(64 -> 128, 1x1, bias=False)
    g1 = jnp.ones((64,), jnp.float32)
    b1 = jnp.zeros((64,), jnp.float32)
    g2 = jnp.ones((128,), jnp.float32)
    b2 = jnp.zeros((128,), jnp.float32)
    return {"x": x, "W1": W1, "g1": g1, "b1": b1, "W2": W2, "g2": g2, "b2": b2}


def reference(x, W1, g1, b1, W2, g2, b2):
    return _forward(x, W1, g1, b1, W2, g2, b2)

if __name__ == "__main__":
    import jax
    _d = setup_inputs()
    print(jax.jit(kernel)(*tuple(_d.values())))

</pallas_src>

<mosaic_0001>
#map = affine_map<(d0, d1) -> (0, 0)>
#map1 = affine_map<(d0, d1) -> (0)>
module attributes {stable_mosaic.version = 14 : i64} {
  func.func @gather(%arg0: i32, %arg1: i32, %arg2: memref<8192x16xf32, #tpu.memory_space<hbm>>, %arg3: memref<131072xi32, #tpu.memory_space<hbm>>, %arg4: memref<131072x16xf32, #tpu.memory_space<hbm>>, %arg5: memref<1024xi32, #tpu.memory_space<vmem>>, %arg6: memref<1024x16xf32, #tpu.memory_space<vmem>>, %arg7: memref<!tpu.dma_semaphore, #tpu.memory_space<semaphore_mem>>) attributes {dimension_semantics = [#tpu.dimension_semantics<core_parallel>, #tpu.dimension_semantics<subcore_parallel>], iteration_bounds = array<i64: 2, 16>, scalar_prefetch = 0 : i64, scratch_operands = 3 : i64, tpu.core_type = #tpu.core_type<sc_vector_subcore>, window_params = [{transform_indices = #map}, {transform_indices = #map1}, {transform_indices = #map}]} {
    %mul3A = arith.constant 2 : i32
    %mul3A_0 = arith.muli %arg1, %mul3A : i32
    %add3A = arith.addi %mul3A_0, %arg0 : i32
    %mul3A_1 = arith.constant 4096 : i32
    %mul3A_2 = arith.muli %add3A, %mul3A_1 : i32
    %scan3A = arith.constant 0 : i32
    %scan3A_3 = arith.constant 0 : i32
    %scan3A_4 = arith.constant 4 : i32
    %scan3A_5 = arith.addi %scan3A_3, %scan3A_4 : i32
    %scan3A_6 = arith.constant 1 : i32
    scf.for %scan3A_8 = %scan3A_3 to %scan3A_5 step %scan3A_6  : i32 {
      %mul3A_9 = arith.constant 1024 : i32
      %mul3A_10 = arith.muli %scan3A_8, %mul3A_9 : i32
      %add3A_11 = arith.addi %mul3A_2, %mul3A_10 : i32
      "tpu.region"() ({
        %run_scoped3A = tpu.sem_alloc : memref<!tpu.dma_semaphore, #tpu.memory_space<semaphore_mem>>
        %dma_start3A_138 = tpu.memref_slice %arg3[%add3A_11] : memref<131072xi32, #tpu.memory_space<hbm>> -> memref<1024xi32, #tpu.memory_space<hbm>>
        %dma_start3A_139 = tpu.memref_slice %arg3[%add3A_11] : memref<131072xi32, #tpu.memory_space<hbm>> -> memref<1024xi32, #tpu.memory_space<hbm>>
        tpu.enqueue_dma source(%dma_start3A_139 : memref<1024xi32, #tpu.memory_space<hbm>>) target(%arg5 : memref<1024xi32, #tpu.memory_space<vmem>>) target_semaphore(%run_scoped3A : memref<!tpu.dma_semaphore, #tpu.memory_space<semaphore_mem>>)
        %dma_wait3A_140 = tpu.memref_slice %arg3[%add3A_11] : memref<131072xi32, #tpu.memory_space<hbm>> -> memref<1024xi32, #tpu.memory_space<hbm>>
        %dma_wait3A_141 = tpu.memref_slice %arg3[%add3A_11] : memref<131072xi32, #tpu.memory_space<hbm>> -> memref<1024xi32, #tpu.memory_space<hbm>>
        tpu.wait_dma2 semaphore(%run_scoped3A : memref<!tpu.dma_semaphore, #tpu.memory_space<semaphore_mem>>) src(%dma_wait3A_141 : memref<1024xi32, #tpu.memory_space<hbm>>) dst(%arg5 : memref<1024xi32, #tpu.memory_space<vmem>>)
        tpu.yield
      }) : () -> ()
      %dma_start3A = arith.constant 0 : i32
      %dma_start3A_12 = arith.constant 0 : i32
      %dma_start3A_13 = tpu.memref_slice %arg6[%dma_start3A, %dma_start3A_12] : memref<1024x16xf32, #tpu.memory_space<vmem>> -> memref<128x16xf32, #tpu.memory_space<vmem>>
      %dma_start3A_14 = arith.constant 0 : i32
      %dma_start3A_15 = tpu.memref_slice %arg5[%dma_start3A_14] : memref<1024xi32, #tpu.memory_space<vmem>> -> memref<128xi32, #tpu.memory_space<vmem>>
      %dma_start3A_16 = arith.constant 0 : i32
      %dma_start3A_17 = arith.constant 0 : i32
      %dma_start3A_18 = tpu.memref_slice %arg2[%dma_start3A_16, %dma_start3A_17] : memref<8192x16xf32, #tpu.memory_space<hbm>> -> memref<8192x16xf32, #tpu.memory_space<hbm>>
      tpu.enqueue_indirect_dma source(%dma_start3A_18 : memref<8192x16xf32, #tpu.memory_space<hbm>>) target(%dma_start3A_13 : memref<128x16xf32, #tpu.memory_space<vmem>>) offsets(%dma_start3A_15 : memref<128xi32, #tpu.memory_space<vmem>>) semaphore(%arg7 : memref<!tpu.dma_semaphore, #tpu.memory_space<semaphore_mem>>)
      %dma_start3A_19 = arith.constant 128 : i32
      %dma_start3A_20 = arith.constant 0 : i32
      %dma_start3A_21 = tpu.memref_slice %arg6[%dma_start3A_19, %dma_start3A_20] : memref<1024x16xf32, #tpu.memory_space<vmem>> -> memref<128x16xf32, #tpu.memory_space<vmem>>
      %dma_start3A_22 = arith.constant 128 : i32
      %dma_start3A_23 = tpu.memref_slice %arg5[%dma_start3A_22] : memref<1024xi32, #tpu.memory_space<vmem>> -> memref<128xi32, #tpu.memory_space<vmem>>
      %dma_start3A_24 = arith.constant 0 : i32
      %dma_start3A_25 = arith.constant 0 : i32
      %dma_start3A_26 = tpu.memref_slice %arg2[%dma_start3A_24, %dma_start3A_25] : memref<8192x16xf32, #tpu.memory_space<hbm>> -> memref<8192x16xf32, #tpu.memory_space<hbm>>
      tpu.enqueue_indirect_dma source(%dma_start3A_26 : memref<8192x16xf32, #tpu.memory_space<hbm>>) target(%dma_start3A_21 : memref<128x16xf32, #tpu.memory_space<vmem>>) offsets(%dma_start3A_23 : memref<128xi32, #tpu.memory_space<vmem>>) semaphore(%arg7 : memref<!tpu.dma_semaphore, #tpu.memory_space<semaphore_mem>>)
      %dma_start3A_27 = arith.constant 256 : i32
      %dma_start3A_28 = arith.constant 0 : i32
      %dma_start3A_29 = tpu.memref_slice %arg6[%dma_start3A_27, %dma_start3A_28] : memref<1024x16xf32, #tpu.memory_space<vmem>> -> memref<128x16xf32, #tpu.memory_space<vmem>>
      %dma_start3A_30 = arith.constant 256 : i32
      %dma_start3A_31 = tpu.memref_slice %arg5[%dma_start3A_30] : memref<1024xi32, #tpu.memory_space<vmem>> -> memref<128xi32, #tpu.memory_space<vmem>>
      %dma_start3A_32 = arith.constant 0 : i32
      %dma_start3A_33 = arith.constant 0 : i32
      %dma_start3A_34 = tpu.memref_slice %arg2[%dma_start3A_32, %dma_start3A_33] : memref<8192x16xf32, #tpu.memory_space<hbm>> -> memref<8192x16xf32, #tpu.memory_space<hbm>>
      tpu.enqueue_indirect_dma source(%dma_start3A_34 : memref<8192x16xf32, #tpu.memory_space<hbm>>) target(%dma_start3A_29 : memref<128x16xf32, #tpu.memory_space<vmem>>) offsets(%dma_start3A_31 : memref<128xi32, #tpu.memory_space<vmem>>) semaphore(%arg7 : memref<!tpu.dma_semaphore, #tpu.memory_space<semaphore_mem>>)
      %dma_start3A_35 = arith.constant 384 : i32
      %dma_start3A_36 = arith.constant 0 : i32
      %dma_start3A_37 = tpu.memref_slice %arg6[%dma_start3A_35, %dma_start3A_36] : memref<1024x16xf32, #tpu.memory_space<vmem>> -> memref<128x16xf32, #tpu.memory_space<vmem>>
      %dma_start3A_38 = arith.constant 384 : i32
      %dma_start3A_39 = tpu.memref_slice %arg5[%dma_start3A_38] : memref<1024xi32, #tpu.memory_space<vmem>> -> memref<128xi32, #tpu.memory_space<vmem>>
      %dma_start3A_40 = arith.constant 0 : i32
      %dma_start3A_41 = arith.constant 0 : i32
      %dma_start3A_42 = tpu.memref_slice %arg2[%dma_start3A_40, %dma_start3A_41] : memref<8192x16xf32, #tpu.memory_space<hbm>> -> memref<8192x16xf32, #tpu.memory_space<hbm>>
      tpu.enqueue_indirect_dma source(%dma_start3A_42 : memref<8192x16xf32, #tpu.memory_space<hbm>>) target(%dma_start3A_37 : memref<128x16xf32, #tpu.memory_space<vmem>>) offsets(%dma_start3A_39 : memref<128xi32, #tpu.memory_space<vmem>>) semaphore(%arg7 : memref<!tpu.dma_semaphore, #tpu.memory_space<semaphore_mem>>)
      %dma_start3A_43 = arith.constant 512 : i32
      %dma_start3A_44 = arith.constant 0 : i32
      %dma_start3A_45 = tpu.memref_slice %arg6[%dma_start3A_43, %dma_start3A_44] : memref<1024x16xf32, #tpu.memory_space<vmem>> -> memref<128x16xf32, #tpu.memory_space<vmem>>
      %dma_start3A_46 = arith.constant 512 : i32
      %dma_start3A_47 = tpu.memref_slice %arg5[%dma_start3A_46] : memref<1024xi32, #tpu.memory_space<vmem>> -> memref<128xi32, #tpu.memory_space<vmem>>
      %dma_start3A_48 = arith.constant 0 : i32
      %dma_start3A_49 = arith.constant 0 : i32
      %dma_start3A_50 = tpu.memref_slice %arg2[%dma_start3A_48, %dma_start3A_49] : memref<8192x16xf32, #tpu.memory_space<hbm>> -> memref<8192x16xf32, #tpu.memory_space<hbm>>
      tpu.enqueue_indirect_dma source(%dma_start3A_50 : memref<8192x16xf32, #tpu.memory_space<hbm>>) target(%dma_start3A_45 : memref<128x16xf32, #tpu.memory_space<vmem>>) offsets(%dma_start3A_47 : memref<128xi32, #tpu.memory_space<vmem>>) semaphore(%arg7 : memref<!tpu.dma_semaphore, #tpu.memory_space<semaphore_mem>>)
      %dma_start3A_51 = arith.constant 640 : i32
      %dma_start3A_52 = arith.constant 0 : i32
      %dma_start3A_53 = tpu.memref_slice %arg6[%dma_start3A_51, %dma_start3A_52] : memref<1024x16xf32, #tpu.memory_space<vmem>> -> memref<128x16xf32, #tpu.memory_space<vmem>>
      %dma_start3A_54 = arith.constant 640 : i32
      %dma_start3A_55 = tpu.memref_slice %arg5[%dma_start3A_54] : memref<1024xi32, #tpu.memory_space<vmem>> -> memref<128xi32, #tpu.memory_space<vmem>>
      %dma_start3A_56 = arith.constant 0 : i32
      %dma_start3A_57 = arith.constant 0 : i32
      %dma_start3A_58 = tpu.memref_slice %arg2[%dma_start3A_56, %dma_start3A_57] : memref<8192x16xf32, #tpu.memory_space<hbm>> -> memref<8192x16xf32, #tpu.memory_space<hbm>>
      tpu.enqueue_indirect_dma source(%dma_start3A_58 : memref<8192x16xf32, #tpu.memory_space<hbm>>) target(%dma_start3A_53 : memref<128x16xf32, #tpu.memory_space<vmem>>) offsets(%dma_start3A_55 : memref<128xi32, #tpu.memory_space<vmem>>) semaphore(%arg7 : memref<!tpu.dma_semaphore, #tpu.memory_space<semaphore_mem>>)
      %dma_start3A_59 = arith.constant 768 : i32
      %dma_start3A_60 = arith.constant 0 : i32
      %dma_start3A_61 = tpu.memref_slice %arg6[%dma_start3A_59, %dma_start3A_60] : memref<1024x16xf32, #tpu.memory_space<vmem>> -> memref<128x16xf32, #tpu.memory_space<vmem>>
      %dma_start3A_62 = arith.constant 768 : i32
      %dma_start3A_63 = tpu.memref_slice %arg5[%dma_start3A_62] : memref<1024xi32, #tpu.memory_space<vmem>> -> memref<128xi32, #tpu.memory_space<vmem>>
      %dma_start3A_64 = arith.constant 0 : i32
      %dma_start3A_65 = arith.constant 0 : i32
      %dma_start3A_66 = tpu.memref_slice %arg2[%dma_start3A_64, %dma_start3A_65] : memref<8192x16xf32, #tpu.memory_space<hbm>> -> memref<8192x16xf32, #tpu.memory_space<hbm>>
      tpu.enqueue_indirect_dma source(%dma_start3A_66 : memref<8192x16xf32, #tpu.memory_space<hbm>>) target(%dma_start3A_61 : memref<128x16xf32, #tpu.memory_space<vmem>>) offsets(%dma_start3A_63 : memref<128xi32, #tpu.memory_space<vmem>>) semaphore(%arg7 : memref<!tpu.dma_semaphore, #tpu.memory_space<semaphore_mem>>)
      %dma_start3A_67 = arith.constant 896 : i32
      %dma_start3A_68 = arith.constant 0 : i32
      %dma_start3A_69 = tpu.memref_slice %arg6[%dma_start3A_67, %dma_start3A_68] : memref<1024x16xf32, #tpu.memory_space<vmem>> -> memref<128x16xf32, #tpu.memory_space<vmem>>
      %dma_start3A_70 = arith.constant 896 : i32
      %dma_start3A_71 = tpu.memref_slice %arg5[%dma_start3A_70] : memref<1024xi32, #tpu.memory_space<vmem>> -> memref<128xi32, #tpu.memory_space<vmem>>
      %dma_start3A_72 = arith.constant 0 : i32
      %dma_start3A_73 = arith.constant 0 : i32
      %dma_start3A_74 = tpu.memref_slice %arg2[%dma_start3A_72, %dma_start3A_73] : memref<8192x16xf32, #tpu.memory_space<hbm>> -> memref<8192x16xf32, #tpu.memory_space<hbm>>
      tpu.enqueue_indirect_dma source(%dma_start3A_74 : memref<8192x16xf32, #tpu.memory_space<hbm>>) target(%dma_start3A_69 : memref<128x16xf32, #tpu.memory_space<vmem>>) offsets(%dma_start3A_71 : memref<128xi32, #tpu.memory_space<vmem>>) semaphore(%arg7 : memref<!tpu.dma_semaphore, #tpu.memory_space<semaphore_mem>>)
      %dma_wait3A = arith.constant 0 : i32
      %dma_wait3A_75 = arith.constant 0 : i32
      %dma_wait3A_76 = tpu.memref_slice %arg6[%dma_wait3A, %dma_wait3A_75] : memref<1024x16xf32, #tpu.memory_space<vmem>> -> memref<128x16xf32, #tpu.memory_space<vmem>>
      %dma_wait3A_77 = arith.constant 0 : i32
      %dma_wait3A_78 = tpu.memref_slice %arg5[%dma_wait3A_77] : memref<1024xi32, #tpu.memory_space<vmem>> -> memref<128xi32, #tpu.memory_space<vmem>>
      %dma_wait3A_79 = arith.constant 0 : i32
      %dma_wait3A_80 = arith.constant 0 : i32
      %dma_wait3A_81 = tpu.memref_slice %arg2[%dma_wait3A_79, %dma_wait3A_80] : memref<8192x16xf32, #tpu.memory_space<hbm>> -> memref<8192x16xf32, #tpu.memory_space<hbm>>
      tpu.wait_indirect_dma semaphore(%arg7 : memref<!tpu.dma_semaphore, #tpu.memory_space<semaphore_mem>>) src(%dma_wait3A_81 : memref<8192x16xf32, #tpu.memory_space<hbm>>) dst(%dma_wait3A_76 : memref<128x16xf32, #tpu.memory_space<vmem>>)
      %dma_wait3A_82 = arith.constant 128 : i32
      %dma_wait3A_83 = arith.constant 0 : i32
      %dma_wait3A_84 = tpu.memref_slice %arg6[%dma_wait3A_82, %dma_wait3A_83] : memref<1024x16xf32, #tpu.memory_space<vmem>> -> memref<128x16xf32, #tpu.memory_space<vmem>>
      %dma_wait3A_85 = arith.constant 128 : i32
      %dma_wait3A_86 = tpu.memref_slice %arg5[%dma_wait3A_85] : memref<1024xi32, #tpu.memory_space<vmem>> -> memref<128xi32, #tpu.memory_space<vmem>>
      %dma_wait3A_87 = arith.constant 0 : i32
      %dma_wait3A_88 = arith.constant 0 : i32
      %dma_wait3A_89 = tpu.memref_slice %arg2[%dma_wait3A_87, %dma_wait3A_88] : memref<8192x16xf32, #tpu.memory_space<hbm>> -> memref<8192x16xf32, #tpu.memory_space<hbm>>
      tpu.wait_indirect_dma semaphore(%arg7 : memref<!tpu.dma_semaphore, #tpu.memory_space<semaphore_mem>>) src(%dma_wait3A_89 : memref<8192x16xf32, #tpu.memory_space<hbm>>) dst(%dma_wait3A_84 : memref<128x16xf32, #tpu.memory_space<vmem>>)
      %dma_wait3A_90 = arith.constant 256 : i32
      %dma_wait3A_91 = arith.constant 0 : i32
      %dma_wait3A_92 = tpu.memref_slice %arg6[%dma_wait3A_90, %dma_wait3A_91] : memref<1024x16xf32, #tpu.memory_space<vmem>> -> memref<128x16xf32, #tpu.memory_space<vmem>>
      %dma_wait3A_93 = arith.constant 256 : i32
      %dma_wait3A_94 = tpu.memref_slice %arg5[%dma_wait3A_93] : memref<1024xi32, #tpu.memory_space<vmem>> -> memref<128xi32, #tpu.memory_space<vmem>>
      %dma_wait3A_95 = arith.constant 0 : i32
      %dma_wait3A_96 = arith.constant 0 : i32
      %dma_wait3A_97 = tpu.memref_slice %arg2[%dma_wait3A_95, %dma_wait3A_96] : memref<8192x16xf32, #tpu.memory_space<hbm>> -> memref<8192x16xf32, #tpu.memory_space<hbm>>
      tpu.wait_indirect_dma semaphore(%arg7 : memref<!tpu.dma_semaphore, #tpu.memory_space<semaphore_mem>>) src(%dma_wait3A_97 : memref<8192x16xf32, #tpu.memory_space<hbm>>) dst(%dma_wait3A_92 : memref<128x16xf32, #tpu.memory_space<vmem>>)
      %dma_wait3A_98 = arith.constant 384 : i32
      %dma_wait3A_99 = arith.constant 0 : i32
      %dma_wait3A_100 = tpu.memref_slice %arg6[%dma_wait3A_98, %dma_wait3A_99] : memref<1024x16xf32, #tpu.memory_space<vmem>> -> memref<128x16xf32, #tpu.memory_space<vmem>>
      %dma_wait3A_101 = arith.constant 384 : i32
      %dma_wait3A_102 = tpu.memref_slice %arg5[%dma_wait3A_101] : memref<1024xi32, #tpu.memory_space<vmem>> -> memref<128xi32, #tpu.memory_space<vmem>>
      %dma_wait3A_103 = arith.constant 0 : i32
      %dma_wait3A_104 = arith.constant 0 : i32
      %dma_wait3A_105 = tpu.memref_slice %arg2[%dma_wait3A_103, %dma_wait3A_104] : memref<8192x16xf32, #tpu.memory_space<hbm>> -> memref<8192x16xf32, #tpu.memory_space<hbm>>
      tpu.wait_indirect_dma semaphore(%arg7 : memref<!tpu.dma_semaphore, #tpu.memory_space<semaphore_mem>>) src(%dma_wait3A_105 : memref<8192x16xf32, #tpu.memory_space<hbm>>) dst(%dma_wait3A_100 : memref<128x16xf32, #tpu.memory_space<vmem>>)
      %dma_wait3A_106 = arith.constant 512 : i32
      %dma_wait3A_107 = arith.constant 0 : i32
      %dma_wait3A_108 = tpu.memref_slice %arg6[%dma_wait3A_106, %dma_wait3A_107] : memref<1024x16xf32, #tpu.memory_space<vmem>> -> memref<128x16xf32, #tpu.memory_space<vmem>>
      %dma_wait3A_109 = arith.constant 512 : i32
      %dma_wait3A_110 = tpu.memref_slice %arg5[%dma_wait3A_109] : memref<1024xi32, #tpu.memory_space<vmem>> -> memref<128xi32, #tpu.memory_space<vmem>>
      %dma_wait3A_111 = arith.constant 0 : i32
      %dma_wait3A_112 = arith.constant 0 : i32
      %dma_wait3A_113 = tpu.memref_slice %arg2[%dma_wait3A_111, %dma_wait3A_112] : memref<8192x16xf32, #tpu.memory_space<hbm>> -> memref<8192x16xf32, #tpu.memory_space<hbm>>
      tpu.wait_indirect_dma semaphore(%arg7 : memref<!tpu.dma_semaphore, #tpu.memory_space<semaphore_mem>>) src(%dma_wait3A_113 : memref<8192x16xf32, #tpu.memory_space<hbm>>) dst(%dma_wait3A_108 : memref<128x16xf32, #tpu.memory_space<vmem>>)
      %dma_wait3A_114 = arith.constant 640 : i32
      %dma_wait3A_115 = arith.constant 0 : i32
      %dma_wait3A_116 = tpu.memref_slice %arg6[%dma_wait3A_114, %dma_wait3A_115] : memref<1024x16xf32, #tpu.memory_space<vmem>> -> memref<128x16xf32, #tpu.memory_space<vmem>>
      %dma_wait3A_117 = arith.constant 640 : i32
      %dma_wait3A_118 = tpu.memref_slice %arg5[%dma_wait3A_117] : memref<1024xi32, #tpu.memory_space<vmem>> -> memref<128xi32, #tpu.memory_space<vmem>>
      %dma_wait3A_119 = arith.constant 0 : i32
      %dma_wait3A_120 = arith.constant 0 : i32
      %dma_wait3A_121 = tpu.memref_slice %arg2[%dma_wait3A_119, %dma_wait3A_120] : memref<8192x16xf32, #tpu.memory_space<hbm>> -> memref<8192x16xf32, #tpu.memory_space<hbm>>
      tpu.wait_indirect_dma semaphore(%arg7 : memref<!tpu.dma_semaphore, #tpu.memory_space<semaphore_mem>>) src(%dma_wait3A_121 : memref<8192x16xf32, #tpu.memory_space<hbm>>) dst(%dma_wait3A_116 : memref<128x16xf32, #tpu.memory_space<vmem>>)
      %dma_wait3A_122 = arith.constant 768 : i32
      %dma_wait3A_123 = arith.constant 0 : i32
      %dma_wait3A_124 = tpu.memref_slice %arg6[%dma_wait3A_122, %dma_wait3A_123] : memref<1024x16xf32, #tpu.memory_space<vmem>> -> memref<128x16xf32, #tpu.memory_space<vmem>>
      %dma_wait3A_125 = arith.constant 768 : i32
      %dma_wait3A_126 = tpu.memref_slice %arg5[%dma_wait3A_125] : memref<1024xi32, #tpu.memory_space<vmem>> -> memref<128xi32, #tpu.memory_space<vmem>>
      %dma_wait3A_127 = arith.constant 0 : i32
      %dma_wait3A_128 = arith.constant 0 : i32
      %dma_wait3A_129 = tpu.memref_slice %arg2[%dma_wait3A_127, %dma_wait3A_128] : memref<8192x16xf32, #tpu.memory_space<hbm>> -> memref<8192x16xf32, #tpu.memory_space<hbm>>
      tpu.wait_indirect_dma semaphore(%arg7 : memref<!tpu.dma_semaphore, #tpu.memory_space<semaphore_mem>>) src(%dma_wait3A_129 : memref<8192x16xf32, #tpu.memory_space<hbm>>) dst(%dma_wait3A_124 : memref<128x16xf32, #tpu.memory_space<vmem>>)
      %dma_wait3A_130 = arith.constant 896 : i32
      %dma_wait3A_131 = arith.constant 0 : i32
      %dma_wait3A_132 = tpu.memref_slice %arg6[%dma_wait3A_130, %dma_wait3A_131] : memref<1024x16xf32, #tpu.memory_space<vmem>> -> memref<128x16xf32, #tpu.memory_space<vmem>>
      %dma_wait3A_133 = arith.constant 896 : i32
      %dma_wait3A_134 = tpu.memref_slice %arg5[%dma_wait3A_133] : memref<1024xi32, #tpu.memory_space<vmem>> -> memref<128xi32, #tpu.memory_space<vmem>>
      %dma_wait3A_135 = arith.constant 0 : i32
      %dma_wait3A_136 = arith.constant 0 : i32
      %dma_wait3A_137 = tpu.memref_slice %arg2[%dma_wait3A_135, %dma_wait3A_136] : memref<8192x16xf32, #tpu.memory_space<hbm>> -> memref<8192x16xf32, #tpu.memory_space<hbm>>
      tpu.wait_indirect_dma semaphore(%arg7 : memref<!tpu.dma_semaphore, #tpu.memory_space<semaphore_mem>>) src(%dma_wait3A_137 : memref<8192x16xf32, #tpu.memory_space<hbm>>) dst(%dma_wait3A_132 : memref<128x16xf32, #tpu.memory_space<vmem>>)
      "tpu.region"() ({
        %run_scoped3A = tpu.sem_alloc : memref<!tpu.dma_semaphore, #tpu.memory_space<semaphore_mem>>
        %dma_start3A_138 = arith.constant 0 : i32
        %dma_start3A_139 = tpu.memref_slice %arg4[%add3A_11, %dma_start3A_138] : memref<131072x16xf32, #tpu.memory_space<hbm>> -> memref<1024x16xf32, #tpu.memory_space<hbm>>
        %dma_start3A_140 = arith.constant 0 : i32
        %dma_start3A_141 = tpu.memref_slice %arg4[%add3A_11, %dma_start3A_140] : memref<131072x16xf32, #tpu.memory_space<hbm>> -> memref<1024x16xf32, #tpu.memory_space<hbm>>
        tpu.enqueue_dma source(%arg6 : memref<1024x16xf32, #tpu.memory_space<vmem>>) target(%dma_start3A_141 : memref<1024x16xf32, #tpu.memory_space<hbm>>) target_semaphore(%run_scoped3A : memref<!tpu.dma_semaphore, #tpu.memory_space<semaphore_mem>>)
        %dma_wait3A_142 = arith.constant 0 : i32
        %dma_wait3A_143 = tpu.memref_slice %arg4[%add3A_11, %dma_wait3A_142] : memref<131072x16xf32, #tpu.memory_space<hbm>> -> memref<1024x16xf32, #tpu.memory_space<hbm>>
        %dma_wait3A_144 = arith.constant 0 : i32
        %dma_wait3A_145 = tpu.memref_slice %arg4[%add3A_11, %dma_wait3A_144] : memref<131072x16xf32, #tpu.memory_space<hbm>> -> memref<1024x16xf32, #tpu.memory_space<hbm>>
        tpu.wait_dma2 semaphore(%run_scoped3A : memref<!tpu.dma_semaphore, #tpu.memory_space<semaphore_mem>>) src(%arg6 : memref<1024x16xf32, #tpu.memory_space<vmem>>) dst(%dma_wait3A_145 : memref<1024x16xf32, #tpu.memory_space<hbm>>)
        tpu.yield
      }) : () -> ()
    }
    %scan3A_7 = arith.constant 4 : i32
    return
  }
}

module attributes {stable_mosaic.version = 14 : i64} {
  func.func @_knn_body(%arg0: i32, %arg1: i32, %arg2: memref<1x256x8xf32, #tpu.memory_space<vmem>>, %arg3: memref<1x8x4096xf32, #tpu.memory_space<vmem>>, %arg4: memref<256x16xi32, #tpu.memory_space<vmem>>) attributes {dimension_semantics = [#tpu.dimension_semantics<arbitrary>, #tpu.dimension_semantics<arbitrary>], iteration_bounds = array<i64: 2, 16>, scalar_prefetch = 0 : i64, scratch_operands = 0 : i64, tpu.core_type = #tpu.core_type<tc>, window_params = [{transform_indices = @transform_0, window_bounds = array<i64: 1, 256, 8>}, {transform_indices = @transform_1, window_bounds = array<i64: 1, 8, 4096>}, {transform_indices = @transform_2, window_bounds = array<i64: 256, 16>}]} {
    %get3A = arith.constant 0 : index
    %get3A_0 = arith.constant 0 : index
    %get3A_1 = arith.constant 0 : index
    %get3A_2 = vector.load %arg2[%get3A, %get3A_0, %get3A_1] : memref<1x256x8xf32, #tpu.memory_space<vmem>>, vector<1x256x8xf32>
    %get3A_3 = vector.shape_cast %get3A_2 : vector<1x256x8xf32> to vector<256x8xf32>
    %get3A_4 = arith.constant 0 : index
    %get3A_5 = arith.constant 0 : index
    %get3A_6 = arith.constant 0 : index
    %get3A_7 = vector.load %arg3[%get3A_4, %get3A_5, %get3A_6] : memref<1x8x4096xf32, #tpu.memory_space<vmem>>, vector<1x8x4096xf32>
    %get3A_8 = vector.shape_cast %get3A_7 : vector<1x8x4096xf32> to vector<8x4096xf32>
    %slice3A = vector.extract_strided_slice %get3A_3 {offsets = [0, 0], sizes = [256, 1], strides = [1, 1]} : vector<256x8xf32> to vector<256x1xf32>
    %slice3A_9 = vector.extract_strided_slice %get3A_3 {offsets = [0, 1], sizes = [256, 1], strides = [1, 1]} : vector<256x8xf32> to vector<256x1xf32>
    %slice3A_10 = vector.extract_strided_slice %get3A_3 {offsets = [0, 2], sizes = [256, 1], strides = [1, 1]} : vector<256x8xf32> to vector<256x1xf32>
    %slice3A_11 = vector.extract_strided_slice %get3A_8 {offsets = [0, 0], sizes = [1, 4096], strides = [1, 1]} : vector<8x4096xf32> to vector<1x4096xf32>
    %slice3A_12 = vector.extract_strided_slice %get3A_8 {offsets = [1, 0], sizes = [1, 4096], strides = [1, 1]} : vector<8x4096xf32> to vector<1x4096xf32>
    %slice3A_13 = vector.extract_strided_slice %get3A_8 {offsets = [2, 0], sizes = [1, 4096], strides = [1, 1]} : vector<8x4096xf32> to vector<1x4096xf32>
    %mul3A = arith.mulf %slice3A, %slice3A : vector<256x1xf32>
    %mul3A_14 = arith.mulf %slice3A_9, %slice3A_9 : vector<256x1xf32>
    %add3A = arith.addf %mul3A, %mul3A_14 : vector<256x1xf32>
    %mul3A_15 = arith.mulf %slice3A_10, %slice3A_10 : vector<256x1xf32>
    %add3A_16 = arith.addf %add3A, %mul3A_15 : vector<256x1xf32>
    %mul3A_17 = arith.mulf %slice3A_11, %slice3A_11 : vector<1x4096xf32>
    %mul3A_18 = arith.mulf %slice3A_12, %slice3A_12 : vector<1x4096xf32>
    %add3A_19 = arith.addf %mul3A_17, %mul3A_18 : vector<1x4096xf32>
    %mul3A_20 = arith.mulf %slice3A_13, %slice3A_13 : vector<1x4096xf32>
    %add3A_21 = arith.addf %add3A_19, %mul3A_20 : vector<1x4096xf32>
    %dot_general3A = arith.constant dense<0.000000e+00> : vector<256x4096xf32>
    %dot_general3A_22 = tpu.matmul %get3A_3, %get3A_8, %dot_general3A {dimension_numbers = #tpu.dot_dimension_numbers<[1], [0], [0], [1], [0, 0, 1, 1], [], []>, transpose_lhs_hint = false} : vector<256x8xf32>, vector<8x4096xf32>, vector<256x4096xf32> -> vector<256x4096xf32>
    %add3A_23 = vector.broadcast %add3A_16 : vector<256x1xf32> to vector<256x4096xf32>
    %add3A_24 = vector.broadcast %add3A_21 : vector<1x4096xf32> to vector<256x4096xf32>
    %add3A_25 = arith.addf %add3A_23, %add3A_24 : vector<256x4096xf32>
    %mul3A_26 = arith.constant 2.000000e+00 : f32
    %mul3A_27 = vector.broadcast %mul3A_26 : f32 to vector<256x4096xf32>
    %mul3A_28 = arith.mulf %mul3A_27, %dot_general3A_22 : vector<256x4096xf32>
    %sub3A = arith.subf %add3A_25, %mul3A_28 : vector<256x4096xf32>
    %max3A = arith.constant 0.000000e+00 : f32
    %max3A_29 = vector.broadcast %max3A : f32 to vector<256x4096xf32>
    %max3A_30 = arith.maximumf %sub3A, %max3A_29 : vector<256x4096xf32>
    %iota3A = tpu.iota {dimensions = array<i32: 1>} : vector<256x4096xi32>
    %convert_element_type3A = arith.sitofp %iota3A : vector<256x4096xi32> to vector<256x4096xf32>
    %reduce_min3A = arith.constant dense<0x7F800000> : vector<256xf32>
    %reduce_min3A_31 = vector.multi_reduction <minimumf>, %max3A_30, %reduce_min3A [1] : vector<256x4096xf32> to vector<256xf32>
    %broadcast_in_dim3A = vector.shape_cast %reduce_min3A_31 : vector<256xf32> to vector<256x1xf32>
    %eq3A = vector.broadcast %broadcast_in_dim3A : vector<256x1xf32> to vector<256x4096xf32>
    %eq3A_32 = arith.cmpf oeq, %max3A_30, %eq3A : vector<256x4096xf32>
    %jit3A = arith.constant 4.096000e+03 : f32
    %broadcast_in_dim3A_33 = vector.broadcast %jit3A : f32 to vector<256x4096xf32>
    %select_n3A = arith.select %eq3A_32, %convert_element_type3A, %broadcast_in_dim3A_33 : vector<256x4096xi1>, vector<256x4096xf32>
    %reduce_min3A_34 = arith.constant dense<0x7F800000> : vector<256xf32>
    %reduce_min3A_35 = vector.multi_reduction <minimumf>, %select_n3A, %reduce_min3A_34 [1] : vector<256x4096xf32> to vector<256xf32>
    %broadcast_in_dim3A_36 = vector.shape_cast %reduce_min3A_35 : vector<256xf32> to vector<256x1xf32>
    %eq3A_37 = vector.broadcast %broadcast_in_dim3A_36 : vector<256x1xf32> to vector<256x4096xf32>
    %eq3A_38 = arith.cmpf oeq, %convert_element_type3A, %eq3A_37 : vector<256x4096xf32>
    %jit3A_39 = arith.constant 0x7F800000 : f32
    %broadcast_in_dim3A_40 = vector.broadcast %jit3A_39 : f32 to vector<256x4096xf32>
    %select_n3A_41 = arith.select %eq3A_38, %broadcast_in_dim3A_40, %max3A_30 : vector<256x4096xi1>, vector<256x4096xf32>
    %reduce_min3A_42 = arith.constant dense<0x7F800000> : vector<256xf32>
    %reduce_min3A_43 = vector.multi_reduction <minimumf>, %select_n3A_41, %reduce_min3A_42 [1] : vector<256x4096xf32> to vector<256xf32>
    %broadcast_in_dim3A_44 = vector.shape_cast %reduce_min3A_43 : vector<256xf32> to vector<256x1xf32>
    %eq3A_45 = vector.broadcast %broadcast_in_dim3A_44 : vector<256x1xf32> to vector<256x4096xf32>
    %eq3A_46 = arith.cmpf oeq, %select_n3A_41, %eq3A_45 : vector<256x4096xf32>
    %jit3A_47 = arith.constant 4.096000e+03 : f32
    %broadcast_in_dim3A_48 = vector.broadcast %jit3A_47 : f32 to vector<256x4096xf32>
    %select_n3A_49 = arith.select %eq3A_46, %convert_element_type3A, %broadcast_in_dim3A_48 : vector<256x4096xi1>, vector<256x4096xf32>
    %reduce_min3A_50 = arith.constant dense<0x7F800000> : vector<256xf32>
    %reduce_min3A_51 = vector.multi_reduction <minimumf>, %select_n3A_49, %reduce_min3A_50 [1] : vector<256x4096xf32> to vector<256xf32>
    %broadcast_in_dim3A_52 = vector.shape_cast %reduce_min3A_51 : vector<256xf32> to vector<256x1xf32>
    %eq3A_53 = vector.broadcast %broadcast_in_dim3A_52 : vector<256x1xf32> to vector<256x4096xf32>
    %eq3A_54 = arith.cmpf oeq, %convert_element_type3A, %eq3A_53 : vector<256x4096xf32>
    %jit3A_55 = arith.constant 0x7F800000 : f32
    %broadcast_in_dim3A_56 = vector.broadcast %jit3A_55 : f32 to vector<256x4096xf32>
    %select_n3A_57 = arith.select %eq3A_54, %broadcast_in_dim3A_56, %select_n3A_41 : vector<256x4096xi1>, vector<256x4096xf32>
    %reduce_min3A_58 = arith.constant dense<0x7F800000> : vector<256xf32>
    %reduce_min3A_59 = vector.multi_reduction <minimumf>, %select_n3A_57, %reduce_min3A_58 [1] : vector<256x4096xf32> to vector<256xf32>
    %broadcast_in_dim3A_60 = vector.shape_cast %reduce_min3A_59 : vector<256xf32> to vector<256x1xf32>
    %eq3A_61 = vector.broadcast %broadcast_in_dim3A_60 : vector<256x1xf32> to vector<256x4096xf32>
    %eq3A_62 = arith.cmpf oeq, %select_n3A_57, %eq3A_61 : vector<256x4096xf32>
    %jit3A_63 = arith.constant 4.096000e+03 : f32
    %broadcast_in_dim3A_64 = vector.broadcast %jit3A_63 : f32 to vector<256x4096xf32>
    %select_n3A_65 = arith.select %eq3A_62, %convert_element_type3A, %broadcast_in_dim3A_64 : vector<256x4096xi1>, vector<256x4096xf32>
    %reduce_min3A_66 = arith.constant dense<0x7F800000> : vector<256xf32>
    %reduce_min3A_67 = vector.multi_reduction <minimumf>, %select_n3A_65, %reduce_min3A_66 [1] : vector<256x4096xf32> to vector<256xf32>
    %broadcast_in_dim3A_68 = vector.shape_cast %reduce_min3A_67 : vector<256xf32> to vector<256x1xf32>
    %eq3A_69 = vector.broadcast %broadcast_in_dim3A_68 : vector<256x1xf32> to vector<256x4096xf32>
    %eq3A_70 = arith.cmpf oeq, %convert_element_type3A, %eq3A_69 : vector<256x4096xf32>
    %jit3A_71 = arith.constant 0x7F800000 : f32
    %broadcast_in_dim3A_72 = vector.broadcast %jit3A_71 : f32 to vector<256x4096xf32>
    %select_n3A_73 = arith.select %eq3A_70, %broadcast_in_dim3A_72, %select_n3A_57 : vector<256x4096xi1>, vector<256x4096xf32>
    %reduce_min3A_74 = arith.constant dense<0x7F800000> : vector<256xf32>
    %reduce_min3A_75 = vector.multi_reduction <minimumf>, %select_n3A_73, %reduce_min3A_74 [1] : vector<256x4096xf32> to vector<256xf32>
    %broadcast_in_dim3A_76 = vector.shape_cast %reduce_min3A_75 : vector<256xf32> to vector<256x1xf32>
    %eq3A_77 = vector.broadcast %broadcast_in_dim3A_76 : vector<256x1xf32> to vector<256x4096xf32>
    %eq3A_78 = arith.cmpf oeq, %select_n3A_73, %eq3A_77 : vector<256x4096xf32>
    %jit3A_79 = arith.constant 4.096000e+03 : f32
    %broadcast_in_dim3A_80 = vector.broadcast %jit3A_79 : f32 to vector<256x4096xf32>
    %select_n3A_81 = arith.select %eq3A_78, %convert_element_type3A, %broadcast_in_dim3A_80 : vector<256x4096xi1>, vector<256x4096xf32>
    %reduce_min3A_82 = arith.constant dense<0x7F800000> : vector<256xf32>
    %reduce_min3A_83 = vector.multi_reduction <minimumf>, %select_n3A_81, %reduce_min3A_82 [1] : vector<256x4096xf32> to vector<256xf32>
    %broadcast_in_dim3A_84 = vector.shape_cast %reduce_min3A_83 : vector<256xf32> to vector<256x1xf32>
    %eq3A_85 = vector.broadcast %broadcast_in_dim3A_84 : vector<256x1xf32> to vector<256x4096xf32>
    %eq3A_86 = arith.cmpf oeq, %convert_element_type3A, %eq3A_85 : vector<256x4096xf32>
    %jit3A_87 = arith.constant 0x7F800000 : f32
    %broadcast_in_dim3A_88 = vector.broadcast %jit3A_87 : f32 to vector<256x4096xf32>
    %select_n3A_89 = arith.select %eq3A_86, %broadcast_in_dim3A_88, %select_n3A_73 : vector<256x4096xi1>, vector<256x4096xf32>
    %reduce_min3A_90 = arith.constant dense<0x7F800000> : vector<256xf32>
    %reduce_min3A_91 = vector.multi_reduction <minimumf>, %select_n3A_89, %reduce_min3A_90 [1] : vector<256x4096xf32> to vector<256xf32>
    %broadcast_in_dim3A_92 = vector.shape_cast %reduce_min3A_91 : vector<256xf32> to vector<256x1xf32>
    %eq3A_93 = vector.broadcast %broadcast_in_dim3A_92 : vector<256x1xf32> to vector<256x4096xf32>
    %eq3A_94 = arith.cmpf oeq, %select_n3A_89, %eq3A_93 : vector<256x4096xf32>
    %jit3A_95 = arith.constant 4.096000e+03 : f32
    %broadcast_in_dim3A_96 = vector.broadcast %jit3A_95 : f32 to vector<256x4096xf32>
    %select_n3A_97 = arith.select %eq3A_94, %convert_element_type3A, %broadcast_in_dim3A_96 : vector<256x4096xi1>, vector<256x4096xf32>
    %reduce_min3A_98 = arith.constant dense<0x7F800000> : vector<256xf32>
    %reduce_min3A_99 = vector.multi_reduction <minimumf>, %select_n3A_97, %reduce_min3A_98 [1] : vector<256x4096xf32> to vector<256xf32>
    %broadcast_in_dim3A_100 = vector.shape_cast %reduce_min3A_99 : vector<256xf32> to vector<256x1xf32>
    %eq3A_101 = vector.broadcast %broadcast_in_dim3A_100 : vector<256x1xf32> to vector<256x4096xf32>
    %eq3A_102 = arith.cmpf oeq, %convert_element_type3A, %eq3A_101 : vector<256x4096xf32>
    %jit3A_103 = arith.constant 0x7F800000 : f32
    %broadcast_in_dim3A_104 = vector.broadcast %jit3A_103 : f32 to vector<256x4096xf32>
    %select_n3A_105 = arith.select %eq3A_102, %broadcast_in_dim3A_104, %select_n3A_89 : vector<256x4096xi1>, vector<256x4096xf32>
    %reduce_min3A_106 = arith.constant dense<0x7F800000> : vector<256xf32>
    %reduce_min3A_107 = vector.multi_reduction <minimumf>, %select_n3A_105, %reduce_min3A_106 [1] : vector<256x4096xf32> to vector<256xf32>
    %broadcast_in_dim3A_108 = vector.shape_cast %reduce_min3A_107 : vector<256xf32> to vector<256x1xf32>
    %eq3A_109 = vector.broadcast %broadcast_in_dim3A_108 : vector<256x1xf32> to vector<256x4096xf32>
    %eq3A_110 = arith.cmpf oeq, %select_n3A_105, %eq3A_109 : vector<256x4096xf32>
    %jit3A_111 = arith.constant 4.096000e+03 : f32
    %broadcast_in_dim3A_112 = vector.broadcast %jit3A_111 : f32 to vector<256x4096xf32>
    %select_n3A_113 = arith.select %eq3A_110, %convert_element_type3A, %broadcast_in_dim3A_112 : vector<256x4096xi1>, vector<256x4096xf32>
    %reduce_min3A_114 = arith.constant dense<0x7F800000> : vector<256xf32>
    %reduce_min3A_115 = vector.multi_reduction <minimumf>, %select_n3A_113, %reduce_min3A_114 [1] : vector<256x4096xf32> to vector<256xf32>
    %broadcast_in_dim3A_116 = vector.shape_cast %reduce_min3A_115 : vector<256xf32> to vector<256x1xf32>
    %eq3A_117 = vector.broadcast %broadcast_in_dim3A_116 : vector<256x1xf32> to vector<256x4096xf32>
    %eq3A_118 = arith.cmpf oeq, %convert_element_type3A, %eq3A_117 : vector<256x4096xf32>
    %jit3A_119 = arith.constant 0x7F800000 : f32
    %broadcast_in_dim3A_120 = vector.broadcast %jit3A_119 : f32 to vector<256x4096xf32>
    %select_n3A_121 = arith.select %eq3A_118, %broadcast_in_dim3A_120, %select_n3A_105 : vector<256x4096xi1>, vector<256x4096xf32>
    %reduce_min3A_122 = arith.constant dense<0x7F800000> : vector<256xf32>
    %reduce_min3A_123 = vector.multi_reduction <minimumf>, %select_n3A_121, %reduce_min3A_122 [1] : vector<256x4096xf32> to vector<256xf32>
    %broadcast_in_dim3A_124 = vector.shape_cast %reduce_min3A_123 : vector<256xf32> to vector<256x1xf32>
    %eq3A_125 = vector.broadcast %broadcast_in_dim3A_124 : vector<256x1xf32> to vector<256x4096xf32>
    %eq3A_126 = arith.cmpf oeq, %select_n3A_121, %eq3A_125 : vector<256x4096xf32>
    %jit3A_127 = arith.constant 4.096000e+03 : f32
    %broadcast_in_dim3A_128 = vector.broadcast %jit3A_127 : f32 to vector<256x4096xf32>
    %select_n3A_129 = arith.select %eq3A_126, %convert_element_type3A, %broadcast_in_dim3A_128 : vector<256x4096xi1>, vector<256x4096xf32>
    %reduce_min3A_130 = arith.constant dense<0x7F800000> : vector<256xf32>
    %reduce_min3A_131 = vector.multi_reduction <minimumf>, %select_n3A_129, %reduce_min3A_130 [1] : vector<256x4096xf32> to vector<256xf32>
    %broadcast_in_dim3A_132 = vector.shape_cast %reduce_min3A_131 : vector<256xf32> to vector<256x1xf32>
    %eq3A_133 = vector.broadcast %broadcast_in_dim3A_132 : vector<256x1xf32> to vector<256x4096xf32>
    %eq3A_134 = arith.cmpf oeq, %convert_element_type3A, %eq3A_133 : vector<256x4096xf32>
    %jit3A_135 = arith.constant 0x7F800000 : f32
    %broadcast_in_dim3A_136 = vector.broadcast %jit3A_135 : f32 to vector<256x4096xf32>
    %select_n3A_137 = arith.select %eq3A_134, %broadcast_in_dim3A_136, %select_n3A_121 : vector<256x4096xi1>, vector<256x4096xf32>
    %reduce_min3A_138 = arith.constant dense<0x7F800000> : vector<256xf32>
    %reduce_min3A_139 = vector.multi_reduction <minimumf>, %select_n3A_137, %reduce_min3A_138 [1] : vector<256x4096xf32> to vector<256xf32>
    %broadcast_in_dim3A_140 = vector.shape_cast %reduce_min3A_139 : vector<256xf32> to vector<256x1xf32>
    %eq3A_141 = vector.broadcast %broadcast_in_dim3A_140 : vector<256x1xf32> to vector<256x4096xf32>
    %eq3A_142 = arith.cmpf oeq, %select_n3A_137, %eq3A_141 : vector<256x4096xf32>
    %jit3A_143 = arith.constant 4.096000e+03 : f32
    %broadcast_in_dim3A_144 = vector.broadcast %jit3A_143 : f32 to vector<256x4096xf32>
    %select_n3A_145 = arith.select %eq3A_142, %convert_element_type3A, %broadcast_in_dim3A_144 : vector<256x4096xi1>, vector<256x4096xf32>
    %reduce_min3A_146 = arith.constant dense<0x7F800000> : vector<256xf32>
    %reduce_min3A_147 = vector.multi_reduction <minimumf>, %select_n3A_145, %reduce_min3A_146 [1] : vector<256x4096xf32> to vector<256xf32>
    %broadcast_in_dim3A_148 = vector.shape_cast %reduce_min3A_147 : vector<256xf32> to vector<256x1xf32>
    %eq3A_149 = vector.broadcast %broadcast_in_dim3A_148 : vector<256x1xf32> to vector<256x4096xf32>
    %eq3A_150 = arith.cmpf oeq, %convert_element_type3A, %eq3A_149 : vector<256x4096xf32>
    %jit3A_151 = arith.constant 0x7F800000 : f32
    %broadcast_in_dim3A_152 = vector.broadcast %jit3A_151 : f32 to vector<256x4096xf32>
    %select_n3A_153 = arith.select %eq3A_150, %broadcast_in_dim3A_152, %select_n3A_137 : vector<256x4096xi1>, vector<256x4096xf32>
    %reduce_min3A_154 = arith.constant dense<0x7F800000> : vector<256xf32>
    %reduce_min3A_155 = vector.multi_reduction <minimumf>, %select_n3A_153, %reduce_min3A_154 [1] : vector<256x4096xf32> to vector<256xf32>
    %broadcast_in_dim3A_156 = vector.shape_cast %reduce_min3A_155 : vector<256xf32> to vector<256x1xf32>
    %eq3A_157 = vector.broadcast %broadcast_in_dim3A_156 : vector<256x1xf32> to vector<256x4096xf32>
    %eq3A_158 = arith.cmpf oeq, %select_n3A_153, %eq3A_157 : vector<256x4096xf32>
    %jit3A_159 = arith.constant 4.096000e+03 : f32
    %broadcast_in_dim3A_160 = vector.broadcast %jit3A_159 : f32 to vector<256x4096xf32>
    %select_n3A_161 = arith.select %eq3A_158, %convert_element_type3A, %broadcast_in_dim3A_160 : vector<256x4096xi1>, vector<256x4096xf32>
    %reduce_min3A_162 = arith.constant dense<0x7F800000> : vector<256xf32>
    %reduce_min3A_163 = vector.multi_reduction <minimumf>, %select_n3A_161, %reduce_min3A_162 [1] : vector<256x4096xf32> to vector<256xf32>
    %broadcast_in_dim3A_164 = vector.shape_cast %reduce_min3A_163 : vector<256xf32> to vector<256x1xf32>
    %eq3A_165 = vector.broadcast %broadcast_in_dim3A_164 : vector<256x1xf32> to vector<256x4096xf32>
    %eq3A_166 = arith.cmpf oeq, %convert_element_type3A, %eq3A_165 : vector<256x4096xf32>
    %jit3A_167 = arith.constant 0x7F800000 : f32
    %broadcast_in_dim3A_168 = vector.broadcast %jit3A_167 : f32 to vector<256x4096xf32>
    %select_n3A_169 = arith.select %eq3A_166, %broadcast_in_dim3A_168, %select_n3A_153 : vector<256x4096xi1>, vector<256x4096xf32>
    %reduce_min3A_170 = arith.constant dense<0x7F800000> : vector<256xf32>
    %reduce_min3A_171 = vector.multi_reduction <minimumf>, %select_n3A_169, %reduce_min3A_170 [1] : vector<256x4096xf32> to vector<256xf32>
    %broadcast_in_dim3A_172 = vector.shape_cast %reduce_min3A_171 : vector<256xf32> to vector<256x1xf32>
    %eq3A_173 = vector.broadcast %broadcast_in_dim3A_172 : vector<256x1xf32> to vector<256x4096xf32>
    %eq3A_174 = arith.cmpf oeq, %select_n3A_169, %eq3A_173 : vector<256x4096xf32>
    %jit3A_175 = arith.constant 4.096000e+03 : f32
    %broadcast_in_dim3A_176 = vector.broadcast %jit3A_175 : f32 to vector<256x4096xf32>
    %select_n3A_177 = arith.select %eq3A_174, %convert_element_type3A, %broadcast_in_dim3A_176 : vector<256x4096xi1>, vector<256x4096xf32>
    %reduce_min3A_178 = arith.constant dense<0x7F800000> : vector<256xf32>
    %reduce_min3A_179 = vector.multi_reduction <minimumf>, %select_n3A_177, %reduce_min3A_178 [1] : vector<256x4096xf32> to vector<256xf32>
    %broadcast_in_dim3A_180 = vector.shape_cast %reduce_min3A_179 : vector<256xf32> to vector<256x1xf32>
    %eq3A_181 = vector.broadcast %broadcast_in_dim3A_180 : vector<256x1xf32> to vector<256x4096xf32>
    %eq3A_182 = arith.cmpf oeq, %convert_element_type3A, %eq3A_181 : vector<256x4096xf32>
    %jit3A_183 = arith.constant 0x7F800000 : f32
    %broadcast_in_dim3A_184 = vector.broadcast %jit3A_183 : f32 to vector<256x4096xf32>
    %select_n3A_185 = arith.select %eq3A_182, %broadcast_in_dim3A_184, %select_n3A_169 : vector<256x4096xi1>, vector<256x4096xf32>
    %reduce_min3A_186 = arith.constant dense<0x7F800000> : vector<256xf32>
    %reduce_min3A_187 = vector.multi_reduction <minimumf>, %select_n3A_185, %reduce_min3A_186 [1] : vector<256x4096xf32> to vector<256xf32>
    %broadcast_in_dim3A_188 = vector.shape_cast %reduce_min3A_187 : vector<256xf32> to vector<256x1xf32>
    %eq3A_189 = vector.broadcast %broadcast_in_dim3A_188 : vector<256x1xf32> to vector<256x4096xf32>
    %eq3A_190 = arith.cmpf oeq, %select_n3A_185, %eq3A_189 : vector<256x4096xf32>
    %jit3A_191 = arith.constant 4.096000e+03 : f32
    %broadcast_in_dim3A_192 = vector.broadcast %jit3A_191 : f32 to vector<256x4096xf32>
    %select_n3A_193 = arith.select %eq3A_190, %convert_element_type3A, %broadcast_in_dim3A_192 : vector<256x4096xi1>, vector<256x4096xf32>
    %reduce_min3A_194 = arith.constant dense<0x7F800000> : vector<256xf32>
    %reduce_min3A_195 = vector.multi_reduction <minimumf>, %select_n3A_193, %reduce_min3A_194 [1] : vector<256x4096xf32> to vector<256xf32>
    %broadcast_in_dim3A_196 = vector.shape_cast %reduce_min3A_195 : vector<256xf32> to vector<256x1xf32>
    %eq3A_197 = vector.broadcast %broadcast_in_dim3A_196 : vector<256x1xf32> to vector<256x4096xf32>
    %eq3A_198 = arith.cmpf oeq, %convert_element_type3A, %eq3A_197 : vector<256x4096xf32>
    %jit3A_199 = arith.constant 0x7F800000 : f32
    %broadcast_in_dim3A_200 = vector.broadcast %jit3A_199 : f32 to vector<256x4096xf32>
    %select_n3A_201 = arith.select %eq3A_198, %broadcast_in_dim3A_200, %select_n3A_185 : vector<256x4096xi1>, vector<256x4096xf32>
    %reduce_min3A_202 = arith.constant dense<0x7F800000> : vector<256xf32>
    %reduce_min3A_203 = vector.multi_reduction <minimumf>, %select_n3A_201, %reduce_min3A_202 [1] : vector<256x4096xf32> to vector<256xf32>
    %broadcast_in_dim3A_204 = vector.shape_cast %reduce_min3A_203 : vector<256xf32> to vector<256x1xf32>
    %eq3A_205 = vector.broadcast %broadcast_in_dim3A_204 : vector<256x1xf32> to vector<256x4096xf32>
    %eq3A_206 = arith.cmpf oeq, %select_n3A_201, %eq3A_205 : vector<256x4096xf32>
    %jit3A_207 = arith.constant 4.096000e+03 : f32
    %broadcast_in_dim3A_208 = vector.broadcast %jit3A_207 : f32 to vector<256x4096xf32>
    %select_n3A_209 = arith.select %eq3A_206, %convert_element_type3A, %broadcast_in_dim3A_208 : vector<256x4096xi1>, vector<256x4096xf32>
    %reduce_min3A_210 = arith.constant dense<0x7F800000> : vector<256xf32>
    %reduce_min3A_211 = vector.multi_reduction <minimumf>, %select_n3A_209, %reduce_min3A_210 [1] : vector<256x4096xf32> to vector<256xf32>
    %broadcast_in_dim3A_212 = vector.shape_cast %reduce_min3A_211 : vector<256xf32> to vector<256x1xf32>
    %eq3A_213 = vector.broadcast %broadcast_in_dim3A_212 : vector<256x1xf32> to vector<256x4096xf32>
    %eq3A_214 = arith.cmpf oeq, %convert_element_type3A, %eq3A_213 : vector<256x4096xf32>
    %jit3A_215 = arith.constant 0x7F800000 : f32
    %broadcast_in_dim3A_216 = vector.broadcast %jit3A_215 : f32 to vector<256x4096xf32>
    %select_n3A_217 = arith.select %eq3A_214, %broadcast_in_dim3A_216, %select_n3A_201 : vector<256x4096xi1>, vector<256x4096xf32>
    %reduce_min3A_218 = arith.constant dense<0x7F800000> : vector<256xf32>
    %reduce_min3A_219 = vector.multi_reduction <minimumf>, %select_n3A_217, %reduce_min3A_218 [1] : vector<256x4096xf32> to vector<256xf32>
    %broadcast_in_dim3A_220 = vector.shape_cast %reduce_min3A_219 : vector<256xf32> to vector<256x1xf32>
    %eq3A_221 = vector.broadcast %broadcast_in_dim3A_220 : vector<256x1xf32> to vector<256x4096xf32>
    %eq3A_222 = arith.cmpf oeq, %select_n3A_217, %eq3A_221 : vector<256x4096xf32>
    %jit3A_223 = arith.constant 4.096000e+03 : f32
    %broadcast_in_dim3A_224 = vector.broadcast %jit3A_223 : f32 to vector<256x4096xf32>
    %select_n3A_225 = arith.select %eq3A_222, %convert_element_type3A, %broadcast_in_dim3A_224 : vector<256x4096xi1>, vector<256x4096xf32>
    %reduce_min3A_226 = arith.constant dense<0x7F800000> : vector<256xf32>
    %reduce_min3A_227 = vector.multi_reduction <minimumf>, %select_n3A_225, %reduce_min3A_226 [1] : vector<256x4096xf32> to vector<256xf32>
    %broadcast_in_dim3A_228 = vector.shape_cast %reduce_min3A_227 : vector<256xf32> to vector<256x1xf32>
    %eq3A_229 = vector.broadcast %broadcast_in_dim3A_228 : vector<256x1xf32> to vector<256x4096xf32>
    %eq3A_230 = arith.cmpf oeq, %convert_element_type3A, %eq3A_229 : vector<256x4096xf32>
    %jit3A_231 = arith.constant 0x7F800000 : f32
    %broadcast_in_dim3A_232 = vector.broadcast %jit3A_231 : f32 to vector<256x4096xf32>
    %select_n3A_233 = arith.select %eq3A_230, %broadcast_in_dim3A_232, %select_n3A_217 : vector<256x4096xi1>, vector<256x4096xf32>
    %reduce_min3A_234 = arith.constant dense<0x7F800000> : vector<256xf32>
    %reduce_min3A_235 = vector.multi_reduction <minimumf>, %select_n3A_233, %reduce_min3A_234 [1] : vector<256x4096xf32> to vector<256xf32>
    %broadcast_in_dim3A_236 = vector.shape_cast %reduce_min3A_235 : vector<256xf32> to vector<256x1xf32>
    %eq3A_237 = vector.broadcast %broadcast_in_dim3A_236 : vector<256x1xf32> to vector<256x4096xf32>
    %eq3A_238 = arith.cmpf oeq, %select_n3A_233, %eq3A_237 : vector<256x4096xf32>
    %jit3A_239 = arith.constant 4.096000e+03 : f32
    %broadcast_in_dim3A_240 = vector.broadcast %jit3A_239 : f32 to vector<256x4096xf32>
    %select_n3A_241 = arith.select %eq3A_238, %convert_element_type3A, %broadcast_in_dim3A_240 : vector<256x4096xi1>, vector<256x4096xf32>
    %reduce_min3A_242 = arith.constant dense<0x7F800000> : vector<256xf32>
    %reduce_min3A_243 = vector.multi_reduction <minimumf>, %select_n3A_241, %reduce_min3A_242 [1] : vector<256x4096xf32> to vector<256xf32>
    %broadcast_in_dim3A_244 = vector.shape_cast %reduce_min3A_243 : vector<256xf32> to vector<256x1xf32>
    %eq3A_245 = vector.broadcast %broadcast_in_dim3A_244 : vector<256x1xf32> to vector<256x4096xf32>
    %eq3A_246 = arith.cmpf oeq, %convert_element_type3A, %eq3A_245 : vector<256x4096xf32>
    %jit3A_247 = arith.constant 0x7F800000 : f32
    %broadcast_in_dim3A_248 = vector.broadcast %jit3A_247 : f32 to vector<256x4096xf32>
    %select_n3A_249 = arith.select %eq3A_246, %broadcast_in_dim3A_248, %select_n3A_233 : vector<256x4096xi1>, vector<256x4096xf32>
    %reduce_min3A_250 = arith.constant dense<0x7F800000> : vector<256xf32>
    %reduce_min3A_251 = vector.multi_reduction <minimumf>, %select_n3A_249, %reduce_min3A_250 [1] : vector<256x4096xf32> to vector<256xf32>
    %broadcast_in_dim3A_252 = vector.shape_cast %reduce_min3A_251 : vector<256xf32> to vector<256x1xf32>
    %eq3A_253 = vector.broadcast %broadcast_in_dim3A_252 : vector<256x1xf32> to vector<256x4096xf32>
    %eq3A_254 = arith.cmpf oeq, %select_n3A_249, %eq3A_253 : vector<256x4096xf32>
    %jit3A_255 = arith.constant 4.096000e+03 : f32
    %broadcast_in_dim3A_256 = vector.broadcast %jit3A_255 : f32 to vector<256x4096xf32>
    %select_n3A_257 = arith.select %eq3A_254, %convert_element_type3A, %broadcast_in_dim3A_256 : vector<256x4096xi1>, vector<256x4096xf32>
    %reduce_min3A_258 = arith.constant dense<0x7F800000> : vector<256xf32>
    %reduce_min3A_259 = vector.multi_reduction <minimumf>, %select_n3A_257, %reduce_min3A_258 [1] : vector<256x4096xf32> to vector<256xf32>
    %broadcast_in_dim3A_260 = vector.shape_cast %reduce_min3A_259 : vector<256xf32> to vector<256x1xf32>
    %eq3A_261 = vector.broadcast %broadcast_in_dim3A_260 : vector<256x1xf32> to vector<256x4096xf32>
    %eq3A_262 = arith.cmpf oeq, %convert_element_type3A, %eq3A_261 : vector<256x4096xf32>
    %jit3A_263 = arith.constant 0x7F800000 : f32
    %broadcast_in_dim3A_264 = vector.broadcast %jit3A_263 : f32 to vector<256x4096xf32>
    %select_n3A_265 = arith.select %eq3A_262, %broadcast_in_dim3A_264, %select_n3A_249 : vector<256x4096xi1>, vector<256x4096xf32>
    %reduce_min3A_266 = arith.constant dense<0x7F800000> : vector<256xf32>
    %reduce_min3A_267 = vector.multi_reduction <minimumf>, %select_n3A_265, %reduce_min3A_266 [1] : vector<256x4096xf32> to vector<256xf32>
    %broadcast_in_dim3A_268 = vector.shape_cast %reduce_min3A_267 : vector<256xf32> to vector<256x1xf32>
    %eq3A_269 = vector.broadcast %broadcast_in_dim3A_268 : vector<256x1xf32> to vector<256x4096xf32>
    %eq3A_270 = arith.cmpf oeq, %select_n3A_265, %eq3A_269 : vector<256x4096xf32>
    %jit3A_271 = arith.constant 4.096000e+03 : f32
    %broadcast_in_dim3A_272 = vector.broadcast %jit3A_271 : f32 to vector<256x4096xf32>
    %select_n3A_273 = arith.select %eq3A_270, %convert_element_type3A, %broadcast_in_dim3A_272 : vector<256x4096xi1>, vector<256x4096xf32>
    %reduce_min3A_274 = arith.constant dense<0x7F800000> : vector<256xf32>
    %reduce_min3A_275 = vector.multi_reduction <minimumf>, %select_n3A_273, %reduce_min3A_274 [1] : vector<256x4096xf32> to vector<256xf32>
    %broadcast_in_dim3A_276 = vector.shape_cast %reduce_min3A_275 : vector<256xf32> to vector<256x1xf32>
    %concatenate3A = tpu.concatenate %broadcast_in_dim3A_36, %broadcast_in_dim3A_52, %broadcast_in_dim3A_68, %broadcast_in_dim3A_84, %broadcast_in_dim3A_100, %broadcast_in_dim3A_116, %broadcast_in_dim3A_132, %broadcast_in_dim3A_148, %broadcast_in_dim3A_164, %broadcast_in_dim3A_180, %broadcast_in_dim3A_196, %broadcast_in_dim3A_212, %broadcast_in_dim3A_228, %broadcast_in_dim3A_244, %broadcast_in_dim3A_260, %broadcast_in_dim3A_276 in 1 : vector<256x1xf32>, vector<256x1xf32>, vector<256x1xf32>, vector<256x1xf32>, vector<256x1xf32>, vector<256x1xf32>, vector<256x1xf32>, vector<256x1xf32>, vector<256x1xf32>, vector<256x1xf32>, vector<256x1xf32>, vector<256x1xf32>, vector<256x1xf32>, vector<256x1xf32>, vector<256x1xf32>, vector<256x1xf32> -> vector<256x16xf32>
    %convert_element_type3A_277 = arith.fptosi %concatenate3A : vector<256x16xf32> to vector<256x16xi32>
    %mul3A_278 = arith.constant 4096 : i32
    %mul3A_279 = arith.muli %arg0, %mul3A_278 : i32
    %add3A_280 = vector.broadcast %mul3A_279 : i32 to vector<256x16xi32>
    %add3A_281 = arith.addi %convert_element_type3A_277, %add3A_280 : vector<256x16xi32>
    %swap3A = arith.constant 0 : index
    %swap3A_282 = arith.constant 0 : index
    %swap3A_283 = vector.load %arg4[%swap3A, %swap3A_282] : memref<256x16xi32, #tpu.memory_space<vmem>>, vector<256x16xi32>
    tpu.vector_store %arg4[%swap3A, %swap3A_282], %add3A_281 {strides = array<i32>} : memref<256x16xi32, #tpu.memory_space<vmem>>, vector<256x16xi32>,
    return
  }
  func.func @transform_0(%arg0: i32, %arg1: i32) -> (i32, i32, i32) {
    %c0_i32 = arith.constant 0 : i32
    %c0_i32_0 = arith.constant 0 : i32
    return %arg0, %arg1, %c0_i32 : i32, i32, i32
  }
  func.func @transform_1(%arg0: i32, %arg1: i32) -> (i32, i32, i32) {
    %c0_i32 = arith.constant 0 : i32
    %c0_i32_0 = arith.constant 0 : i32
    %c0_i32_1 = arith.constant 0 : i32
    return %arg0, %c0_i32, %c0_i32_0 : i32, i32, i32
  }
  func.func @transform_2(%arg0: i32, %arg1: i32) -> (i32, i32) {
    %mul3A = arith.constant 16 : i32
    %mul3A_0 = arith.muli %arg0, %mul3A : i32
    %add3A = arith.addi %mul3A_0, %arg1 : i32
    %c0_i32 = arith.constant 0 : i32
    %c0_i32_1 = arith.constant 0 : i32
    return %add3A, %c0_i32 : i32, i32
  }
}

module attributes {stable_mosaic.version = 14 : i64} {
  func.func @_stats1_body(%arg0: i32, %arg1: memref<1024x16xf32, #tpu.memory_space<vmem>>, %arg2: memref<16x1024x16xf32, #tpu.memory_space<vmem>>, %arg3: memref<32x64xf32, #tpu.memory_space<vmem>>, %arg4: memref<1x64xf32, #tpu.memory_space<vmem>>, %arg5: memref<1x64xf32, #tpu.memory_space<vmem>>) attributes {dimension_semantics = [#tpu.dimension_semantics<arbitrary>], iteration_bounds = array<i64: 8>, scalar_prefetch = 0 : i64, scratch_operands = 0 : i64, tpu.core_type = #tpu.core_type<tc>, window_params = [{transform_indices = @transform_0, window_bounds = array<i64: 1024, 16>}, {transform_indices = @transform_1, window_bounds = array<i64: 16, 1024, 16>}, {pipeline_mode = #tpu.pipeline_mode<synchronous>, transform_indices = @transform_2, window_bounds = array<i64: 32, 64>}, {pipeline_mode = #tpu.pipeline_mode<synchronous>, transform_indices = @transform_3, window_bounds = array<i64: 1, 64>}, {pipeline_mode = #tpu.pipeline_mode<synchronous>, transform_indices = @transform_4, window_bounds = array<i64: 1, 64>}]} {
    %eq3A = arith.constant 0 : i32
    %eq3A_0 = arith.cmpi eq, %arg0, %eq3A : i32
    %convert_element_type3A = arith.extui %eq3A_0 : i1 to i32
    %cond3A = arith.constant 0 : i32
    %cond3A_1 = arith.cmpi ne, %convert_element_type3A, %cond3A : i32
    scf.if %cond3A_1 {
      %broadcast_in_dim3A_369 = arith.constant 0.000000e+00 : f32
      %broadcast_in_dim3A_370 = vector.broadcast %broadcast_in_dim3A_369 : f32 to vector<1x64xf32>
      %swap3A_371 = arith.constant 0 : index
      %swap3A_372 = arith.constant 0 : index
      %swap3A_373 = vector.load %arg4[%swap3A_371, %swap3A_372] : memref<1x64xf32, #tpu.memory_space<vmem>>, vector<1x64xf32>
      tpu.vector_store %arg4[%swap3A_371, %swap3A_372], %broadcast_in_dim3A_370 {strides = array<i32>} : memref<1x64xf32, #tpu.memory_space<vmem>>, vector<1x64xf32>,
      %broadcast_in_dim3A_374 = arith.constant 0.000000e+00 : f32
      %broadcast_in_dim3A_375 = vector.broadcast %broadcast_in_dim3A_374 : f32 to vector<1x64xf32>
      %swap3A_376 = arith.constant 0 : index
      %swap3A_377 = arith.constant 0 : index
      %swap3A_378 = vector.load %arg5[%swap3A_376, %swap3A_377] : memref<1x64xf32, #tpu.memory_space<vmem>>, vector<1x64xf32>
      tpu.vector_store %arg5[%swap3A_376, %swap3A_377], %broadcast_in_dim3A_375 {strides = array<i32>} : memref<1x64xf32, #tpu.memory_space<vmem>>, vector<1x64xf32>,
    } else {
    }
    %get3A = arith.constant 0 : index
    %get3A_2 = arith.constant 0 : index
    %get3A_3 = vector.load %arg1[%get3A, %get3A_2] : memref<1024x16xf32, #tpu.memory_space<vmem>>, vector<1024x16xf32>
    %get3A_4 = arith.constant 0 : index
    %get3A_5 = arith.constant 0 : index
    %get3A_6 = vector.load %arg3[%get3A_4, %get3A_5] : memref<32x64xf32, #tpu.memory_space<vmem>>, vector<32x64xf32>
    %broadcast_in_dim3A = arith.constant 0.000000e+00 : f32
    %broadcast_in_dim3A_7 = vector.broadcast %broadcast_in_dim3A : f32 to vector<1x64xf32>
    %broadcast_in_dim3A_8 = arith.constant 0.000000e+00 : f32
    %broadcast_in_dim3A_9 = vector.broadcast %broadcast_in_dim3A_8 : f32 to vector<1x64xf32>
    %get3A_10 = arith.constant 0 : index
    %get3A_11 = arith.constant 0 : index
    %get3A_12 = arith.constant 0 : index
    %get3A_13 = vector.load %arg2[%get3A_10, %get3A_11, %get3A_12] : memref<16x1024x16xf32, #tpu.memory_space<vmem>>, vector<1x1024x16xf32>
    %get3A_14 = vector.shape_cast %get3A_13 : vector<1x1024x16xf32> to vector<1024x16xf32>
    %sub3A = arith.subf %get3A_14, %get3A_3 : vector<1024x16xf32>
    %slice3A = vector.extract_strided_slice %get3A_6 {offsets = [0, 0], sizes = [16, 64], strides = [1, 1]} : vector<32x64xf32> to vector<16x64xf32>
    %dot_general3A = arith.constant dense<0.000000e+00> : vector<1024x64xf32>
    %dot_general3A_15 = tpu.matmul %get3A_3, %slice3A, %dot_general3A {dimension_numbers = #tpu.dot_dimension_numbers<[1], [0], [0], [1], [0, 0, 1, 1], [], []>, transpose_lhs_hint = false} : vector<1024x16xf32>, vector<16x64xf32>, vector<1024x64xf32> -> vector<1024x64xf32>
    %slice3A_16 = vector.extract_strided_slice %get3A_6 {offsets = [16, 0], sizes = [16, 64], strides = [1, 1]} : vector<32x64xf32> to vector<16x64xf32>
    %dot_general3A_17 = arith.constant dense<0.000000e+00> : vector<1024x64xf32>
    %dot_general3A_18 = tpu.matmul %sub3A, %slice3A_16, %dot_general3A_17 {dimension_numbers = #tpu.dot_dimension_numbers<[1], [0], [0], [1], [0, 0, 1, 1], [], []>, transpose_lhs_hint = false} : vector<1024x16xf32>, vector<16x64xf32>, vector<1024x64xf32> -> vector<1024x64xf32>
    %add3A = arith.addf %dot_general3A_15, %dot_general3A_18 : vector<1024x64xf32>
    %reduce_sum3A = arith.constant dense<0.000000e+00> : vector<64xf32>
    %reduce_sum3A_19 = vector.multi_reduction <add>, %add3A, %reduce_sum3A [0] : vector<1024x64xf32> to vector<64xf32>
    %broadcast_in_dim3A_20 = vector.shape_cast %reduce_sum3A_19 : vector<64xf32> to vector<1x64xf32>
    %add3A_21 = arith.addf %broadcast_in_dim3A_7, %broadcast_in_dim3A_20 : vector<1x64xf32>
    %mul3A = arith.mulf %add3A, %add3A : vector<1024x64xf32>
    %reduce_sum3A_22 = arith.constant dense<0.000000e+00> : vector<64xf32>
    %reduce_sum3A_23 = vector.multi_reduction <add>, %mul3A, %reduce_sum3A_22 [0] : vector<1024x64xf32> to vector<64xf32>
    %broadcast_in_dim3A_24 = vector.shape_cast %reduce_sum3A_23 : vector<64xf32> to vector<1x64xf32>
    %add3A_25 = arith.addf %broadcast_in_dim3A_9, %broadcast_in_dim3A_24 : vector<1x64xf32>
    %get3A_26 = arith.constant 1 : index
    %get3A_27 = arith.constant 0 : index
    %get3A_28 = arith.constant 0 : index
    %get3A_29 = vector.load %arg2[%get3A_26, %get3A_27, %get3A_28] : memref<16x1024x16xf32, #tpu.memory_space<vmem>>, vector<1x1024x16xf32>
    %get3A_30 = vector.shape_cast %get3A_29 : vector<1x1024x16xf32> to vector<1024x16xf32>
    %sub3A_31 = arith.subf %get3A_30, %get3A_3 : vector<1024x16xf32>
    %slice3A_32 = vector.extract_strided_slice %get3A_6 {offsets = [0, 0], sizes = [16, 64], strides = [1, 1]} : vector<32x64xf32> to vector<16x64xf32>
    %dot_general3A_33 = arith.constant dense<0.000000e+00> : vector<1024x64xf32>
    %dot_general3A_34 = tpu.matmul %get3A_3, %slice3A_32, %dot_general3A_33 {dimension_numbers = #tpu.dot_dimension_numbers<[1], [0], [0], [1], [0, 0, 1, 1], [], []>, transpose_lhs_hint = false} : vector<1024x16xf32>, vector<16x64xf32>, vector<1024x64xf32> -> vector<1024x64xf32>
    %slice3A_35 = vector.extract_strided_slice %get3A_6 {offsets = [16, 0], sizes = [16, 64], strides = [1, 1]} : vector<32x64xf32> to vector<16x64xf32>
    %dot_general3A_36 = arith.constant dense<0.000000e+00> : vector<1024x64xf32>
    %dot_general3A_37 = tpu.matmul %sub3A_31, %slice3A_35, %dot_general3A_36 {dimension_numbers = #tpu.dot_dimension_numbers<[1], [0], [0], [1], [0, 0, 1, 1], [], []>, transpose_lhs_hint = false} : vector<1024x16xf32>, vector<16x64xf32>, vector<1024x64xf32> -> vector<1024x64xf32>
    %add3A_38 = arith.addf %dot_general3A_34, %dot_general3A_37 : vector<1024x64xf32>
    %reduce_sum3A_39 = arith.constant dense<0.000000e+00> : vector<64xf32>
    %reduce_sum3A_40 = vector.multi_reduction <add>, %add3A_38, %reduce_sum3A_39 [0] : vector<1024x64xf32> to vector<64xf32>
    %broadcast_in_dim3A_41 = vector.shape_cast %reduce_sum3A_40 : vector<64xf32> to vector<1x64xf32>
    %add3A_42 = arith.addf %add3A_21, %broadcast_in_dim3A_41 : vector<1x64xf32>
    %mul3A_43 = arith.mulf %add3A_38, %add3A_38 : vector<1024x64xf32>
    %reduce_sum3A_44 = arith.constant dense<0.000000e+00> : vector<64xf32>
    %reduce_sum3A_45 = vector.multi_reduction <add>, %mul3A_43, %reduce_sum3A_44 [0] : vector<1024x64xf32> to vector<64xf32>
    %broadcast_in_dim3A_46 = vector.shape_cast %reduce_sum3A_45 : vector<64xf32> to vector<1x64xf32>
    %add3A_47 = arith.addf %add3A_25, %broadcast_in_dim3A_46 : vector<1x64xf32>
    %get3A_48 = arith.constant 2 : index
    %get3A_49 = arith.constant 0 : index
    %get3A_50 = arith.constant 0 : index
    %get3A_51 = vector.load %arg2[%get3A_48, %get3A_49, %get3A_50] : memref<16x1024x16xf32, #tpu.memory_space<vmem>>, vector<1x1024x16xf32>
    %get3A_52 = vector.shape_cast %get3A_51 : vector<1x1024x16xf32> to vector<1024x16xf32>
    %sub3A_53 = arith.subf %get3A_52, %get3A_3 : vector<1024x16xf32>
    %slice3A_54 = vector.extract_strided_slice %get3A_6 {offsets = [0, 0], sizes = [16, 64], strides = [1, 1]} : vector<32x64xf32> to vector<16x64xf32>
    %dot_general3A_55 = arith.constant dense<0.000000e+00> : vector<1024x64xf32>
    %dot_general3A_56 = tpu.matmul %get3A_3, %slice3A_54, %dot_general3A_55 {dimension_numbers = #tpu.dot_dimension_numbers<[1], [0], [0], [1], [0, 0, 1, 1], [], []>, transpose_lhs_hint = false} : vector<1024x16xf32>, vector<16x64xf32>, vector<1024x64xf32> -> vector<1024x64xf32>
    %slice3A_57 = vector.extract_strided_slice %get3A_6 {offsets = [16, 0], sizes = [16, 64], strides = [1, 1]} : vector<32x64xf32> to vector<16x64xf32>
    %dot_general3A_58 = arith.constant dense<0.000000e+00> : vector<1024x64xf32>
    %dot_general3A_59 = tpu.matmul %sub3A_53, %slice3A_57, %dot_general3A_58 {dimension_numbers = #tpu.dot_dimension_numbers<[1], [0], [0], [1], [0, 0, 1, 1], [], []>, transpose_lhs_hint = false} : vector<1024x16xf32>, vector<16x64xf32>, vector<1024x64xf32> -> vector<1024x64xf32>
    %add3A_60 = arith.addf %dot_general3A_56, %dot_general3A_59 : vector<1024x64xf32>
    %reduce_sum3A_61 = arith.constant dense<0.000000e+00> : vector<64xf32>
    %reduce_sum3A_62 = vector.multi_reduction <add>, %add3A_60, %reduce_sum3A_61 [0] : vector<1024x64xf32> to vector<64xf32>
    %broadcast_in_dim3A_63 = vector.shape_cast %reduce_sum3A_62 : vector<64xf32> to vector<1x64xf32>
    %add3A_64 = arith.addf %add3A_42, %broadcast_in_dim3A_63 : vector<1x64xf32>
    %mul3A_65 = arith.mulf %add3A_60, %add3A_60 : vector<1024x64xf32>
    %reduce_sum3A_66 = arith.constant dense<0.000000e+00> : vector<64xf32>
    %reduce_sum3A_67 = vector.multi_reduction <add>, %mul3A_65, %reduce_sum3A_66 [0] : vector<1024x64xf32> to vector<64xf32>
    %broadcast_in_dim3A_68 = vector.shape_cast %reduce_sum3A_67 : vector<64xf32> to vector<1x64xf32>
    %add3A_69 = arith.addf %add3A_47, %broadcast_in_dim3A_68 : vector<1x64xf32>
    %get3A_70 = arith.constant 3 : index
    %get3A_71 = arith.constant 0 : index
    %get3A_72 = arith.constant 0 : index
    %get3A_73 = vector.load %arg2[%get3A_70, %get3A_71, %get3A_72] : memref<16x1024x16xf32, #tpu.memory_space<vmem>>, vector<1x1024x16xf32>
    %get3A_74 = vector.shape_cast %get3A_73 : vector<1x1024x16xf32> to vector<1024x16xf32>
    %sub3A_75 = arith.subf %get3A_74, %get3A_3 : vector<1024x16xf32>
    %slice3A_76 = vector.extract_strided_slice %get3A_6 {offsets = [0, 0], sizes = [16, 64], strides = [1, 1]} : vector<32x64xf32> to vector<16x64xf32>
    %dot_general3A_77 = arith.constant dense<0.000000e+00> : vector<1024x64xf32>
    %dot_general3A_78 = tpu.matmul %get3A_3, %slice3A_76, %dot_general3A_77 {dimension_numbers = #tpu.dot_dimension_numbers<[1], [0], [0], [1], [0, 0, 1, 1], [], []>, transpose_lhs_hint = false} : vector<1024x16xf32>, vector<16x64xf32>, vector<1024x64xf32> -> vector<1024x64xf32>
    %slice3A_79 = vector.extract_strided_slice %get3A_6 {offsets = [16, 0], sizes = [16, 64], strides = [1, 1]} : vector<32x64xf32> to vector<16x64xf32>
    %dot_general3A_80 = arith.constant dense<0.000000e+00> : vector<1024x64xf32>
    %dot_general3A_81 = tpu.matmul %sub3A_75, %slice3A_79, %dot_general3A_80 {dimension_numbers = #tpu.dot_dimension_numbers<[1], [0], [0], [1], [0, 0, 1, 1], [], []>, transpose_lhs_hint = false} : vector<1024x16xf32>, vector<16x64xf32>, vector<1024x64xf32> -> vector<1024x64xf32>
    %add3A_82 = arith.addf %dot_general3A_78, %dot_general3A_81 : vector<1024x64xf32>
    %reduce_sum3A_83 = arith.constant dense<0.000000e+00> : vector<64xf32>
    %reduce_sum3A_84 = vector.multi_reduction <add>, %add3A_82, %reduce_sum3A_83 [0] : vector<1024x64xf32> to vector<64xf32>
    %broadcast_in_dim3A_85 = vector.shape_cast %reduce_sum3A_84 : vector<64xf32> to vector<1x64xf32>
    %add3A_86 = arith.addf %add3A_64, %broadcast_in_dim3A_85 : vector<1x64xf32>
    %mul3A_87 = arith.mulf %add3A_82, %add3A_82 : vector<1024x64xf32>
    %reduce_sum3A_88 = arith.constant dense<0.000000e+00> : vector<64xf32>
    %reduce_sum3A_89 = vector.multi_reduction <add>, %mul3A_87, %reduce_sum3A_88 [0] : vector<1024x64xf32> to vector<64xf32>
    %broadcast_in_dim3A_90 = vector.shape_cast %reduce_sum3A_89 : vector<64xf32> to vector<1x64xf32>
    %add3A_91 = arith.addf %add3A_69, %broadcast_in_dim3A_90 : vector<1x64xf32>
    %get3A_92 = arith.constant 4 : index
    %get3A_93 = arith.constant 0 : index
    %get3A_94 = arith.constant 0 : index
    %get3A_95 = vector.load %arg2[%get3A_92, %get3A_93, %get3A_94] : memref<16x1024x16xf32, #tpu.memory_space<vmem>>, vector<1x1024x16xf32>
    %get3A_96 = vector.shape_cast %get3A_95 : vector<1x1024x16xf32> to vector<1024x16xf32>
    %sub3A_97 = arith.subf %get3A_96, %get3A_3 : vector<1024x16xf32>
    %slice3A_98 = vector.extract_strided_slice %get3A_6 {offsets = [0, 0], sizes = [16, 64], strides = [1, 1]} : vector<32x64xf32> to vector<16x64xf32>
    %dot_general3A_99 = arith.constant dense<0.000000e+00> : vector<1024x64xf32>
    %dot_general3A_100 = tpu.matmul %get3A_3, %slice3A_98, %dot_general3A_99 {dimension_numbers = #tpu.dot_dimension_numbers<[1], [0], [0], [1], [0, 0, 1, 1], [], []>, transpose_lhs_hint = false} : vector<1024x16xf32>, vector<16x64xf32>, vector<1024x64xf32> -> vector<1024x64xf32>
    %slice3A_101 = vector.extract_strided_slice %get3A_6 {offsets = [16, 0], sizes = [16, 64], strides = [1, 1]} : vector<32x64xf32> to vector<16x64xf32>
    %dot_general3A_102 = arith.constant dense<0.000000e+00> : vector<1024x64xf32>
    %dot_general3A_103 = tpu.matmul %sub3A_97, %slice3A_101, %dot_general3A_102 {dimension_numbers = #tpu.dot_dimension_numbers<[1], [0], [0], [1], [0, 0, 1, 1], [], []>, transpose_lhs_hint = false} : vector<1024x16xf32>, vector<16x64xf32>, vector<1024x64xf32> -> vector<1024x64xf32>
    %add3A_104 = arith.addf %dot_general3A_100, %dot_general3A_103 : vector<1024x64xf32>
    %reduce_sum3A_105 = arith.constant dense<0.000000e+00> : vector<64xf32>
    %reduce_sum3A_106 = vector.multi_reduction <add>, %add3A_104, %reduce_sum3A_105 [0] : vector<1024x64xf32> to vector<64xf32>
    %broadcast_in_dim3A_107 = vector.shape_cast %reduce_sum3A_106 : vector<64xf32> to vector<1x64xf32>
    %add3A_108 = arith.addf %add3A_86, %broadcast_in_dim3A_107 : vector<1x64xf32>
    %mul3A_109 = arith.mulf %add3A_104, %add3A_104 : vector<1024x64xf32>
    %reduce_sum3A_110 = arith.constant dense<0.000000e+00> : vector<64xf32>
    %reduce_sum3A_111 = vector.multi_reduction <add>, %mul3A_109, %reduce_sum3A_110 [0] : vector<1024x64xf32> to vector<64xf32>
    %broadcast_in_dim3A_112 = vector.shape_cast %reduce_sum3A_111 : vector<64xf32> to vector<1x64xf32>
    %add3A_113 = arith.addf %add3A_91, %broadcast_in_dim3A_112 : vector<1x64xf32>
    %get3A_114 = arith.constant 5 : index
    %get3A_115 = arith.constant 0 : index
    %get3A_116 = arith.constant 0 : index
    %get3A_117 = vector.load %arg2[%get3A_114, %get3A_115, %get3A_116] : memref<16x1024x16xf32, #tpu.memory_space<vmem>>, vector<1x1024x16xf32>
    %get3A_118 = vector.shape_cast %get3A_117 : vector<1x1024x16xf32> to vector<1024x16xf32>
    %sub3A_119 = arith.subf %get3A_118, %get3A_3 : vector<1024x16xf32>
    %slice3A_120 = vector.extract_strided_slice %get3A_6 {offsets = [0, 0], sizes = [16, 64], strides = [1, 1]} : vector<32x64xf32> to vector<16x64xf32>
    %dot_general3A_121 = arith.constant dense<0.000000e+00> : vector<1024x64xf32>
    %dot_general3A_122 = tpu.matmul %get3A_3, %slice3A_120, %dot_general3A_121 {dimension_numbers = #tpu.dot_dimension_numbers<[1], [0], [0], [1], [0, 0, 1, 1], [], []>, transpose_lhs_hint = false} : vector<1024x16xf32>, vector<16x64xf32>, vector<1024x64xf32> -> vector<1024x64xf32>
    %slice3A_123 = vector.extract_strided_slice %get3A_6 {offsets = [16, 0], sizes = [16, 64], strides = [1, 1]} : vector<32x64xf32> to vector<16x64xf32>
    %dot_general3A_124 = arith.constant dense<0.000000e+00> : vector<1024x64xf32>
    %dot_general3A_125 = tpu.matmul %sub3A_119, %slice3A_123, %dot_general3A_124 {dimension_numbers = #tpu.dot_dimension_numbers<[1], [0], [0], [1], [0, 0, 1, 1], [], []>, transpose_lhs_hint = false} : vector<1024x16xf32>, vector<16x64xf32>, vector<1024x64xf32> -> vector<1024x64xf32>
    %add3A_126 = arith.addf %dot_general3A_122, %dot_general3A_125 : vector<1024x64xf32>
    %reduce_sum3A_127 = arith.constant dense<0.000000e+00> : vector<64xf32>
    %reduce_sum3A_128 = vector.multi_reduction <add>, %add3A_126, %reduce_sum3A_127 [0] : vector<1024x64xf32> to vector<64xf32>
    %broadcast_in_dim3A_129 = vector.shape_cast %reduce_sum3A_128 : vector<64xf32> to vector<1x64xf32>
    %add3A_130 = arith.addf %add3A_108, %broadcast_in_dim3A_129 : vector<1x64xf32>
    %mul3A_131 = arith.mulf %add3A_126, %add3A_126 : vector<1024x64xf32>
    %reduce_sum3A_132 = arith.constant dense<0.000000e+00> : vector<64xf32>
    %reduce_sum3A_133 = vector.multi_reduction <add>, %mul3A_131, %reduce_sum3A_132 [0] : vector<1024x64xf32> to vector<64xf32>
    %broadcast_in_dim3A_134 = vector.shape_cast %reduce_sum3A_133 : vector<64xf32> to vector<1x64xf32>
    %add3A_135 = arith.addf %add3A_113, %broadcast_in_dim3A_134 : vector<1x64xf32>
    %get3A_136 = arith.constant 6 : index
    %get3A_137 = arith.constant 0 : index
    %get3A_138 = arith.constant 0 : index
    %get3A_139 = vector.load %arg2[%get3A_136, %get3A_137, %get3A_138] : memref<16x1024x16xf32, #tpu.memory_space<vmem>>, vector<1x1024x16xf32>
    %get3A_140 = vector.shape_cast %get3A_139 : vector<1x1024x16xf32> to vector<1024x16xf32>
    %sub3A_141 = arith.subf %get3A_140, %get3A_3 : vector<1024x16xf32>
    %slice3A_142 = vector.extract_strided_slice %get3A_6 {offsets = [0, 0], sizes = [16, 64], strides = [1, 1]} : vector<32x64xf32> to vector<16x64xf32>
    %dot_general3A_143 = arith.constant dense<0.000000e+00> : vector<1024x64xf32>
    %dot_general3A_144 = tpu.matmul %get3A_3, %slice3A_142, %dot_general3A_143 {dimension_numbers = #tpu.dot_dimension_numbers<[1], [0], [0], [1], [0, 0, 1, 1], [], []>, transpose_lhs_hint = false} : vector<1024x16xf32>, vector<16x64xf32>, vector<1024x64xf32> -> vector<1024x64xf32>
    %slice3A_145 = vector.extract_strided_slice %get3A_6 {offsets = [16, 0], sizes = [16, 64], strides = [1, 1]} : vector<32x64xf32> to vector<16x64xf32>
    %dot_general3A_146 = arith.constant dense<0.000000e+00> : vector<1024x64xf32>
    %dot_general3A_147 = tpu.matmul %sub3A_141, %slice3A_145, %dot_general3A_146 {dimension_numbers = #tpu.dot_dimension_numbers<[1], [0], [0], [1], [0, 0, 1, 1], [], []>, transpose_lhs_hint = false} : vector<1024x16xf32>, vector<16x64xf32>, vector<1024x64xf32> -> vector<1024x64xf32>
    %add3A_148 = arith.addf %dot_general3A_144, %dot_general3A_147 : vector<1024x64xf32>
    %reduce_sum3A_149 = arith.constant dense<0.000000e+00> : vector<64xf32>
    %reduce_sum3A_150 = vector.multi_reduction <add>, %add3A_148, %reduce_sum3A_149 [0] : vector<1024x64xf32> to vector<64xf32>
    %broadcast_in_dim3A_151 = vector.shape_cast %reduce_sum3A_150 : vector<64xf32> to vector<1x64xf32>
    %add3A_152 = arith.addf %add3A_130, %broadcast_in_dim3A_151 : vector<1x64xf32>
    %mul3A_153 = arith.mulf %add3A_148, %add3A_148 : vector<1024x64xf32>
    %reduce_sum3A_154 = arith.constant dense<0.000000e+00> : vector<64xf32>
    %reduce_sum3A_155 = vector.multi_reduction <add>, %mul3A_153, %reduce_sum3A_154 [0] : vector<1024x64xf32> to vector<64xf32>
    %broadcast_in_dim3A_156 = vector.shape_cast %reduce_sum3A_155 : vector<64xf32> to vector<1x64xf32>
    %add3A_157 = arith.addf %add3A_135, %broadcast_in_dim3A_156 : vector<1x64xf32>
    %get3A_158 = arith.constant 7 : index
    %get3A_159 = arith.constant 0 : index
    %get3A_160 = arith.constant 0 : index
    %get3A_161 = vector.load %arg2[%get3A_158, %get3A_159, %get3A_160] : memref<16x1024x16xf32, #tpu.memory_space<vmem>>, vector<1x1024x16xf32>
    %get3A_162 = vector.shape_cast %get3A_161 : vector<1x1024x16xf32> to vector<1024x16xf32>
    %sub3A_163 = arith.subf %get3A_162, %get3A_3 : vector<1024x16xf32>
    %slice3A_164 = vector.extract_strided_slice %get3A_6 {offsets = [0, 0], sizes = [16, 64], strides = [1, 1]} : vector<32x64xf32> to vector<16x64xf32>
    %dot_general3A_165 = arith.constant dense<0.000000e+00> : vector<1024x64xf32>
    %dot_general3A_166 = tpu.matmul %get3A_3, %slice3A_164, %dot_general3A_165 {dimension_numbers = #tpu.dot_dimension_numbers<[1], [0], [0], [1], [0, 0, 1, 1], [], []>, transpose_lhs_hint = false} : vector<1024x16xf32>, vector<16x64xf32>, vector<1024x64xf32> -> vector<1024x64xf32>
    %slice3A_167 = vector.extract_strided_slice %get3A_6 {offsets = [16, 0], sizes = [16, 64], strides = [1, 1]} : vector<32x64xf32> to vector<16x64xf32>
    %dot_general3A_168 = arith.constant dense<0.000000e+00> : vector<1024x64xf32>
    %dot_general3A_169 = tpu.matmul %sub3A_163, %slice3A_167, %dot_general3A_168 {dimension_numbers = #tpu.dot_dimension_numbers<[1], [0], [0], [1], [0, 0, 1, 1], [], []>, transpose_lhs_hint = false} : vector<1024x16xf32>, vector<16x64xf32>, vector<1024x64xf32> -> vector<1024x64xf32>
    %add3A_170 = arith.addf %dot_general3A_166, %dot_general3A_169 : vector<1024x64xf32>
    %reduce_sum3A_171 = arith.constant dense<0.000000e+00> : vector<64xf32>
    %reduce_sum3A_172 = vector.multi_reduction <add>, %add3A_170, %reduce_sum3A_171 [0] : vector<1024x64xf32> to vector<64xf32>
    %broadcast_in_dim3A_173 = vector.shape_cast %reduce_sum3A_172 : vector<64xf32> to vector<1x64xf32>
    %add3A_174 = arith.addf %add3A_152, %broadcast_in_dim3A_173 : vector<1x64xf32>
    %mul3A_175 = arith.mulf %add3A_170, %add3A_170 : vector<1024x64xf32>
    %reduce_sum3A_176 = arith.constant dense<0.000000e+00> : vector<64xf32>
    %reduce_sum3A_177 = vector.multi_reduction <add>, %mul3A_175, %reduce_sum3A_176 [0] : vector<1024x64xf32> to vector<64xf32>
    %broadcast_in_dim3A_178 = vector.shape_cast %reduce_sum3A_177 : vector<64xf32> to vector<1x64xf32>
    %add3A_179 = arith.addf %add3A_157, %broadcast_in_dim3A_178 : vector<1x64xf32>
    %get3A_180 = arith.constant 8 : index
    %get3A_181 = arith.constant 0 : index
    %get3A_182 = arith.constant 0 : index
    %get3A_183 = vector.load %arg2[%get3A_180, %get3A_181, %get3A_182] : memref<16x1024x16xf32, #tpu.memory_space<vmem>>, vector<1x1024x16xf32>
    %get3A_184 = vector.shape_cast %get3A_183 : vector<1x1024x16xf32> to vector<1024x16xf32>
    %sub3A_185 = arith.subf %get3A_184, %get3A_3 : vector<1024x16xf32>
    %slice3A_186 = vector.extract_strided_slice %get3A_6 {offsets = [0, 0], sizes = [16, 64], strides = [1, 1]} : vector<32x64xf32> to vector<16x64xf32>
    %dot_general3A_187 = arith.constant dense<0.000000e+00> : vector<1024x64xf32>
    %dot_general3A_188 = tpu.matmul %get3A_3, %slice3A_186, %dot_general3A_187 {dimension_numbers = #tpu.dot_dimension_numbers<[1], [0], [0], [1], [0, 0, 1, 1], [], []>, transpose_lhs_hint = false} : vector<1024x16xf32>, vector<16x64xf32>, vector<1024x64xf32> -> vector<1024x64xf32>
    %slice3A_189 = vector.extract_strided_slice %get3A_6 {offsets = [16, 0], sizes = [16, 64], strides = [1, 1]} : vector<32x64xf32> to vector<16x64xf32>
    %dot_general3A_190 = arith.constant dense<0.000000e+00> : vector<1024x64xf32>
    %dot_general3A_191 = tpu.matmul %sub3A_185, %slice3A_189, %dot_general3A_190 {dimension_numbers = #tpu.dot_dimension_numbers<[1], [0], [0], [1], [0, 0, 1, 1], [], []>, transpose_lhs_hint = false} : vector<1024x16xf32>, vector<16x64xf32>, vector<1024x64xf32> -> vector<1024x64xf32>
    %add3A_192 = arith.addf %dot_general3A_188, %dot_general3A_191 : vector<1024x64xf32>
    %reduce_sum3A_193 = arith.constant dense<0.000000e+00> : vector<64xf32>
    %reduce_sum3A_194 = vector.multi_reduction <add>, %add3A_192, %reduce_sum3A_193 [0] : vector<1024x64xf32> to vector<64xf32>
    %broadcast_in_dim3A_195 = vector.shape_cast %reduce_sum3A_194 : vector<64xf32> to vector<1x64xf32>
    %add3A_196 = arith.addf %add3A_174, %broadcast_in_dim3A_195 : vector<1x64xf32>
    %mul3A_197 = arith.mulf %add3A_192, %add3A_192 : vector<1024x64xf32>
    %reduce_sum3A_198 = arith.constant dense<0.000000e+00> : vector<64xf32>
    %reduce_sum3A_199 = vector.multi_reduction <add>, %mul3A_197, %reduce_sum3A_198 [0] : vector<1024x64xf32> to vector<64xf32>
    %broadcast_in_dim3A_200 = vector.shape_cast %reduce_sum3A_199 : vector<64xf32> to vector<1x64xf32>
    %add3A_201 = arith.addf %add3A_179, %broadcast_in_dim3A_200 : vector<1x64xf32>
    %get3A_202 = arith.constant 9 : index
    %get3A_203 = arith.constant 0 : index
    %get3A_204 = arith.constant 0 : index
    %get3A_205 = vector.load %arg2[%get3A_202, %get3A_203, %get3A_204] : memref<16x1024x16xf32, #tpu.memory_space<vmem>>, vector<1x1024x16xf32>
    %get3A_206 = vector.shape_cast %get3A_205 : vector<1x1024x16xf32> to vector<1024x16xf32>
    %sub3A_207 = arith.subf %get3A_206, %get3A_3 : vector<1024x16xf32>
    %slice3A_208 = vector.extract_strided_slice %get3A_6 {offsets = [0, 0], sizes = [16, 64], strides = [1, 1]} : vector<32x64xf32> to vector<16x64xf32>
    %dot_general3A_209 = arith.constant dense<0.000000e+00> : vector<1024x64xf32>
    %dot_general3A_210 = tpu.matmul %get3A_3, %slice3A_208, %dot_general3A_209 {dimension_numbers = #tpu.dot_dimension_numbers<[1], [0], [0], [1], [0, 0, 1, 1], [], []>, transpose_lhs_hint = false} : vector<1024x16xf32>, vector<16x64xf32>, vector<1024x64xf32> -> vector<1024x64xf32>
    %slice3A_211 = vector.extract_strided_slice %get3A_6 {offsets = [16, 0], sizes = [16, 64], strides = [1, 1]} : vector<32x64xf32> to vector<16x64xf32>
    %dot_general3A_212 = arith.constant dense<0.000000e+00> : vector<1024x64xf32>
    %dot_general3A_213 = tpu.matmul %sub3A_207, %slice3A_211, %dot_general3A_212 {dimension_numbers = #tpu.dot_dimension_numbers<[1], [0], [0], [1], [0, 0, 1, 1], [], []>, transpose_lhs_hint = false} : vector<1024x16xf32>, vector<16x64xf32>, vector<1024x64xf32> -> vector<1024x64xf32>
    %add3A_214 = arith.addf %dot_general3A_210, %dot_general3A_213 : vector<1024x64xf32>
    %reduce_sum3A_215 = arith.constant dense<0.000000e+00> : vector<64xf32>
    %reduce_sum3A_216 = vector.multi_reduction <add>, %add3A_214, %reduce_sum3A_215 [0] : vector<1024x64xf32> to vector<64xf32>
    %broadcast_in_dim3A_217 = vector.shape_cast %reduce_sum3A_216 : vector<64xf32> to vector<1x64xf32>
    %add3A_218 = arith.addf %add3A_196, %broadcast_in_dim3A_217 : vector<1x64xf32>
    %mul3A_219 = arith.mulf %add3A_214, %add3A_214 : vector<1024x64xf32>
    %reduce_sum3A_220 = arith.constant dense<0.000000e+00> : vector<64xf32>
    %reduce_sum3A_221 = vector.multi_reduction <add>, %mul3A_219, %reduce_sum3A_220 [0] : vector<1024x64xf32> to vector<64xf32>
    %broadcast_in_dim3A_222 = vector.shape_cast %reduce_sum3A_221 : vector<64xf32> to vector<1x64xf32>
    %add3A_223 = arith.addf %add3A_201, %broadcast_in_dim3A_222 : vector<1x64xf32>
    %get3A_224 = arith.constant 10 : index
    %get3A_225 = arith.constant 0 : index
    %get3A_226 = arith.constant 0 : index
    %get3A_227 = vector.load %arg2[%get3A_224, %get3A_225, %get3A_226] : memref<16x1024x16xf32, #tpu.memory_space<vmem>>, vector<1x1024x16xf32>
    %get3A_228 = vector.shape_cast %get3A_227 : vector<1x1024x16xf32> to vector<1024x16xf32>
    %sub3A_229 = arith.subf %get3A_228, %get3A_3 : vector<1024x16xf32>
    %slice3A_230 = vector.extract_strided_slice %get3A_6 {offsets = [0, 0], sizes = [16, 64], strides = [1, 1]} : vector<32x64xf32> to vector<16x64xf32>
    %dot_general3A_231 = arith.constant dense<0.000000e+00> : vector<1024x64xf32>
    %dot_general3A_232 = tpu.matmul %get3A_3, %slice3A_230, %dot_general3A_231 {dimension_numbers = #tpu.dot_dimension_numbers<[1], [0], [0], [1], [0, 0, 1, 1], [], []>, transpose_lhs_hint = false} : vector<1024x16xf32>, vector<16x64xf32>, vector<1024x64xf32> -> vector<1024x64xf32>
    %slice3A_233 = vector.extract_strided_slice %get3A_6 {offsets = [16, 0], sizes = [16, 64], strides = [1, 1]} : vector<32x64xf32> to vector<16x64xf32>
    %dot_general3A_234 = arith.constant dense<0.000000e+00> : vector<1024x64xf32>
    %dot_general3A_235 = tpu.matmul %sub3A_229, %slice3A_233, %dot_general3A_234 {dimension_numbers = #tpu.dot_dimension_numbers<[1], [0], [0], [1], [0, 0, 1, 1], [], []>, transpose_lhs_hint = false} : vector<1024x16xf32>, vector<16x64xf32>, vector<1024x64xf32> -> vector<1024x64xf32>
    %add3A_236 = arith.addf %dot_general3A_232, %dot_general3A_235 : vector<1024x64xf32>
    %reduce_sum3A_237 = arith.constant dense<0.000000e+00> : vector<64xf32>
    %reduce_sum3A_238 = vector.multi_reduction <add>, %add3A_236, %reduce_sum3A_237 [0] : vector<1024x64xf32> to vector<64xf32>
    %broadcast_in_dim3A_239 = vector.shape_cast %reduce_sum3A_238 : vector<64xf32> to vector<1x64xf32>
    %add3A_240 = arith.addf %add3A_218, %broadcast_in_dim3A_239 : vector<1x64xf32>
    %mul3A_241 = arith.mulf %add3A_236, %add3A_236 : vector<1024x64xf32>
    %reduce_sum3A_242 = arith.constant dense<0.000000e+00> : vector<64xf32>
    %reduce_sum3A_243 = vector.multi_reduction <add>, %mul3A_241, %reduce_sum3A_242 [0] : vector<1024x64xf32> to vector<64xf32>
    %broadcast_in_dim3A_244 = vector.shape_cast %reduce_sum3A_243 : vector<64xf32> to vector<1x64xf32>
    %add3A_245 = arith.addf %add3A_223, %broadcast_in_dim3A_244 : vector<1x64xf32>
    %get3A_246 = arith.constant 11 : index
    %get3A_247 = arith.constant 0 : index
    %get3A_248 = arith.constant 0 : index
    %get3A_249 = vector.load %arg2[%get3A_246, %get3A_247, %get3A_248] : memref<16x1024x16xf32, #tpu.memory_space<vmem>>, vector<1x1024x16xf32>
    %get3A_250 = vector.shape_cast %get3A_249 : vector<1x1024x16xf32> to vector<1024x16xf32>
    %sub3A_251 = arith.subf %get3A_250, %get3A_3 : vector<1024x16xf32>
    %slice3A_252 = vector.extract_strided_slice %get3A_6 {offsets = [0, 0], sizes = [16, 64], strides = [1, 1]} : vector<32x64xf32> to vector<16x64xf32>
    %dot_general3A_253 = arith.constant dense<0.000000e+00> : vector<1024x64xf32>
    %dot_general3A_254 = tpu.matmul %get3A_3, %slice3A_252, %dot_general3A_253 {dimension_numbers = #tpu.dot_dimension_numbers<[1], [0], [0], [1], [0, 0, 1, 1], [], []>, transpose_lhs_hint = false} : vector<1024x16xf32>, vector<16x64xf32>, vector<1024x64xf32> -> vector<1024x64xf32>
    %slice3A_255 = vector.extract_strided_slice %get3A_6 {offsets = [16, 0], sizes = [16, 64], strides = [1, 1]} : vector<32x64xf32> to vector<16x64xf32>
    %dot_general3A_256 = arith.constant dense<0.000000e+00> : vector<1024x64xf32>
    %dot_general3A_257 = tpu.matmul %sub3A_251, %slice3A_255, %dot_general3A_256 {dimension_numbers = #tpu.dot_dimension_numbers<[1], [0], [0], [1], [0, 0, 1, 1], [], []>, transpose_lhs_hint = false} : vector<1024x16xf32>, vector<16x64xf32>, vector<1024x64xf32> -> vector<1024x64xf32>
    %add3A_258 = arith.addf %dot_general3A_254, %dot_general3A_257 : vector<1024x64xf32>
    %reduce_sum3A_259 = arith.constant dense<0.000000e+00> : vector<64xf32>
    %reduce_sum3A_260 = vector.multi_reduction <add>, %add3A_258, %reduce_sum3A_259 [0] : vector<1024x64xf32> to vector<64xf32>
    %broadcast_in_dim3A_261 = vector.shape_cast %reduce_sum3A_260 : vector<64xf32> to vector<1x64xf32>
    %add3A_262 = arith.addf %add3A_240, %broadcast_in_dim3A_261 : vector<1x64xf32>
    %mul3A_263 = arith.mulf %add3A_258, %add3A_258 : vector<1024x64xf32>
    %reduce_sum3A_264 = arith.constant dense<0.000000e+00> : vector<64xf32>
    %reduce_sum3A_265 = vector.multi_reduction <add>, %mul3A_263, %reduce_sum3A_264 [0] : vector<1024x64xf32> to vector<64xf32>
    %broadcast_in_dim3A_266 = vector.shape_cast %reduce_sum3A_265 : vector<64xf32> to vector<1x64xf32>
    %add3A_267 = arith.addf %add3A_245, %broadcast_in_dim3A_266 : vector<1x64xf32>
    %get3A_268 = arith.constant 12 : index
    %get3A_269 = arith.constant 0 : index
    %get3A_270 = arith.constant 0 : index
    %get3A_271 = vector.load %arg2[%get3A_268, %get3A_269, %get3A_270] : memref<16x1024x16xf32, #tpu.memory_space<vmem>>, vector<1x1024x16xf32>
    %get3A_272 = vector.shape_cast %get3A_271 : vector<1x1024x16xf32> to vector<1024x16xf32>
    %sub3A_273 = arith.subf %get3A_272, %get3A_3 : vector<1024x16xf32>
    %slice3A_274 = vector.extract_strided_slice %get3A_6 {offsets = [0, 0], sizes = [16, 64], strides = [1, 1]} : vector<32x64xf32> to vector<16x64xf32>
    %dot_general3A_275 = arith.constant dense<0.000000e+00> : vector<1024x64xf32>
    %dot_general3A_276 = tpu.matmul %get3A_3, %slice3A_274, %dot_general3A_275 {dimension_numbers = #tpu.dot_dimension_numbers<[1], [0], [0], [1], [0, 0, 1, 1], [], []>, transpose_lhs_hint = false} : vector<1024x16xf32>, vector<16x64xf32>, vector<1024x64xf32> -> vector<1024x64xf32>
    %slice3A_277 = vector.extract_strided_slice %get3A_6 {offsets = [16, 0], sizes = [16, 64], strides = [1, 1]} : vector<32x64xf32> to vector<16x64xf32>
    %dot_general3A_278 = arith.constant dense<0.000000e+00> : vector<1024x64xf32>
    %dot_general3A_279 = tpu.matmul %sub3A_273, %slice3A_277, %dot_general3A_278 {dimension_numbers = #tpu.dot_dimension_numbers<[1], [0], [0], [1], [0, 0, 1, 1], [], []>, transpose_lhs_hint = false} : vector<1024x16xf32>, vector<16x64xf32>, vector<1024x64xf32> -> vector<1024x64xf32>
    %add3A_280 = arith.addf %dot_general3A_276, %dot_general3A_279 : vector<1024x64xf32>
    %reduce_sum3A_281 = arith.constant dense<0.000000e+00> : vector<64xf32>
    %reduce_sum3A_282 = vector.multi_reduction <add>, %add3A_280, %reduce_sum3A_281 [0] : vector<1024x64xf32> to vector<64xf32>
    %broadcast_in_dim3A_283 = vector.shape_cast %reduce_sum3A_282 : vector<64xf32> to vector<1x64xf32>
    %add3A_284 = arith.addf %add3A_262, %broadcast_in_dim3A_283 : vector<1x64xf32>
    %mul3A_285 = arith.mulf %add3A_280, %add3A_280 : vector<1024x64xf32>
    %reduce_sum3A_286 = arith.constant dense<0.000000e+00> : vector<64xf32>
    %reduce_sum3A_287 = vector.multi_reduction <add>, %mul3A_285, %reduce_sum3A_286 [0] : vector<1024x64xf32> to vector<64xf32>
    %broadcast_in_dim3A_288 = vector.shape_cast %reduce_sum3A_287 : vector<64xf32> to vector<1x64xf32>
    %add3A_289 = arith.addf %add3A_267, %broadcast_in_dim3A_288 : vector<1x64xf32>
    %get3A_290 = arith.constant 13 : index
    %get3A_291 = arith.constant 0 : index
    %get3A_292 = arith.constant 0 : index
    %get3A_293 = vector.load %arg2[%get3A_290, %get3A_291, %get3A_292] : memref<16x1024x16xf32, #tpu.memory_space<vmem>>, vector<1x1024x16xf32>
    %get3A_294 = vector.shape_cast %get3A_293 : vector<1x1024x16xf32> to vector<1024x16xf32>
    %sub3A_295 = arith.subf %get3A_294, %get3A_3 : vector<1024x16xf32>
    %slice3A_296 = vector.extract_strided_slice %get3A_6 {offsets = [0, 0], sizes = [16, 64], strides = [1, 1]} : vector<32x64xf32> to vector<16x64xf32>
    %dot_general3A_297 = arith.constant dense<0.000000e+00> : vector<1024x64xf32>
    %dot_general3A_298 = tpu.matmul %get3A_3, %slice3A_296, %dot_general3A_297 {dimension_numbers = #tpu.dot_dimension_numbers<[1], [0], [0], [1], [0, 0, 1, 1], [], []>, transpose_lhs_hint = false} : vector<1024x16xf32>, vector<16x64xf32>, vector<1024x64xf32> -> vector<1024x64xf32>
    %slice3A_299 = vector.extract_strided_slice %get3A_6 {offsets = [16, 0], sizes = [16, 64], strides = [1, 1]} : vector<32x64xf32> to vector<16x64xf32>
    %dot_general3A_300 = arith.constant dense<0.000000e+00> : vector<1024x64xf32>
    %dot_general3A_301 = tpu.matmul %sub3A_295, %slice3A_299, %dot_general3A_300 {dimension_numbers = #tpu.dot_dimension_numbers<[1], [0], [0], [1], [0, 0, 1, 1], [], []>, transpose_lhs_hint = false} : vector<1024x16xf32>, vector<16x64xf32>, vector<1024x64xf32> -> vector<1024x64xf32>
    %add3A_302 = arith.addf %dot_general3A_298, %dot_general3A_301 : vector<1024x64xf32>
    %reduce_sum3A_303 = arith.constant dense<0.000000e+00> : vector<64xf32>
    %reduce_sum3A_304 = vector.multi_reduction <add>, %add3A_302, %reduce_sum3A_303 [0] : vector<1024x64xf32> to vector<64xf32>
    %broadcast_in_dim3A_305 = vector.shape_cast %reduce_sum3A_304 : vector<64xf32> to vector<1x64xf32>
    %add3A_306 = arith.addf %add3A_284, %broadcast_in_dim3A_305 : vector<1x64xf32>
    %mul3A_307 = arith.mulf %add3A_302, %add3A_302 : vector<1024x64xf32>
    %reduce_sum3A_308 = arith.constant dense<0.000000e+00> : vector<64xf32>
    %reduce_sum3A_309 = vector.multi_reduction <add>, %mul3A_307, %reduce_sum3A_308 [0] : vector<1024x64xf32> to vector<64xf32>
    %broadcast_in_dim3A_310 = vector.shape_cast %reduce_sum3A_309 : vector<64xf32> to vector<1x64xf32>
    %add3A_311 = arith.addf %add3A_289, %broadcast_in_dim3A_310 : vector<1x64xf32>
    %get3A_312 = arith.constant 14 : index
    %get3A_313 = arith.constant 0 : index
    %get3A_314 = arith.constant 0 : index
    %get3A_315 = vector.load %arg2[%get3A_312, %get3A_313, %get3A_314] : memref<16x1024x16xf32, #tpu.memory_space<vmem>>, vector<1x1024x16xf32>
    %get3A_316 = vector.shape_cast %get3A_315 : vector<1x1024x16xf32> to vector<1024x16xf32>
    %sub3A_317 = arith.subf %get3A_316, %get3A_3 : vector<1024x16xf32>
    %slice3A_318 = vector.extract_strided_slice %get3A_6 {offsets = [0, 0], sizes = [16, 64], strides = [1, 1]} : vector<32x64xf32> to vector<16x64xf32>
    %dot_general3A_319 = arith.constant dense<0.000000e+00> : vector<1024x64xf32>
    %dot_general3A_320 = tpu.matmul %get3A_3, %slice3A_318, %dot_general3A_319 {dimension_numbers = #tpu.dot_dimension_numbers<[1], [0], [0], [1], [0, 0, 1, 1], [], []>, transpose_lhs_hint = false} : vector<1024x16xf32>, vector<16x64xf32>, vector<1024x64xf32> -> vector<1024x64xf32>
    %slice3A_321 = vector.extract_strided_slice %get3A_6 {offsets = [16, 0], sizes = [16, 64], strides = [1, 1]} : vector<32x64xf32> to vector<16x64xf32>
    %dot_general3A_322 = arith.constant dense<0.000000e+00> : vector<1024x64xf32>
    %dot_general3A_323 = tpu.matmul %sub3A_317, %slice3A_321, %dot_general3A_322 {dimension_numbers = #tpu.dot_dimension_numbers<[1], [0], [0], [1], [0, 0, 1, 1], [], []>, transpose_lhs_hint = false} : vector<1024x16xf32>, vector<16x64xf32>, vector<1024x64xf32> -> vector<1024x64xf32>
    %add3A_324 = arith.addf %dot_general3A_320, %dot_general3A_323 : vector<1024x64xf32>
    %reduce_sum3A_325 = arith.constant dense<0.000000e+00> : vector<64xf32>
    %reduce_sum3A_326 = vector.multi_reduction <add>, %add3A_324, %reduce_sum3A_325 [0] : vector<1024x64xf32> to vector<64xf32>
    %broadcast_in_dim3A_327 = vector.shape_cast %reduce_sum3A_326 : vector<64xf32> to vector<1x64xf32>
    %add3A_328 = arith.addf %add3A_306, %broadcast_in_dim3A_327 : vector<1x64xf32>
    %mul3A_329 = arith.mulf %add3A_324, %add3A_324 : vector<1024x64xf32>
    %reduce_sum3A_330 = arith.constant dense<0.000000e+00> : vector<64xf32>
    %reduce_sum3A_331 = vector.multi_reduction <add>, %mul3A_329, %reduce_sum3A_330 [0] : vector<1024x64xf32> to vector<64xf32>
    %broadcast_in_dim3A_332 = vector.shape_cast %reduce_sum3A_331 : vector<64xf32> to vector<1x64xf32>
    %add3A_333 = arith.addf %add3A_311, %broadcast_in_dim3A_332 : vector<1x64xf32>
    %get3A_334 = arith.constant 15 : index
    %get3A_335 = arith.constant 0 : index
    %get3A_336 = arith.constant 0 : index
    %get3A_337 = vector.load %arg2[%get3A_334, %get3A_335, %get3A_336] : memref<16x1024x16xf32, #tpu.memory_space<vmem>>, vector<1x1024x16xf32>
    %get3A_338 = vector.shape_cast %get3A_337 : vector<1x1024x16xf32> to vector<1024x16xf32>
    %sub3A_339 = arith.subf %get3A_338, %get3A_3 : vector<1024x16xf32>
    %slice3A_340 = vector.extract_strided_slice %get3A_6 {offsets = [0, 0], sizes = [16, 64], strides = [1, 1]} : vector<32x64xf32> to vector<16x64xf32>
    %dot_general3A_341 = arith.constant dense<0.000000e+00> : vector<1024x64xf32>
    %dot_general3A_342 = tpu.matmul %get3A_3, %slice3A_340, %dot_general3A_341 {dimension_numbers = #tpu.dot_dimension_numbers<[1], [0], [0], [1], [0, 0, 1, 1], [], []>, transpose_lhs_hint = false} : vector<1024x16xf32>, vector<16x64xf32>, vector<1024x64xf32> -> vector<1024x64xf32>
    %slice3A_343 = vector.extract_strided_slice %get3A_6 {offsets = [16, 0], sizes = [16, 64], strides = [1, 1]} : vector<32x64xf32> to vector<16x64xf32>
    %dot_general3A_344 = arith.constant dense<0.000000e+00> : vector<1024x64xf32>
    %dot_general3A_345 = tpu.matmul %sub3A_339, %slice3A_343, %dot_general3A_344 {dimension_numbers = #tpu.dot_dimension_numbers<[1], [0], [0], [1], [0, 0, 1, 1], [], []>, transpose_lhs_hint = false} : vector<1024x16xf32>, vector<16x64xf32>, vector<1024x64xf32> -> vector<1024x64xf32>
    %add3A_346 = arith.addf %dot_general3A_342, %dot_general3A_345 : vector<1024x64xf32>
    %reduce_sum3A_347 = arith.constant dense<0.000000e+00> : vector<64xf32>
    %reduce_sum3A_348 = vector.multi_reduction <add>, %add3A_346, %reduce_sum3A_347 [0] : vector<1024x64xf32> to vector<64xf32>
    %broadcast_in_dim3A_349 = vector.shape_cast %reduce_sum3A_348 : vector<64xf32> to vector<1x64xf32>
    %add3A_350 = arith.addf %add3A_328, %broadcast_in_dim3A_349 : vector<1x64xf32>
    %mul3A_351 = arith.mulf %add3A_346, %add3A_346 : vector<1024x64xf32>
    %reduce_sum3A_352 = arith.constant dense<0.000000e+00> : vector<64xf32>
    %reduce_sum3A_353 = vector.multi_reduction <add>, %mul3A_351, %reduce_sum3A_352 [0] : vector<1024x64xf32> to vector<64xf32>
    %broadcast_in_dim3A_354 = vector.shape_cast %reduce_sum3A_353 : vector<64xf32> to vector<1x64xf32>
    %add3A_355 = arith.addf %add3A_333, %broadcast_in_dim3A_354 : vector<1x64xf32>
    %get3A_356 = arith.constant 0 : index
    %get3A_357 = arith.constant 0 : index
    %get3A_358 = vector.load %arg4[%get3A_356, %get3A_357] : memref<1x64xf32, #tpu.memory_space<vmem>>, vector<1x64xf32>
    %add3A_359 = arith.addf %get3A_358, %add3A_350 : vector<1x64xf32>
    %swap3A = arith.constant 0 : index
    %swap3A_360 = arith.constant 0 : index
    %swap3A_361 = vector.load %arg4[%swap3A, %swap3A_360] : memref<1x64xf32, #tpu.memory_space<vmem>>, vector<1x64xf32>
    tpu.vector_store %arg4[%swap3A, %swap3A_360], %add3A_359 {strides = array<i32>} : memref<1x64xf32, #tpu.memory_space<vmem>>, vector<1x64xf32>,
    %get3A_362 = arith.constant 0 : index
    %get3A_363 = arith.constant 0 : index
    %get3A_364 = vector.load %arg5[%get3A_362, %get3A_363] : memref<1x64xf32, #tpu.memory_space<vmem>>, vector<1x64xf32>
    %add3A_365 = arith.addf %get3A_364, %add3A_355 : vector<1x64xf32>
    %swap3A_366 = arith.constant 0 : index
    %swap3A_367 = arith.constant 0 : index
    %swap3A_368 = vector.load %arg5[%swap3A_366, %swap3A_367] : memref<1x64xf32, #tpu.memory_space<vmem>>, vector<1x64xf32>
    tpu.vector_store %arg5[%swap3A_366, %swap3A_367], %add3A_365 {strides = array<i32>} : memref<1x64xf32, #tpu.memory_space<vmem>>, vector<1x64xf32>,
    return
  }
  func.func @transform_0(%arg0: i32) -> (i32, i32) {
    %c0_i32 = arith.constant 0 : i32
    %c0_i32_0 = arith.constant 0 : i32
    return %arg0, %c0_i32 : i32, i32
  }
  func.func @transform_1(%arg0: i32) -> (i32, i32, i32) {
    %c0_i32 = arith.constant 0 : i32
    %c0_i32_0 = arith.constant 0 : i32
    %c0_i32_1 = arith.constant 0 : i32
    return %c0_i32, %arg0, %c0_i32_0 : i32, i32, i32
  }
  func.func @transform_2(%arg0: i32) -> (i32, i32) {
    %c0_i32 = arith.constant 0 : i32
    %c0_i32_0 = arith.constant 0 : i32
    %c0_i32_1 = arith.constant 0 : i32
    return %c0_i32, %c0_i32_0 : i32, i32
  }
  func.func @transform_3(%arg0: i32) -> (i32, i32) {
    %c0_i32 = arith.constant 0 : i32
    %c0_i32_0 = arith.constant 0 : i32
    %c0_i32_1 = arith.constant 0 : i32
    return %c0_i32, %c0_i32_0 : i32, i32
  }
  func.func @transform_4(%arg0: i32) -> (i32, i32) {
    %c0_i32 = arith.constant 0 : i32
    %c0_i32_0 = arith.constant 0 : i32
    %c0_i32_1 = arith.constant 0 : i32
    return %c0_i32, %c0_i32_0 : i32, i32
  }
}

module attributes {stable_mosaic.version = 14 : i64} {
  func.func @_stats2_body(%arg0: i32, %arg1: memref<1024x16xf32, #tpu.memory_space<vmem>>, %arg2: memref<16x1024x16xf32, #tpu.memory_space<vmem>>, %arg3: memref<32x64xf32, #tpu.memory_space<vmem>>, %arg4: memref<64x128xf32, #tpu.memory_space<vmem>>, %arg5: memref<1x64xf32, #tpu.memory_space<vmem>>, %arg6: memref<1x64xf32, #tpu.memory_space<vmem>>, %arg7: memref<1x64xf32, #tpu.memory_space<vmem>>, %arg8: memref<1x64xf32, #tpu.memory_space<vmem>>, %arg9: memref<1x128xf32, #tpu.memory_space<vmem>>, %arg10: memref<1x128xf32, #tpu.memory_space<vmem>>) attributes {dimension_semantics = [#tpu.dimension_semantics<arbitrary>], iteration_bounds = array<i64: 8>, scalar_prefetch = 0 : i64, scratch_operands = 0 : i64, tpu.core_type = #tpu.core_type<tc>, window_params = [{transform_indices = @transform_0, window_bounds = array<i64: 1024, 16>}, {transform_indices = @transform_1, window_bounds = array<i64: 16, 1024, 16>}, {pipeline_mode = #tpu.pipeline_mode<synchronous>, transform_indices = @transform_2, window_bounds = array<i64: 32, 64>}, {pipeline_mode = #tpu.pipeline_mode<synchronous>, transform_indices = @transform_3, window_bounds = array<i64: 64, 128>}, {pipeline_mode = #tpu.pipeline_mode<synchronous>, transform_indices = @transform_4, window_bounds = array<i64: 1, 64>}, {pipeline_mode = #tpu.pipeline_mode<synchronous>, transform_indices = @transform_5, window_bounds = array<i64: 1, 64>}, {pipeline_mode = #tpu.pipeline_mode<synchronous>, transform_indices = @transform_6, window_bounds = array<i64: 1, 64>}, {pipeline_mode = #tpu.pipeline_mode<synchronous>, transform_indices = @transform_7, window_bounds = array<i64: 1, 64>}, {pipeline_mode = #tpu.pipeline_mode<synchronous>, transform_indices = @transform_8, window_bounds = array<i64: 1, 128>}, {pipeline_mode = #tpu.pipeline_mode<synchronous>, transform_indices = @transform_9, window_bounds = array<i64: 1, 128>}]} {
    %eq3A = arith.constant 0 : i32
    %eq3A_0 = arith.cmpi eq, %arg0, %eq3A : i32
    %convert_element_type3A = arith.extui %eq3A_0 : i1 to i32
    %cond3A = arith.constant 0 : i32
    %cond3A_1 = arith.cmpi ne, %convert_element_type3A, %cond3A : i32
    scf.if %cond3A_1 {
      %broadcast_in_dim3A_668 = arith.constant 0.000000e+00 : f32
      %broadcast_in_dim3A_669 = vector.broadcast %broadcast_in_dim3A_668 : f32 to vector<1x128xf32>
      %swap3A_670 = arith.constant 0 : index
      %swap3A_671 = arith.constant 0 : index
      %swap3A_672 = vector.load %arg9[%swap3A_670, %swap3A_671] : memref<1x128xf32, #tpu.memory_space<vmem>>, vector<1x128xf32>
      tpu.vector_store %arg9[%swap3A_670, %swap3A_671], %broadcast_in_dim3A_669 {strides = array<i32>} : memref<1x128xf32, #tpu.memory_space<vmem>>, vector<1x128xf32>,
      %broadcast_in_dim3A_673 = arith.constant 0.000000e+00 : f32
      %broadcast_in_dim3A_674 = vector.broadcast %broadcast_in_dim3A_673 : f32 to vector<1x128xf32>
      %swap3A_675 = arith.constant 0 : index
      %swap3A_676 = arith.constant 0 : index
      %swap3A_677 = vector.load %arg10[%swap3A_675, %swap3A_676] : memref<1x128xf32, #tpu.memory_space<vmem>>, vector<1x128xf32>
      tpu.vector_store %arg10[%swap3A_675, %swap3A_676], %broadcast_in_dim3A_674 {strides = array<i32>} : memref<1x128xf32, #tpu.memory_space<vmem>>, vector<1x128xf32>,
    } else {
    }
    %get3A = arith.constant 0 : index
    %get3A_2 = arith.constant 0 : index
    %get3A_3 = vector.load %arg1[%get3A, %get3A_2] : memref<1024x16xf32, #tpu.memory_space<vmem>>, vector<1024x16xf32>
    %get3A_4 = arith.constant 0 : index
    %get3A_5 = arith.constant 0 : index
    %get3A_6 = vector.load %arg3[%get3A_4, %get3A_5] : memref<32x64xf32, #tpu.memory_space<vmem>>, vector<32x64xf32>
    %get3A_7 = arith.constant 0 : index
    %get3A_8 = arith.constant 0 : index
    %get3A_9 = vector.load %arg4[%get3A_7, %get3A_8] : memref<64x128xf32, #tpu.memory_space<vmem>>, vector<64x128xf32>
    %get3A_10 = arith.constant 0 : index
    %get3A_11 = arith.constant 0 : index
    %get3A_12 = vector.load %arg5[%get3A_10, %get3A_11] : memref<1x64xf32, #tpu.memory_space<vmem>>, vector<1x64xf32>
    %div3A = arith.constant 1.310720e+05 : f32
    %div3A_13 = vector.broadcast %div3A : f32 to vector<1x64xf32>
    %div3A_14 = arith.divf %get3A_12, %div3A_13 : vector<1x64xf32>
    %get3A_15 = arith.constant 0 : index
    %get3A_16 = arith.constant 0 : index
    %get3A_17 = vector.load %arg6[%get3A_15, %get3A_16] : memref<1x64xf32, #tpu.memory_space<vmem>>, vector<1x64xf32>
    %div3A_18 = arith.constant 1.310720e+05 : f32
    %div3A_19 = vector.broadcast %div3A_18 : f32 to vector<1x64xf32>
    %div3A_20 = arith.divf %get3A_17, %div3A_19 : vector<1x64xf32>
    %mul3A = arith.mulf %div3A_14, %div3A_14 : vector<1x64xf32>
    %sub3A = arith.subf %div3A_20, %mul3A : vector<1x64xf32>
    %get3A_21 = arith.constant 0 : index
    %get3A_22 = arith.constant 0 : index
    %get3A_23 = vector.load %arg7[%get3A_21, %get3A_22] : memref<1x64xf32, #tpu.memory_space<vmem>>, vector<1x64xf32>
    %add3A = arith.constant 9.99999974E-6 : f32
    %add3A_24 = vector.broadcast %add3A : f32 to vector<1x64xf32>
    %add3A_25 = arith.addf %sub3A, %add3A_24 : vector<1x64xf32>
    %rsqrt3A = math.rsqrt %add3A_25 : vector<1x64xf32>
    %mul3A_26 = arith.mulf %get3A_23, %rsqrt3A : vector<1x64xf32>
    %get3A_27 = arith.constant 0 : index
    %get3A_28 = arith.constant 0 : index
    %get3A_29 = vector.load %arg8[%get3A_27, %get3A_28] : memref<1x64xf32, #tpu.memory_space<vmem>>, vector<1x64xf32>
    %mul3A_30 = arith.mulf %div3A_14, %mul3A_26 : vector<1x64xf32>
    %sub3A_31 = arith.subf %get3A_29, %mul3A_30 : vector<1x64xf32>
    %broadcast_in_dim3A = arith.constant 0.000000e+00 : f32
    %broadcast_in_dim3A_32 = vector.broadcast %broadcast_in_dim3A : f32 to vector<1x128xf32>
    %broadcast_in_dim3A_33 = arith.constant 0.000000e+00 : f32
    %broadcast_in_dim3A_34 = vector.broadcast %broadcast_in_dim3A_33 : f32 to vector<1x128xf32>
    %get3A_35 = arith.constant 0 : index
    %get3A_36 = arith.constant 0 : index
    %get3A_37 = arith.constant 0 : index
    %get3A_38 = vector.load %arg2[%get3A_35, %get3A_36, %get3A_37] : memref<16x1024x16xf32, #tpu.memory_space<vmem>>, vector<1x1024x16xf32>
    %get3A_39 = vector.shape_cast %get3A_38 : vector<1x1024x16xf32> to vector<1024x16xf32>
    %sub3A_40 = arith.subf %get3A_39, %get3A_3 : vector<1024x16xf32>
    %slice3A = vector.extract_strided_slice %get3A_6 {offsets = [0, 0], sizes = [16, 64], strides = [1, 1]} : vector<32x64xf32> to vector<16x64xf32>
    %dot_general3A = arith.constant dense<0.000000e+00> : vector<1024x64xf32>
    %dot_general3A_41 = tpu.matmul %get3A_3, %slice3A, %dot_general3A {dimension_numbers = #tpu.dot_dimension_numbers<[1], [0], [0], [1], [0, 0, 1, 1], [], []>, transpose_lhs_hint = false} : vector<1024x16xf32>, vector<16x64xf32>, vector<1024x64xf32> -> vector<1024x64xf32>
    %slice3A_42 = vector.extract_strided_slice %get3A_6 {offsets = [16, 0], sizes = [16, 64], strides = [1, 1]} : vector<32x64xf32> to vector<16x64xf32>
    %dot_general3A_43 = arith.constant dense<0.000000e+00> : vector<1024x64xf32>
    %dot_general3A_44 = tpu.matmul %sub3A_40, %slice3A_42, %dot_general3A_43 {dimension_numbers = #tpu.dot_dimension_numbers<[1], [0], [0], [1], [0, 0, 1, 1], [], []>, transpose_lhs_hint = false} : vector<1024x16xf32>, vector<16x64xf32>, vector<1024x64xf32> -> vector<1024x64xf32>
    %add3A_45 = arith.addf %dot_general3A_41, %dot_general3A_44 : vector<1024x64xf32>
    %mul3A_46 = vector.broadcast %mul3A_26 : vector<1x64xf32> to vector<1024x64xf32>
    %mul3A_47 = arith.mulf %add3A_45, %mul3A_46 : vector<1024x64xf32>
    %add3A_48 = vector.broadcast %sub3A_31 : vector<1x64xf32> to vector<1024x64xf32>
    %add3A_49 = arith.addf %mul3A_47, %add3A_48 : vector<1024x64xf32>
    %mul3A_50 = arith.constant 5.000000e-01 : f32
    %mul3A_51 = vector.broadcast %mul3A_50 : f32 to vector<1024x64xf32>
    %mul3A_52 = arith.mulf %mul3A_51, %add3A_49 : vector<1024x64xf32>
    %mul3A_53 = arith.constant 0.707106769 : f32
    %mul3A_54 = vector.broadcast %mul3A_53 : f32 to vector<1024x64xf32>
    %mul3A_55 = arith.mulf %add3A_49, %mul3A_54 : vector<1024x64xf32>
    %erf3A = math.erf %mul3A_55 : vector<1024x64xf32>
    %add3A_56 = arith.constant 1.000000e+00 : f32
    %add3A_57 = vector.broadcast %add3A_56 : f32 to vector<1024x64xf32>
    %add3A_58 = arith.addf %add3A_57, %erf3A : vector<1024x64xf32>
    %mul3A_59 = arith.mulf %mul3A_52, %add3A_58 : vector<1024x64xf32>
    %dot_general3A_60 = arith.constant dense<0.000000e+00> : vector<1024x128xf32>
    %dot_general3A_61 = tpu.matmul %mul3A_59, %get3A_9, %dot_general3A_60 {dimension_numbers = #tpu.dot_dimension_numbers<[1], [0], [0], [1], [0, 0, 1, 1], [], []>, transpose_lhs_hint = false} : vector<1024x64xf32>, vector<64x128xf32>, vector<1024x128xf32> -> vector<1024x128xf32>
    %reduce_sum3A = arith.constant dense<0.000000e+00> : vector<128xf32>
    %reduce_sum3A_62 = vector.multi_reduction <add>, %dot_general3A_61, %reduce_sum3A [0] : vector<1024x128xf32> to vector<128xf32>
    %broadcast_in_dim3A_63 = vector.shape_cast %reduce_sum3A_62 : vector<128xf32> to vector<1x128xf32>
    %add3A_64 = arith.addf %broadcast_in_dim3A_32, %broadcast_in_dim3A_63 : vector<1x128xf32>
    %mul3A_65 = arith.mulf %dot_general3A_61, %dot_general3A_61 : vector<1024x128xf32>
    %reduce_sum3A_66 = arith.constant dense<0.000000e+00> : vector<128xf32>
    %reduce_sum3A_67 = vector.multi_reduction <add>, %mul3A_65, %reduce_sum3A_66 [0] : vector<1024x128xf32> to vector<128xf32>
    %broadcast_in_dim3A_68 = vector.shape_cast %reduce_sum3A_67 : vector<128xf32> to vector<1x128xf32>
    %add3A_69 = arith.addf %broadcast_in_dim3A_34, %broadcast_in_dim3A_68 : vector<1x128xf32>
    %get3A_70 = arith.constant 1 : index
    %get3A_71 = arith.constant 0 : index
    %get3A_72 = arith.constant 0 : index
    %get3A_73 = vector.load %arg2[%get3A_70, %get3A_71, %get3A_72] : memref<16x1024x16xf32, #tpu.memory_space<vmem>>, vector<1x1024x16xf32>
    %get3A_74 = vector.shape_cast %get3A_73 : vector<1x1024x16xf32> to vector<1024x16xf32>
    %sub3A_75 = arith.subf %get3A_74, %get3A_3 : vector<1024x16xf32>
    %slice3A_76 = vector.extract_strided_slice %get3A_6 {offsets = [0, 0], sizes = [16, 64], strides = [1, 1]} : vector<32x64xf32> to vector<16x64xf32>
    %dot_general3A_77 = arith.constant dense<0.000000e+00> : vector<1024x64xf32>
    %dot_general3A_78 = tpu.matmul %get3A_3, %slice3A_76, %dot_general3A_77 {dimension_numbers = #tpu.dot_dimension_numbers<[1], [0], [0], [1], [0, 0, 1, 1], [], []>, transpose_lhs_hint = false} : vector<1024x16xf32>, vector<16x64xf32>, vector<1024x64xf32> -> vector<1024x64xf32>
    %slice3A_79 = vector.extract_strided_slice %get3A_6 {offsets = [16, 0], sizes = [16, 64], strides = [1, 1]} : vector<32x64xf32> to vector<16x64xf32>
    %dot_general3A_80 = arith.constant dense<0.000000e+00> : vector<1024x64xf32>
    %dot_general3A_81 = tpu.matmul %sub3A_75, %slice3A_79, %dot_general3A_80 {dimension_numbers = #tpu.dot_dimension_numbers<[1], [0], [0], [1], [0, 0, 1, 1], [], []>, transpose_lhs_hint = false} : vector<1024x16xf32>, vector<16x64xf32>, vector<1024x64xf32> -> vector<1024x64xf32>
    %add3A_82 = arith.addf %dot_general3A_78, %dot_general3A_81 : vector<1024x64xf32>
    %mul3A_83 = vector.broadcast %mul3A_26 : vector<1x64xf32> to vector<1024x64xf32>
    %mul3A_84 = arith.mulf %add3A_82, %mul3A_83 : vector<1024x64xf32>
    %add3A_85 = vector.broadcast %sub3A_31 : vector<1x64xf32> to vector<1024x64xf32>
    %add3A_86 = arith.addf %mul3A_84, %add3A_85 : vector<1024x64xf32>
    %mul3A_87 = arith.constant 5.000000e-01 : f32
    %mul3A_88 = vector.broadcast %mul3A_87 : f32 to vector<1024x64xf32>
    %mul3A_89 = arith.mulf %mul3A_88, %add3A_86 : vector<1024x64xf32>
    %mul3A_90 = arith.constant 0.707106769 : f32
    %mul3A_91 = vector.broadcast %mul3A_90 : f32 to vector<1024x64xf32>
    %mul3A_92 = arith.mulf %add3A_86, %mul3A_91 : vector<1024x64xf32>
    %erf3A_93 = math.erf %mul3A_92 : vector<1024x64xf32>
    %add3A_94 = arith.constant 1.000000e+00 : f32
    %add3A_95 = vector.broadcast %add3A_94 : f32 to vector<1024x64xf32>
    %add3A_96 = arith.addf %add3A_95, %erf3A_93 : vector<1024x64xf32>
    %mul3A_97 = arith.mulf %mul3A_89, %add3A_96 : vector<1024x64xf32>
    %dot_general3A_98 = arith.constant dense<0.000000e+00> : vector<1024x128xf32>
    %dot_general3A_99 = tpu.matmul %mul3A_97, %get3A_9, %dot_general3A_98 {dimension_numbers = #tpu.dot_dimension_numbers<[1], [0], [0], [1], [0, 0, 1, 1], [], []>, transpose_lhs_hint = false} : vector<1024x64xf32>, vector<64x128xf32>, vector<1024x128xf32> -> vector<1024x128xf32>
    %reduce_sum3A_100 = arith.constant dense<0.000000e+00> : vector<128xf32>
    %reduce_sum3A_101 = vector.multi_reduction <add>, %dot_general3A_99, %reduce_sum3A_100 [0] : vector<1024x128xf32> to vector<128xf32>
    %broadcast_in_dim3A_102 = vector.shape_cast %reduce_sum3A_101 : vector<128xf32> to vector<1x128xf32>
    %add3A_103 = arith.addf %add3A_64, %broadcast_in_dim3A_102 : vector<1x128xf32>
    %mul3A_104 = arith.mulf %dot_general3A_99, %dot_general3A_99 : vector<1024x128xf32>
    %reduce_sum3A_105 = arith.constant dense<0.000000e+00> : vector<128xf32>
    %reduce_sum3A_106 = vector.multi_reduction <add>, %mul3A_104, %reduce_sum3A_105 [0] : vector<1024x128xf32> to vector<128xf32>
    %broadcast_in_dim3A_107 = vector.shape_cast %reduce_sum3A_106 : vector<128xf32> to vector<1x128xf32>
    %add3A_108 = arith.addf %add3A_69, %broadcast_in_dim3A_107 : vector<1x128xf32>
    %get3A_109 = arith.constant 2 : index
    %get3A_110 = arith.constant 0 : index
    %get3A_111 = arith.constant 0 : index
    %get3A_112 = vector.load %arg2[%get3A_109, %get3A_110, %get3A_111] : memref<16x1024x16xf32, #tpu.memory_space<vmem>>, vector<1x1024x16xf32>
    %get3A_113 = vector.shape_cast %get3A_112 : vector<1x1024x16xf32> to vector<1024x16xf32>
    %sub3A_114 = arith.subf %get3A_113, %get3A_3 : vector<1024x16xf32>
    %slice3A_115 = vector.extract_strided_slice %get3A_6 {offsets = [0, 0], sizes = [16, 64], strides = [1, 1]} : vector<32x64xf32> to vector<16x64xf32>
    %dot_general3A_116 = arith.constant dense<0.000000e+00> : vector<1024x64xf32>
    %dot_general3A_117 = tpu.matmul %get3A_3, %slice3A_115, %dot_general3A_116 {dimension_numbers = #tpu.dot_dimension_numbers<[1], [0], [0], [1], [0, 0, 1, 1], [], []>, transpose_lhs_hint = false} : vector<1024x16xf32>, vector<16x64xf32>, vector<1024x64xf32> -> vector<1024x64xf32>
    %slice3A_118 = vector.extract_strided_slice %get3A_6 {offsets = [16, 0], sizes = [16, 64], strides = [1, 1]} : vector<32x64xf32> to vector<16x64xf32>
    %dot_general3A_119 = arith.constant dense<0.000000e+00> : vector<1024x64xf32>
    %dot_general3A_120 = tpu.matmul %sub3A_114, %slice3A_118, %dot_general3A_119 {dimension_numbers = #tpu.dot_dimension_numbers<[1], [0], [0], [1], [0, 0, 1, 1], [], []>, transpose_lhs_hint = false} : vector<1024x16xf32>, vector<16x64xf32>, vector<1024x64xf32> -> vector<1024x64xf32>
    %add3A_121 = arith.addf %dot_general3A_117, %dot_general3A_120 : vector<1024x64xf32>
    %mul3A_122 = vector.broadcast %mul3A_26 : vector<1x64xf32> to vector<1024x64xf32>
    %mul3A_123 = arith.mulf %add3A_121, %mul3A_122 : vector<1024x64xf32>
    %add3A_124 = vector.broadcast %sub3A_31 : vector<1x64xf32> to vector<1024x64xf32>
    %add3A_125 = arith.addf %mul3A_123, %add3A_124 : vector<1024x64xf32>
    %mul3A_126 = arith.constant 5.000000e-01 : f32
    %mul3A_127 = vector.broadcast %mul3A_126 : f32 to vector<1024x64xf32>
    %mul3A_128 = arith.mulf %mul3A_127, %add3A_125 : vector<1024x64xf32>
    %mul3A_129 = arith.constant 0.707106769 : f32
    %mul3A_130 = vector.broadcast %mul3A_129 : f32 to vector<1024x64xf32>
    %mul3A_131 = arith.mulf %add3A_125, %mul3A_130 : vector<1024x64xf32>
    %erf3A_132 = math.erf %mul3A_131 : vector<1024x64xf32>
    %add3A_133 = arith.constant 1.000000e+00 : f32
    %add3A_134 = vector.broadcast %add3A_133 : f32 to vector<1024x64xf32>
    %add3A_135 = arith.addf %add3A_134, %erf3A_132 : vector<1024x64xf32>
    %mul3A_136 = arith.mulf %mul3A_128, %add3A_135 : vector<1024x64xf32>
    %dot_general3A_137 = arith.constant dense<0.000000e+00> : vector<1024x128xf32>
    %dot_general3A_138 = tpu.matmul %mul3A_136, %get3A_9, %dot_general3A_137 {dimension_numbers = #tpu.dot_dimension_numbers<[1], [0], [0], [1], [0, 0, 1, 1], [], []>, transpose_lhs_hint = false} : vector<1024x64xf32>, vector<64x128xf32>, vector<1024x128xf32> -> vector<1024x128xf32>
    %reduce_sum3A_139 = arith.constant dense<0.000000e+00> : vector<128xf32>
    %reduce_sum3A_140 = vector.multi_reduction <add>, %dot_general3A_138, %reduce_sum3A_139 [0] : vector<1024x128xf32> to vector<128xf32>
    %broadcast_in_dim3A_141 = vector.shape_cast %reduce_sum3A_140 : vector<128xf32> to vector<1x128xf32>
    %add3A_142 = arith.addf %add3A_103, %broadcast_in_dim3A_141 : vector<1x128xf32>
    %mul3A_143 = arith.mulf %dot_general3A_138, %dot_general3A_138 : vector<1024x128xf32>
    %reduce_sum3A_144 = arith.constant dense<0.000000e+00> : vector<128xf32>
    %reduce_sum3A_145 = vector.multi_reduction <add>, %mul3A_143, %reduce_sum3A_144 [0] : vector<1024x128xf32> to vector<128xf32>
    %broadcast_in_dim3A_146 = vector.shape_cast %reduce_sum3A_145 : vector<128xf32> to vector<1x128xf32>
    %add3A_147 = arith.addf %add3A_108, %broadcast_in_dim3A_146 : vector<1x128xf32>
    %get3A_148 = arith.constant 3 : index
    %get3A_149 = arith.constant 0 : index
    %get3A_150 = arith.constant 0 : index
    %get3A_151 = vector.load %arg2[%get3A_148, %get3A_149, %get3A_150] : memref<16x1024x16xf32, #tpu.memory_space<vmem>>, vector<1x1024x16xf32>
    %get3A_152 = vector.shape_cast %get3A_151 : vector<1x1024x16xf32> to vector<1024x16xf32>
    %sub3A_153 = arith.subf %get3A_152, %get3A_3 : vector<1024x16xf32>
    %slice3A_154 = vector.extract_strided_slice %get3A_6 {offsets = [0, 0], sizes = [16, 64], strides = [1, 1]} : vector<32x64xf32> to vector<16x64xf32>
    %dot_general3A_155 = arith.constant dense<0.000000e+00> : vector<1024x64xf32>
    %dot_general3A_156 = tpu.matmul %get3A_3, %slice3A_154, %dot_general3A_155 {dimension_numbers = #tpu.dot_dimension_numbers<[1], [0], [0], [1], [0, 0, 1, 1], [], []>, transpose_lhs_hint = false} : vector<1024x16xf32>, vector<16x64xf32>, vector<1024x64xf32> -> vector<1024x64xf32>
    %slice3A_157 = vector.extract_strided_slice %get3A_6 {offsets = [16, 0], sizes = [16, 64], strides = [1, 1]} : vector<32x64xf32> to vector<16x64xf32>
    %dot_general3A_158 = arith.constant dense<0.000000e+00> : vector<1024x64xf32>
    %dot_general3A_159 = tpu.matmul %sub3A_153, %slice3A_157, %dot_general3A_158 {dimension_numbers = #tpu.dot_dimension_numbers<[1], [0], [0], [1], [0, 0, 1, 1], [], []>, transpose_lhs_hint = false} : vector<1024x16xf32>, vector<16x64xf32>, vector<1024x64xf32> -> vector<1024x64xf32>
    %add3A_160 = arith.addf %dot_general3A_156, %dot_general3A_159 : vector<1024x64xf32>
    %mul3A_161 = vector.broadcast %mul3A_26 : vector<1x64xf32> to vector<1024x64xf32>
    %mul3A_162 = arith.mulf %add3A_160, %mul3A_161 : vector<1024x64xf32>
    %add3A_163 = vector.broadcast %sub3A_31 : vector<1x64xf32> to vector<1024x64xf32>
    %add3A_164 = arith.addf %mul3A_162, %add3A_163 : vector<1024x64xf32>
    %mul3A_165 = arith.constant 5.000000e-01 : f32
    %mul3A_166 = vector.broadcast %mul3A_165 : f32 to vector<1024x64xf32>
    %mul3A_167 = arith.mulf %mul3A_166, %add3A_164 : vector<1024x64xf32>
    %mul3A_168 = arith.constant 0.707106769 : f32
    %mul3A_169 = vector.broadcast %mul3A_168 : f32 to vector<1024x64xf32>
    %mul3A_170 = arith.mulf %add3A_164, %mul3A_169 : vector<1024x64xf32>
    %erf3A_171 = math.erf %mul3A_170 : vector<1024x64xf32>
    %add3A_172 = arith.constant 1.000000e+00 : f32
    %add3A_173 = vector.broadcast %add3A_172 : f32 to vector<1024x64xf32>
    %add3A_174 = arith.addf %add3A_173, %erf3A_171 : vector<1024x64xf32>
    %mul3A_175 = arith.mulf %mul3A_167, %add3A_174 : vector<1024x64xf32>
    %dot_general3A_176 = arith.constant dense<0.000000e+00> : vector<1024x128xf32>
    %dot_general3A_177 = tpu.matmul %mul3A_175, %get3A_9, %dot_general3A_176 {dimension_numbers = #tpu.dot_dimension_numbers<[1], [0], [0], [1], [0, 0, 1, 1], [], []>, transpose_lhs_hint = false} : vector<1024x64xf32>, vector<64x128xf32>, vector<1024x128xf32> -> vector<1024x128xf32>
    %reduce_sum3A_178 = arith.constant dense<0.000000e+00> : vector<128xf32>
    %reduce_sum3A_179 = vector.multi_reduction <add>, %dot_general3A_177, %reduce_sum3A_178 [0] : vector<1024x128xf32> to vector<128xf32>
    %broadcast_in_dim3A_180 = vector.shape_cast %reduce_sum3A_179 : vector<128xf32> to vector<1x128xf32>
    %add3A_181 = arith.addf %add3A_142, %broadcast_in_dim3A_180 : vector<1x128xf32>
    %mul3A_182 = arith.mulf %dot_general3A_177, %dot_general3A_177 : vector<1024x128xf32>
    %reduce_sum3A_183 = arith.constant dense<0.000000e+00> : vector<128xf32>
    %reduce_sum3A_184 = vector.multi_reduction <add>, %mul3A_182, %reduce_sum3A_183 [0] : vector<1024x128xf32> to vector<128xf32>
    %broadcast_in_dim3A_185 = vector.shape_cast %reduce_sum3A_184 : vector<128xf32> to vector<1x128xf32>
    %add3A_186 = arith.addf %add3A_147, %broadcast_in_dim3A_185 : vector<1x128xf32>
    %get3A_187 = arith.constant 4 : index
    %get3A_188 = arith.constant 0 : index
    %get3A_189 = arith.constant 0 : index
    %get3A_190 = vector.load %arg2[%get3A_187, %get3A_188, %get3A_189] : memref<16x1024x16xf32, #tpu.memory_space<vmem>>, vector<1x1024x16xf32>
    %get3A_191 = vector.shape_cast %get3A_190 : vector<1x1024x16xf32> to vector<1024x16xf32>
    %sub3A_192 = arith.subf %get3A_191, %get3A_3 : vector<1024x16xf32>
    %slice3A_193 = vector.extract_strided_slice %get3A_6 {offsets = [0, 0], sizes = [16, 64], strides = [1, 1]} : vector<32x64xf32> to vector<16x64xf32>
    %dot_general3A_194 = arith.constant dense<0.000000e+00> : vector<1024x64xf32>
    %dot_general3A_195 = tpu.matmul %get3A_3, %slice3A_193, %dot_general3A_194 {dimension_numbers = #tpu.dot_dimension_numbers<[1], [0], [0], [1], [0, 0, 1, 1], [], []>, transpose_lhs_hint = false} : vector<1024x16xf32>, vector<16x64xf32>, vector<1024x64xf32> -> vector<1024x64xf32>
    %slice3A_196 = vector.extract_strided_slice %get3A_6 {offsets = [16, 0], sizes = [16, 64], strides = [1, 1]} : vector<32x64xf32> to vector<16x64xf32>
    %dot_general3A_197 = arith.constant dense<0.000000e+00> : vector<1024x64xf32>
    %dot_general3A_198 = tpu.matmul %sub3A_192, %slice3A_196, %dot_general3A_197 {dimension_numbers = #tpu.dot_dimension_numbers<[1], [0], [0], [1], [0, 0, 1, 1], [], []>, transpose_lhs_hint = false} : vector<1024x16xf32>, vector<16x64xf32>, vector<1024x64xf32> -> vector<1024x64xf32>
    %add3A_199 = arith.addf %dot_general3A_195, %dot_general3A_198 : vector<1024x64xf32>
    %mul3A_200 = vector.broadcast %mul3A_26 : vector<1x64xf32> to vector<1024x64xf32>
    %mul3A_201 = arith.mulf %add3A_199, %mul3A_200 : vector<1024x64xf32>
    %add3A_202 = vector.broadcast %sub3A_31 : vector<1x64xf32> to vector<1024x64xf32>
    %add3A_203 = arith.addf %mul3A_201, %add3A_202 : vector<1024x64xf32>
    %mul3A_204 = arith.constant 5.000000e-01 : f32
    %mul3A_205 = vector.broadcast %mul3A_204 : f32 to vector<1024x64xf32>
    %mul3A_206 = arith.mulf %mul3A_205, %add3A_203 : vector<1024x64xf32>
    %mul3A_207 = arith.constant 0.707106769 : f32
    %mul3A_208 = vector.broadcast %mul3A_207 : f32 to vector<1024x64xf32>
    %mul3A_209 = arith.mulf %add3A_203, %mul3A_208 : vector<1024x64xf32>
    %erf3A_210 = math.erf %mul3A_209 : vector<1024x64xf32>
    %add3A_211 = arith.constant 1.000000e+00 : f32
    %add3A_212 = vector.broadcast %add3A_211 : f32 to vector<1024x64xf32>
    %add3A_213 = arith.addf %add3A_212, %erf3A_210 : vector<1024x64xf32>
    %mul3A_214 = arith.mulf %mul3A_206, %add3A_213 : vector<1024x64xf32>
    %dot_general3A_215 = arith.constant dense<0.000000e+00> : vector<1024x128xf32>
    %dot_general3A_216 = tpu.matmul %mul3A_214, %get3A_9, %dot_general3A_215 {dimension_numbers = #tpu.dot_dimension_numbers<[1], [0], [0], [1], [0, 0, 1, 1], [], []>, transpose_lhs_hint = false} : vector<1024x64xf32>, vector<64x128xf32>, vector<1024x128xf32> -> vector<1024x128xf32>
    %reduce_sum3A_217 = arith.constant dense<0.000000e+00> : vector<128xf32>
    %reduce_sum3A_218 = vector.multi_reduction <add>, %dot_general3A_216, %reduce_sum3A_217 [0] : vector<1024x128xf32> to vector<128xf32>
    %broadcast_in_dim3A_219 = vector.shape_cast %reduce_sum3A_218 : vector<128xf32> to vector<1x128xf32>
    %add3A_220 = arith.addf %add3A_181, %broadcast_in_dim3A_219 : vector<1x128xf32>
    %mul3A_221 = arith.mulf %dot_general3A_216, %dot_general3A_216 : vector<1024x128xf32>
    %reduce_sum3A_222 = arith.constant dense<0.000000e+00> : vector<128xf32>
    %reduce_sum3A_223 = vector.multi_reduction <add>, %mul3A_221, %reduce_sum3A_222 [0] : vector<1024x128xf32> to vector<128xf32>
    %broadcast_in_dim3A_224 = vector.shape_cast %reduce_sum3A_223 : vector<128xf32> to vector<1x128xf32>
    %add3A_225 = arith.addf %add3A_186, %broadcast_in_dim3A_224 : vector<1x128xf32>
    %get3A_226 = arith.constant 5 : index
    %get3A_227 = arith.constant 0 : index
    %get3A_228 = arith.constant 0 : index
    %get3A_229 = vector.load %arg2[%get3A_226, %get3A_227, %get3A_228] : memref<16x1024x16xf32, #tpu.memory_space<vmem>>, vector<1x1024x16xf32>
    %get3A_230 = vector.shape_cast %get3A_229 : vector<1x1024x16xf32> to vector<1024x16xf32>
    %sub3A_231 = arith.subf %get3A_230, %get3A_3 : vector<1024x16xf32>
    %slice3A_232 = vector.extract_strided_slice %get3A_6 {offsets = [0, 0], sizes = [16, 64], strides = [1, 1]} : vector<32x64xf32> to vector<16x64xf32>
    %dot_general3A_233 = arith.constant dense<0.000000e+00> : vector<1024x64xf32>
    %dot_general3A_234 = tpu.matmul %get3A_3, %slice3A_232, %dot_general3A_233 {dimension_numbers = #tpu.dot_dimension_numbers<[1], [0], [0], [1], [0, 0, 1, 1], [], []>, transpose_lhs_hint = false} : vector<1024x16xf32>, vector<16x64xf32>, vector<1024x64xf32> -> vector<1024x64xf32>
    %slice3A_235 = vector.extract_strided_slice %get3A_6 {offsets = [16, 0], sizes = [16, 64], strides = [1, 1]} : vector<32x64xf32> to vector<16x64xf32>
    %dot_general3A_236 = arith.constant dense<0.000000e+00> : vector<1024x64xf32>
    %dot_general3A_237 = tpu.matmul %sub3A_231, %slice3A_235, %dot_general3A_236 {dimension_numbers = #tpu.dot_dimension_numbers<[1], [0], [0], [1], [0, 0, 1, 1], [], []>, transpose_lhs_hint = false} : vector<1024x16xf32>, vector<16x64xf32>, vector<1024x64xf32> -> vector<1024x64xf32>
    %add3A_238 = arith.addf %dot_general3A_234, %dot_general3A_237 : vector<1024x64xf32>
    %mul3A_239 = vector.broadcast %mul3A_26 : vector<1x64xf32> to vector<1024x64xf32>
    %mul3A_240 = arith.mulf %add3A_238, %mul3A_239 : vector<1024x64xf32>
    %add3A_241 = vector.broadcast %sub3A_31 : vector<1x64xf32> to vector<1024x64xf32>
    %add3A_242 = arith.addf %mul3A_240, %add3A_241 : vector<1024x64xf32>
    %mul3A_243 = arith.constant 5.000000e-01 : f32
    %mul3A_244 = vector.broadcast %mul3A_243 : f32 to vector<1024x64xf32>
    %mul3A_245 = arith.mulf %mul3A_244, %add3A_242 : vector<1024x64xf32>
    %mul3A_246 = arith.constant 0.707106769 : f32
    %mul3A_247 = vector.broadcast %mul3A_246 : f32 to vector<1024x64xf32>
    %mul3A_248 = arith.mulf %add3A_242, %mul3A_247 : vector<1024x64xf32>
    %erf3A_249 = math.erf %mul3A_248 : vector<1024x64xf32>
    %add3A_250 = arith.constant 1.000000e+00 : f32
    %add3A_251 = vector.broadcast %add3A_250 : f32 to vector<1024x64xf32>
    %add3A_252 = arith.addf %add3A_251, %erf3A_249 : vector<1024x64xf32>
    %mul3A_253 = arith.mulf %mul3A_245, %add3A_252 : vector<1024x64xf32>
    %dot_general3A_254 = arith.constant dense<0.000000e+00> : vector<1024x128xf32>
    %dot_general3A_255 = tpu.matmul %mul3A_253, %get3A_9, %dot_general3A_254 {dimension_numbers = #tpu.dot_dimension_numbers<[1], [0], [0], [1], [0, 0, 1, 1], [], []>, transpose_lhs_hint = false} : vector<1024x64xf32>, vector<64x128xf32>, vector<1024x128xf32> -> vector<1024x128xf32>
    %reduce_sum3A_256 = arith.constant dense<0.000000e+00> : vector<128xf32>
    %reduce_sum3A_257 = vector.multi_reduction <add>, %dot_general3A_255, %reduce_sum3A_256 [0] : vector<1024x128xf32> to vector<128xf32>
    %broadcast_in_dim3A_258 = vector.shape_cast %reduce_sum3A_257 : vector<128xf32> to vector<1x128xf32>
    %add3A_259 = arith.addf %add3A_220, %broadcast_in_dim3A_258 : vector<1x128xf32>
    %mul3A_260 = arith.mulf %dot_general3A_255, %dot_general3A_255 : vector<1024x128xf32>
    %reduce_sum3A_261 = arith.constant dense<0.000000e+00> : vector<128xf32>
    %reduce_sum3A_262 = vector.multi_reduction <add>, %mul3A_260, %reduce_sum3A_261 [0] : vector<1024x128xf32> to vector<128xf32>
    %broadcast_in_dim3A_263 = vector.shape_cast %reduce_sum3A_262 : vector<128xf32> to vector<1x128xf32>
    %add3A_264 = arith.addf %add3A_225, %broadcast_in_dim3A_263 : vector<1x128xf32>
    %get3A_265 = arith.constant 6 : index
    %get3A_266 = arith.constant 0 : index
    %get3A_267 = arith.constant 0 : index
    %get3A_268 = vector.load %arg2[%get3A_265, %get3A_266, %get3A_267] : memref<16x1024x16xf32, #tpu.memory_space<vmem>>, vector<1x1024x16xf32>
    %get3A_269 = vector.shape_cast %get3A_268 : vector<1x1024x16xf32> to vector<1024x16xf32>
    %sub3A_270 = arith.subf %get3A_269, %get3A_3 : vector<1024x16xf32>
    %slice3A_271 = vector.extract_strided_slice %get3A_6 {offsets = [0, 0], sizes = [16, 64], strides = [1, 1]} : vector<32x64xf32> to vector<16x64xf32>
    %dot_general3A_272 = arith.constant dense<0.000000e+00> : vector<1024x64xf32>
    %dot_general3A_273 = tpu.matmul %get3A_3, %slice3A_271, %dot_general3A_272 {dimension_numbers = #tpu.dot_dimension_numbers<[1], [0], [0], [1], [0, 0, 1, 1], [], []>, transpose_lhs_hint = false} : vector<1024x16xf32>, vector<16x64xf32>, vector<1024x64xf32> -> vector<1024x64xf32>
    %slice3A_274 = vector.extract_strided_slice %get3A_6 {offsets = [16, 0], sizes = [16, 64], strides = [1, 1]} : vector<32x64xf32> to vector<16x64xf32>
    %dot_general3A_275 = arith.constant dense<0.000000e+00> : vector<1024x64xf32>
    %dot_general3A_276 = tpu.matmul %sub3A_270, %slice3A_274, %dot_general3A_275 {dimension_numbers = #tpu.dot_dimension_numbers<[1], [0], [0], [1], [0, 0, 1, 1], [], []>, transpose_lhs_hint = false} : vector<1024x16xf32>, vector<16x64xf32>, vector<1024x64xf32> -> vector<1024x64xf32>
    %add3A_277 = arith.addf %dot_general3A_273, %dot_general3A_276 : vector<1024x64xf32>
    %mul3A_278 = vector.broadcast %mul3A_26 : vector<1x64xf32> to vector<1024x64xf32>
    %mul3A_279 = arith.mulf %add3A_277, %mul3A_278 : vector<1024x64xf32>
    %add3A_280 = vector.broadcast %sub3A_31 : vector<1x64xf32> to vector<1024x64xf32>
    %add3A_281 = arith.addf %mul3A_279, %add3A_280 : vector<1024x64xf32>
    %mul3A_282 = arith.constant 5.000000e-01 : f32
    %mul3A_283 = vector.broadcast %mul3A_282 : f32 to vector<1024x64xf32>
    %mul3A_284 = arith.mulf %mul3A_283, %add3A_281 : vector<1024x64xf32>
    %mul3A_285 = arith.constant 0.707106769 : f32
    %mul3A_286 = vector.broadcast %mul3A_285 : f32 to vector<1024x64xf32>
    %mul3A_287 = arith.mulf %add3A_281, %mul3A_286 : vector<1024x64xf32>
    %erf3A_288 = math.erf %mul3A_287 : vector<1024x64xf32>
    %add3A_289 = arith.constant 1.000000e+00 : f32
    %add3A_290 = vector.broadcast %add3A_289 : f32 to vector<1024x64xf32>
    %add3A_291 = arith.addf %add3A_290, %erf3A_288 : vector<1024x64xf32>
    %mul3A_292 = arith.mulf %mul3A_284, %add3A_291 : vector<1024x64xf32>
    %dot_general3A_293 = arith.constant dense<0.000000e+00> : vector<1024x128xf32>
    %dot_general3A_294 = tpu.matmul %mul3A_292, %get3A_9, %dot_general3A_293 {dimension_numbers = #tpu.dot_dimension_numbers<[1], [0], [0], [1], [0, 0, 1, 1], [], []>, transpose_lhs_hint = false} : vector<1024x64xf32>, vector<64x128xf32>, vector<1024x128xf32> -> vector<1024x128xf32>
    %reduce_sum3A_295 = arith.constant dense<0.000000e+00> : vector<128xf32>
    %reduce_sum3A_296 = vector.multi_reduction <add>, %dot_general3A_294, %reduce_sum3A_295 [0] : vector<1024x128xf32> to vector<128xf32>
    %broadcast_in_dim3A_297 = vector.shape_cast %reduce_sum3A_296 : vector<128xf32> to vector<1x128xf32>
    %add3A_298 = arith.addf %add3A_259, %broadcast_in_dim3A_297 : vector<1x128xf32>
    %mul3A_299 = arith.mulf %dot_general3A_294, %dot_general3A_294 : vector<1024x128xf32>
    %reduce_sum3A_300 = arith.constant dense<0.000000e+00> : vector<128xf32>
    %reduce_sum3A_301 = vector.multi_reduction <add>, %mul3A_299, %reduce_sum3A_300 [0] : vector<1024x128xf32> to vector<128xf32>
    %broadcast_in_dim3A_302 = vector.shape_cast %reduce_sum3A_301 : vector<128xf32> to vector<1x128xf32>
    %add3A_303 = arith.addf %add3A_264, %broadcast_in_dim3A_302 : vector<1x128xf32>
    %get3A_304 = arith.constant 7 : index
    %get3A_305 = arith.constant 0 : index
    %get3A_306 = arith.constant 0 : index
    %get3A_307 = vector.load %arg2[%get3A_304, %get3A_305, %get3A_306] : memref<16x1024x16xf32, #tpu.memory_space<vmem>>, vector<1x1024x16xf32>
    %get3A_308 = vector.shape_cast %get3A_307 : vector<1x1024x16xf32> to vector<1024x16xf32>
    %sub3A_309 = arith.subf %get3A_308, %get3A_3 : vector<1024x16xf32>
    %slice3A_310 = vector.extract_strided_slice %get3A_6 {offsets = [0, 0], sizes = [16, 64], strides = [1, 1]} : vector<32x64xf32> to vector<16x64xf32>
    %dot_general3A_311 = arith.constant dense<0.000000e+00> : vector<1024x64xf32>
    %dot_general3A_312 = tpu.matmul %get3A_3, %slice3A_310, %dot_general3A_311 {dimension_numbers = #tpu.dot_dimension_numbers<[1], [0], [0], [1], [0, 0, 1, 1], [], []>, transpose_lhs_hint = false} : vector<1024x16xf32>, vector<16x64xf32>, vector<1024x64xf32> -> vector<1024x64xf32>
    %slice3A_313 = vector.extract_strided_slice %get3A_6 {offsets = [16, 0], sizes = [16, 64], strides = [1, 1]} : vector<32x64xf32> to vector<16x64xf32>
    %dot_general3A_314 = arith.constant dense<0.000000e+00> : vector<1024x64xf32>
    %dot_general3A_315 = tpu.matmul %sub3A_309, %slice3A_313, %dot_general3A_314 {dimension_numbers = #tpu.dot_dimension_numbers<[1], [0], [0], [1], [0, 0, 1, 1], [], []>, transpose_lhs_hint = false} : vector<1024x16xf32>, vector<16x64xf32>, vector<1024x64xf32> -> vector<1024x64xf32>
    %add3A_316 = arith.addf %dot_general3A_312, %dot_general3A_315 : vector<1024x64xf32>
    %mul3A_317 = vector.broadcast %mul3A_26 : vector<1x64xf32> to vector<1024x64xf32>
    %mul3A_318 = arith.mulf %add3A_316, %mul3A_317 : vector<1024x64xf32>
    %add3A_319 = vector.broadcast %sub3A_31 : vector<1x64xf32> to vector<1024x64xf32>
    %add3A_320 = arith.addf %mul3A_318, %add3A_319 : vector<1024x64xf32>
    %mul3A_321 = arith.constant 5.000000e-01 : f32
    %mul3A_322 = vector.broadcast %mul3A_321 : f32 to vector<1024x64xf32>
    %mul3A_323 = arith.mulf %mul3A_322, %add3A_320 : vector<1024x64xf32>
    %mul3A_324 = arith.constant 0.707106769 : f32
    %mul3A_325 = vector.broadcast %mul3A_324 : f32 to vector<1024x64xf32>
    %mul3A_326 = arith.mulf %add3A_320, %mul3A_325 : vector<1024x64xf32>
    %erf3A_327 = math.erf %mul3A_326 : vector<1024x64xf32>
    %add3A_328 = arith.constant 1.000000e+00 : f32
    %add3A_329 = vector.broadcast %add3A_328 : f32 to vector<1024x64xf32>
    %add3A_330 = arith.addf %add3A_329, %erf3A_327 : vector<1024x64xf32>
    %mul3A_331 = arith.mulf %mul3A_323, %add3A_330 : vector<1024x64xf32>
    %dot_general3A_332 = arith.constant dense<0.000000e+00> : vector<1024x128xf32>
    %dot_general3A_333 = tpu.matmul %mul3A_331, %get3A_9, %dot_general3A_332 {dimension_numbers = #tpu.dot_dimension_numbers<[1], [0], [0], [1], [0, 0, 1, 1], [], []>, transpose_lhs_hint = false} : vector<1024x64xf32>, vector<64x128xf32>, vector<1024x128xf32> -> vector<1024x128xf32>
    %reduce_sum3A_334 = arith.constant dense<0.000000e+00> : vector<128xf32>
    %reduce_sum3A_335 = vector.multi_reduction <add>, %dot_general3A_333, %reduce_sum3A_334 [0] : vector<1024x128xf32> to vector<128xf32>
    %broadcast_in_dim3A_336 = vector.shape_cast %reduce_sum3A_335 : vector<128xf32> to vector<1x128xf32>
    %add3A_337 = arith.addf %add3A_298, %broadcast_in_dim3A_336 : vector<1x128xf32>
    %mul3A_338 = arith.mulf %dot_general3A_333, %dot_general3A_333 : vector<1024x128xf32>
    %reduce_sum3A_339 = arith.constant dense<0.000000e+00> : vector<128xf32>
    %reduce_sum3A_340 = vector.multi_reduction <add>, %mul3A_338, %reduce_sum3A_339 [0] : vector<1024x128xf32> to vector<128xf32>
    %broadcast_in_dim3A_341 = vector.shape_cast %reduce_sum3A_340 : vector<128xf32> to vector<1x128xf32>
    %add3A_342 = arith.addf %add3A_303, %broadcast_in_dim3A_341 : vector<1x128xf32>
    %get3A_343 = arith.constant 8 : index
    %get3A_344 = arith.constant 0 : index
    %get3A_345 = arith.constant 0 : index
    %get3A_346 = vector.load %arg2[%get3A_343, %get3A_344, %get3A_345] : memref<16x1024x16xf32, #tpu.memory_space<vmem>>, vector<1x1024x16xf32>
    %get3A_347 = vector.shape_cast %get3A_346 : vector<1x1024x16xf32> to vector<1024x16xf32>
    %sub3A_348 = arith.subf %get3A_347, %get3A_3 : vector<1024x16xf32>
    %slice3A_349 = vector.extract_strided_slice %get3A_6 {offsets = [0, 0], sizes = [16, 64], strides = [1, 1]} : vector<32x64xf32> to vector<16x64xf32>
    %dot_general3A_350 = arith.constant dense<0.000000e+00> : vector<1024x64xf32>
    %dot_general3A_351 = tpu.matmul %get3A_3, %slice3A_349, %dot_general3A_350 {dimension_numbers = #tpu.dot_dimension_numbers<[1], [0], [0], [1], [0, 0, 1, 1], [], []>, transpose_lhs_hint = false} : vector<1024x16xf32>, vector<16x64xf32>, vector<1024x64xf32> -> vector<1024x64xf32>
    %slice3A_352 = vector.extract_strided_slice %get3A_6 {offsets = [16, 0], sizes = [16, 64], strides = [1, 1]} : vector<32x64xf32> to vector<16x64xf32>
    %dot_general3A_353 = arith.constant dense<0.000000e+00> : vector<1024x64xf32>
    %dot_general3A_354 = tpu.matmul %sub3A_348, %slice3A_352, %dot_general3A_353 {dimension_numbers = #tpu.dot_dimension_numbers<[1], [0], [0], [1], [0, 0, 1, 1], [], []>, transpose_lhs_hint = false} : vector<1024x16xf32>, vector<16x64xf32>, vector<1024x64xf32> -> vector<1024x64xf32>
    %add3A_355 = arith.addf %dot_general3A_351, %dot_general3A_354 : vector<1024x64xf32>
    %mul3A_356 = vector.broadcast %mul3A_26 : vector<1x64xf32> to vector<1024x64xf32>
    %mul3A_357 = arith.mulf %add3A_355, %mul3A_356 : vector<1024x64xf32>
    %add3A_358 = vector.broadcast %sub3A_31 : vector<1x64xf32> to vector<1024x64xf32>
    %add3A_359 = arith.addf %mul3A_357, %add3A_358 : vector<1024x64xf32>
    %mul3A_360 = arith.constant 5.000000e-01 : f32
    %mul3A_361 = vector.broadcast %mul3A_360 : f32 to vector<1024x64xf32>
    %mul3A_362 = arith.mulf %mul3A_361, %add3A_359 : vector<1024x64xf32>
    %mul3A_363 = arith.constant 0.707106769 : f32
    %mul3A_364 = vector.broadcast %mul3A_363 : f32 to vector<1024x64xf32>
    %mul3A_365 = arith.mulf %add3A_359, %mul3A_364 : vector<1024x64xf32>
    %erf3A_366 = math.erf %mul3A_365 : vector<1024x64xf32>
    %add3A_367 = arith.constant 1.000000e+00 : f32
    %add3A_368 = vector.broadcast %add3A_367 : f32 to vector<1024x64xf32>
    %add3A_369 = arith.addf %add3A_368, %erf3A_366 : vector<1024x64xf32>
    %mul3A_370 = arith.mulf %mul3A_362, %add3A_369 : vector<1024x64xf32>
    %dot_general3A_371 = arith.constant dense<0.000000e+00> : vector<1024x128xf32>
    %dot_general3A_372 = tpu.matmul %mul3A_370, %get3A_9, %dot_general3A_371 {dimension_numbers = #tpu.dot_dimension_numbers<[1], [0], [0], [1], [0, 0, 1, 1], [], []>, transpose_lhs_hint = false} : vector<1024x64xf32>, vector<64x128xf32>, vector<1024x128xf32> -> vector<1024x128xf32>
    %reduce_sum3A_373 = arith.constant dense<0.000000e+00> : vector<128xf32>
    %reduce_sum3A_374 = vector.multi_reduction <add>, %dot_general3A_372, %reduce_sum3A_373 [0] : vector<1024x128xf32> to vector<128xf32>
    %broadcast_in_dim3A_375 = vector.shape_cast %reduce_sum3A_374 : vector<128xf32> to vector<1x128xf32>
    %add3A_376 = arith.addf %add3A_337, %broadcast_in_dim3A_375 : vector<1x128xf32>
    %mul3A_377 = arith.mulf %dot_general3A_372, %dot_general3A_372 : vector<1024x128xf32>
    %reduce_sum3A_378 = arith.constant dense<0.000000e+00> : vector<128xf32>
    %reduce_sum3A_379 = vector.multi_reduction <add>, %mul3A_377, %reduce_sum3A_378 [0] : vector<1024x128xf32> to vector<128xf32>
    %broadcast_in_dim3A_380 = vector.shape_cast %reduce_sum3A_379 : vector<128xf32> to vector<1x128xf32>
    %add3A_381 = arith.addf %add3A_342, %broadcast_in_dim3A_380 : vector<1x128xf32>
    %get3A_382 = arith.constant 9 : index
    %get3A_383 = arith.constant 0 : index
    %get3A_384 = arith.constant 0 : index
    %get3A_385 = vector.load %arg2[%get3A_382, %get3A_383, %get3A_384] : memref<16x1024x16xf32, #tpu.memory_space<vmem>>, vector<1x1024x16xf32>
    %get3A_386 = vector.shape_cast %get3A_385 : vector<1x1024x16xf32> to vector<1024x16xf32>
    %sub3A_387 = arith.subf %get3A_386, %get3A_3 : vector<1024x16xf32>
    %slice3A_388 = vector.extract_strided_slice %get3A_6 {offsets = [0, 0], sizes = [16, 64], strides = [1, 1]} : vector<32x64xf32> to vector<16x64xf32>
    %dot_general3A_389 = arith.constant dense<0.000000e+00> : vector<1024x64xf32>
    %dot_general3A_390 = tpu.matmul %get3A_3, %slice3A_388, %dot_general3A_389 {dimension_numbers = #tpu.dot_dimension_numbers<[1], [0], [0], [1], [0, 0, 1, 1], [], []>, transpose_lhs_hint = false} : vector<1024x16xf32>, vector<16x64xf32>, vector<1024x64xf32> -> vector<1024x64xf32>
    %slice3A_391 = vector.extract_strided_slice %get3A_6 {offsets = [16, 0], sizes = [16, 64], strides = [1, 1]} : vector<32x64xf32> to vector<16x64xf32>
    %dot_general3A_392 = arith.constant dense<0.000000e+00> : vector<1024x64xf32>
    %dot_general3A_393 = tpu.matmul %sub3A_387, %slice3A_391, %dot_general3A_392 {dimension_numbers = #tpu.dot_dimension_numbers<[1], [0], [0], [1], [0, 0, 1, 1], [], []>, transpose_lhs_hint = false} : vector<1024x16xf32>, vector<16x64xf32>, vector<1024x64xf32> -> vector<1024x64xf32>
    %add3A_394 = arith.addf %dot_general3A_390, %dot_general3A_393 : vector<1024x64xf32>
    %mul3A_395 = vector.broadcast %mul3A_26 : vector<1x64xf32> to vector<1024x64xf32>
    %mul3A_396 = arith.mulf %add3A_394, %mul3A_395 : vector<1024x64xf32>
    %add3A_397 = vector.broadcast %sub3A_31 : vector<1x64xf32> to vector<1024x64xf32>
    %add3A_398 = arith.addf %mul3A_396, %add3A_397 : vector<1024x64xf32>
    %mul3A_399 = arith.constant 5.000000e-01 : f32
    %mul3A_400 = vector.broadcast %mul3A_399 : f32 to vector<1024x64xf32>
    %mul3A_401 = arith.mulf %mul3A_400, %add3A_398 : vector<1024x64xf32>
    %mul3A_402 = arith.constant 0.707106769 : f32
    %mul3A_403 = vector.broadcast %mul3A_402 : f32 to vector<1024x64xf32>
    %mul3A_404 = arith.mulf %add3A_398, %mul3A_403 : vector<1024x64xf32>
    %erf3A_405 = math.erf %mul3A_404 : vector<1024x64xf32>
    %add3A_406 = arith.constant 1.000000e+00 : f32
    %add3A_407 = vector.broadcast %add3A_406 : f32 to vector<1024x64xf32>
    %add3A_408 = arith.addf %add3A_407, %erf3A_405 : vector<1024x64xf32>
    %mul3A_409 = arith.mulf %mul3A_401, %add3A_408 : vector<1024x64xf32>
    %dot_general3A_410 = arith.constant dense<0.000000e+00> : vector<1024x128xf32>
    %dot_general3A_411 = tpu.matmul %mul3A_409, %get3A_9, %dot_general3A_410 {dimension_numbers = #tpu.dot_dimension_numbers<[1], [0], [0], [1], [0, 0, 1, 1], [], []>, transpose_lhs_hint = false} : vector<1024x64xf32>, vector<64x128xf32>, vector<1024x128xf32> -> vector<1024x128xf32>
    %reduce_sum3A_412 = arith.constant dense<0.000000e+00> : vector<128xf32>
    %reduce_sum3A_413 = vector.multi_reduction <add>, %dot_general3A_411, %reduce_sum3A_412 [0] : vector<1024x128xf32> to vector<128xf32>
    %broadcast_in_dim3A_414 = vector.shape_cast %reduce_sum3A_413 : vector<128xf32> to vector<1x128xf32>
    %add3A_415 = arith.addf %add3A_376, %broadcast_in_dim3A_414 : vector<1x128xf32>
    %mul3A_416 = arith.mulf %dot_general3A_411, %dot_general3A_411 : vector<1024x128xf32>
    %reduce_sum3A_417 = arith.constant dense<0.000000e+00> : vector<128xf32>
    %reduce_sum3A_418 = vector.multi_reduction <add>, %mul3A_416, %reduce_sum3A_417 [0] : vector<1024x128xf32> to vector<128xf32>
    %broadcast_in_dim3A_419 = vector.shape_cast %reduce_sum3A_418 : vector<128xf32> to vector<1x128xf32>
    %add3A_420 = arith.addf %add3A_381, %broadcast_in_dim3A_419 : vector<1x128xf32>
    %get3A_421 = arith.constant 10 : index
    %get3A_422 = arith.constant 0 : index
    %get3A_423 = arith.constant 0 : index
    %get3A_424 = vector.load %arg2[%get3A_421, %get3A_422, %get3A_423] : memref<16x1024x16xf32, #tpu.memory_space<vmem>>, vector<1x1024x16xf32>
    %get3A_425 = vector.shape_cast %get3A_424 : vector<1x1024x16xf32> to vector<1024x16xf32>
    %sub3A_426 = arith.subf %get3A_425, %get3A_3 : vector<1024x16xf32>
    %slice3A_427 = vector.extract_strided_slice %get3A_6 {offsets = [0, 0], sizes = [16, 64], strides = [1, 1]} : vector<32x64xf32> to vector<16x64xf32>
    %dot_general3A_428 = arith.constant dense<0.000000e+00> : vector<1024x64xf32>
    %dot_general3A_429 = tpu.matmul %get3A_3, %slice3A_427, %dot_general3A_428 {dimension_numbers = #tpu.dot_dimension_numbers<[1], [0], [0], [1], [0, 0, 1, 1], [], []>, transpose_lhs_hint = false} : vector<1024x16xf32>, vector<16x64xf32>, vector<1024x64xf32> -> vector<1024x64xf32>
    %slice3A_430 = vector.extract_strided_slice %get3A_6 {offsets = [16, 0], sizes = [16, 64], strides = [1, 1]} : vector<32x64xf32> to vector<16x64xf32>
    %dot_general3A_431 = arith.constant dense<0.000000e+00> : vector<1024x64xf32>
    %dot_general3A_432 = tpu.matmul %sub3A_426, %slice3A_430, %dot_general3A_431 {dimension_numbers = #tpu.dot_dimension_numbers<[1], [0], [0], [1], [0, 0, 1, 1], [], []>, transpose_lhs_hint = false} : vector<1024x16xf32>, vector<16x64xf32>, vector<1024x64xf32> -> vector<1024x64xf32>
    %add3A_433 = arith.addf %dot_general3A_429, %dot_general3A_432 : vector<1024x64xf32>
    %mul3A_434 = vector.broadcast %mul3A_26 : vector<1x64xf32> to vector<1024x64xf32>
    %mul3A_435 = arith.mulf %add3A_433, %mul3A_434 : vector<1024x64xf32>
    %add3A_436 = vector.broadcast %sub3A_31 : vector<1x64xf32> to vector<1024x64xf32>
    %add3A_437 = arith.addf %mul3A_435, %add3A_436 : vector<1024x64xf32>
    %mul3A_438 = arith.constant 5.000000e-01 : f32
    %mul3A_439 = vector.broadcast %mul3A_438 : f32 to vector<1024x64xf32>
    %mul3A_440 = arith.mulf %mul3A_439, %add3A_437 : vector<1024x64xf32>
    %mul3A_441 = arith.constant 0.707106769 : f32
    %mul3A_442 = vector.broadcast %mul3A_441 : f32 to vector<1024x64xf32>
    %mul3A_443 = arith.mulf %add3A_437, %mul3A_442 : vector<1024x64xf32>
    %erf3A_444 = math.erf %mul3A_443 : vector<1024x64xf32>
    %add3A_445 = arith.constant 1.000000e+00 : f32
    %add3A_446 = vector.broadcast %add3A_445 : f32 to vector<1024x64xf32>
    %add3A_447 = arith.addf %add3A_446, %erf3A_444 : vector<1024x64xf32>
    %mul3A_448 = arith.mulf %mul3A_440, %add3A_447 : vector<1024x64xf32>
    %dot_general3A_449 = arith.constant dense<0.000000e+00> : vector<1024x128xf32>
    %dot_general3A_450 = tpu.matmul %mul3A_448, %get3A_9, %dot_general3A_449 {dimension_numbers = #tpu.dot_dimension_numbers<[1], [0], [0], [1], [0, 0, 1, 1], [], []>, transpose_lhs_hint = false} : vector<1024x64xf32>, vector<64x128xf32>, vector<1024x128xf32> -> vector<1024x128xf32>
    %reduce_sum3A_451 = arith.constant dense<0.000000e+00> : vector<128xf32>
    %reduce_sum3A_452 = vector.multi_reduction <add>, %dot_general3A_450, %reduce_sum3A_451 [0] : vector<1024x128xf32> to vector<128xf32>
    %broadcast_in_dim3A_453 = vector.shape_cast %reduce_sum3A_452 : vector<128xf32> to vector<1x128xf32>
    %add3A_454 = arith.addf %add3A_415, %broadcast_in_dim3A_453 : vector<1x128xf32>
    %mul3A_455 = arith.mulf %dot_general3A_450, %dot_general3A_450 : vector<1024x128xf32>
    %reduce_sum3A_456 = arith.constant dense<0.000000e+00> : vector<128xf32>
    %reduce_sum3A_457 = vector.multi_reduction <add>, %mul3A_455, %reduce_sum3A_456 [0] : vector<1024x128xf32> to vector<128xf32>
    %broadcast_in_dim3A_458 = vector.shape_cast %reduce_sum3A_457 : vector<128xf32> to vector<1x128xf32>
    %add3A_459 = arith.addf %add3A_420, %broadcast_in_dim3A_458 : vector<1x128xf32>
    %get3A_460 = arith.constant 11 : index
    %get3A_461 = arith.constant 0 : index
    %get3A_462 = arith.constant 0 : index
    %get3A_463 = vector.load %arg2[%get3A_460, %get3A_461, %get3A_462] : memref<16x1024x16xf32, #tpu.memory_space<vmem>>, vector<1x1024x16xf32>
    %get3A_464 = vector.shape_cast %get3A_463 : vector<1x1024x16xf32> to vector<1024x16xf32>
    %sub3A_465 = arith.subf %get3A_464, %get3A_3 : vector<1024x16xf32>
    %slice3A_466 = vector.extract_strided_slice %get3A_6 {offsets = [0, 0], sizes = [16, 64], strides = [1, 1]} : vector<32x64xf32> to vector<16x64xf32>
    %dot_general3A_467 = arith.constant dense<0.000000e+00> : vector<1024x64xf32>
    %dot_general3A_468 = tpu.matmul %get3A_3, %slice3A_466, %dot_general3A_467 {dimension_numbers = #tpu.dot_dimension_numbers<[1], [0], [0], [1], [0, 0, 1, 1], [], []>, transpose_lhs_hint = false} : vector<1024x16xf32>, vector<16x64xf32>, vector<1024x64xf32> -> vector<1024x64xf32>
    %slice3A_469 = vector.extract_strided_slice %get3A_6 {offsets = [16, 0], sizes = [16, 64], strides = [1, 1]} : vector<32x64xf32> to vector<16x64xf32>
    %dot_general3A_470 = arith.constant dense<0.000000e+00> : vector<1024x64xf32>
    %dot_general3A_471 = tpu.matmul %sub3A_465, %slice3A_469, %dot_general3A_470 {dimension_numbers = #tpu.dot_dimension_numbers<[1], [0], [0], [1], [0, 0, 1, 1], [], []>, transpose_lhs_hint = false} : vector<1024x16xf32>, vector<16x64xf32>, vector<1024x64xf32> -> vector<1024x64xf32>
    %add3A_472 = arith.addf %dot_general3A_468, %dot_general3A_471 : vector<1024x64xf32>
    %mul3A_473 = vector.broadcast %mul3A_26 : vector<1x64xf32> to vector<1024x64xf32>
    %mul3A_474 = arith.mulf %add3A_472, %mul3A_473 : vector<1024x64xf32>
    %add3A_475 = vector.broadcast %sub3A_31 : vector<1x64xf32> to vector<1024x64xf32>
    %add3A_476 = arith.addf %mul3A_474, %add3A_475 : vector<1024x64xf32>
    %mul3A_477 = arith.constant 5.000000e-01 : f32
    %mul3A_478 = vector.broadcast %mul3A_477 : f32 to vector<1024x64xf32>
    %mul3A_479 = arith.mulf %mul3A_478, %add3A_476 : vector<1024x64xf32>
    %mul3A_480 = arith.constant 0.707106769 : f32
    %mul3A_481 = vector.broadcast %mul3A_480 : f32 to vector<1024x64xf32>
    %mul3A_482 = arith.mulf %add3A_476, %mul3A_481 : vector<1024x64xf32>
    %erf3A_483 = math.erf %mul3A_482 : vector<1024x64xf32>
    %add3A_484 = arith.constant 1.000000e+00 : f32
    %add3A_485 = vector.broadcast %add3A_484 : f32 to vector<1024x64xf32>
    %add3A_486 = arith.addf %add3A_485, %erf3A_483 : vector<1024x64xf32>
    %mul3A_487 = arith.mulf %mul3A_479, %add3A_486 : vector<1024x64xf32>
    %dot_general3A_488 = arith.constant dense<0.000000e+00> : vector<1024x128xf32>
    %dot_general3A_489 = tpu.matmul %mul3A_487, %get3A_9, %dot_general3A_488 {dimension_numbers = #tpu.dot_dimension_numbers<[1], [0], [0], [1], [0, 0, 1, 1], [], []>, transpose_lhs_hint = false} : vector<1024x64xf32>, vector<64x128xf32>, vector<1024x128xf32> -> vector<1024x128xf32>
    %reduce_sum3A_490 = arith.constant dense<0.000000e+00> : vector<128xf32>
    %reduce_sum3A_491 = vector.multi_reduction <add>, %dot_general3A_489, %reduce_sum3A_490 [0] : vector<1024x128xf32> to vector<128xf32>
    %broadcast_in_dim3A_492 = vector.shape_cast %reduce_sum3A_491 : vector<128xf32> to vector<1x128xf32>
    %add3A_493 = arith.addf %add3A_454, %broadcast_in_dim3A_492 : vector<1x128xf32>
    %mul3A_494 = arith.mulf %dot_general3A_489, %dot_general3A_489 : vector<1024x128xf32>
    %reduce_sum3A_495 = arith.constant dense<0.000000e+00> : vector<128xf32>
    %reduce_sum3A_496 = vector.multi_reduction <add>, %mul3A_494, %reduce_sum3A_495 [0] : vector<1024x128xf32> to vector<128xf32>
    %broadcast_in_dim3A_497 = vector.shape_cast %reduce_sum3A_496 : vector<128xf32> to vector<1x128xf32>
    %add3A_498 = arith.addf %add3A_459, %broadcast_in_dim3A_497 : vector<1x128xf32>
    %get3A_499 = arith.constant 12 : index
    %get3A_500 = arith.constant 0 : index
    %get3A_501 = arith.constant 0 : index
    %get3A_502 = vector.load %arg2[%get3A_499, %get3A_500, %get3A_501] : memref<16x1024x16xf32, #tpu.memory_space<vmem>>, vector<1x1024x16xf32>
    %get3A_503 = vector.shape_cast %get3A_502 : vector<1x1024x16xf32> to vector<1024x16xf32>
    %sub3A_504 = arith.subf %get3A_503, %get3A_3 : vector<1024x16xf32>
    %slice3A_505 = vector.extract_strided_slice %get3A_6 {offsets = [0, 0], sizes = [16, 64], strides = [1, 1]} : vector<32x64xf32> to vector<16x64xf32>
    %dot_general3A_506 = arith.constant dense<0.000000e+00> : vector<1024x64xf32>
    %dot_general3A_507 = tpu.matmul %get3A_3, %slice3A_505, %dot_general3A_506 {dimension_numbers = #tpu.dot_dimension_numbers<[1], [0], [0], [1], [0, 0, 1, 1], [], []>, transpose_lhs_hint = false} : vector<1024x16xf32>, vector<16x64xf32>, vector<1024x64xf32> -> vector<1024x64xf32>
    %slice3A_508 = vector.extract_strided_slice %get3A_6 {offsets = [16, 0], sizes = [16, 64], strides = [1, 1]} : vector<32x64xf32> to vector<16x64xf32>
    %dot_general3A_509 = arith.constant dense<0.000000e+00> : vector<1024x64xf32>
    %dot_general3A_510 = tpu.matmul %sub3A_504, %slice3A_508, %dot_general3A_509 {dimension_numbers = #tpu.dot_dimension_numbers<[1], [0], [0], [1], [0, 0, 1, 1], [], []>, transpose_lhs_hint = false} : vector<1024x16xf32>, vector<16x64xf32>, vector<1024x64xf32> -> vector<1024x64xf32>
    %add3A_511 = arith.addf %dot_general3A_507, %dot_general3A_510 : vector<1024x64xf32>
    %mul3A_512 = vector.broadcast %mul3A_26 : vector<1x64xf32> to vector<1024x64xf32>
    %mul3A_513 = arith.mulf %add3A_511, %mul3A_512 : vector<1024x64xf32>
    %add3A_514 = vector.broadcast %sub3A_31 : vector<1x64xf32> to vector<1024x64xf32>
    %add3A_515 = arith.addf %mul3A_513, %add3A_514 : vector<1024x64xf32>
    %mul3A_516 = arith.constant 5.000000e-01 : f32
    %mul3A_517 = vector.broadcast %mul3A_516 : f32 to vector<1024x64xf32>
    %mul3A_518 = arith.mulf %mul3A_517, %add3A_515 : vector<1024x64xf32>
    %mul3A_519 = arith.constant 0.707106769 : f32
    %mul3A_520 = vector.broadcast %mul3A_519 : f32 to vector<1024x64xf32>
    %mul3A_521 = arith.mulf %add3A_515, %mul3A_520 : vector<1024x64xf32>
    %erf3A_522 = math.erf %mul3A_521 : vector<1024x64xf32>
    %add3A_523 = arith.constant 1.000000e+00 : f32
    %add3A_524 = vector.broadcast %add3A_523 : f32 to vector<1024x64xf32>
    %add3A_525 = arith.addf %add3A_524, %erf3A_522 : vector<1024x64xf32>
    %mul3A_526 = arith.mulf %mul3A_518, %add3A_525 : vector<1024x64xf32>
    %dot_general3A_527 = arith.constant dense<0.000000e+00> : vector<1024x128xf32>
    %dot_general3A_528 = tpu.matmul %mul3A_526, %get3A_9, %dot_general3A_527 {dimension_numbers = #tpu.dot_dimension_numbers<[1], [0], [0], [1], [0, 0, 1, 1], [], []>, transpose_lhs_hint = false} : vector<1024x64xf32>, vector<64x128xf32>, vector<1024x128xf32> -> vector<1024x128xf32>
    %reduce_sum3A_529 = arith.constant dense<0.000000e+00> : vector<128xf32>
    %reduce_sum3A_530 = vector.multi_reduction <add>, %dot_general3A_528, %reduce_sum3A_529 [0] : vector<1024x128xf32> to vector<128xf32>
    %broadcast_in_dim3A_531 = vector.shape_cast %reduce_sum3A_530 : vector<128xf32> to vector<1x128xf32>
    %add3A_532 = arith.addf %add3A_493, %broadcast_in_dim3A_531 : vector<1x128xf32>
    %mul3A_533 = arith.mulf %dot_general3A_528, %dot_general3A_528 : vector<1024x128xf32>
    %reduce_sum3A_534 = arith.constant dense<0.000000e+00> : vector<128xf32>
    %reduce_sum3A_535 = vector.multi_reduction <add>, %mul3A_533, %reduce_sum3A_534 [0] : vector<1024x128xf32> to vector<128xf32>
    %broadcast_in_dim3A_536 = vector.shape_cast %reduce_sum3A_535 : vector<128xf32> to vector<1x128xf32>
    %add3A_537 = arith.addf %add3A_498, %broadcast_in_dim3A_536 : vector<1x128xf32>
    %get3A_538 = arith.constant 13 : index
    %get3A_539 = arith.constant 0 : index
    %get3A_540 = arith.constant 0 : index
    %get3A_541 = vector.load %arg2[%get3A_538, %get3A_539, %get3A_540] : memref<16x1024x16xf32, #tpu.memory_space<vmem>>, vector<1x1024x16xf32>
    %get3A_542 = vector.shape_cast %get3A_541 : vector<1x1024x16xf32> to vector<1024x16xf32>
    %sub3A_543 = arith.subf %get3A_542, %get3A_3 : vector<1024x16xf32>
    %slice3A_544 = vector.extract_strided_slice %get3A_6 {offsets = [0, 0], sizes = [16, 64], strides = [1, 1]} : vector<32x64xf32> to vector<16x64xf32>
    %dot_general3A_545 = arith.constant dense<0.000000e+00> : vector<1024x64xf32>
    %dot_general3A_546 = tpu.matmul %get3A_3, %slice3A_544, %dot_general3A_545 {dimension_numbers = #tpu.dot_dimension_numbers<[1], [0], [0], [1], [0, 0, 1, 1], [], []>, transpose_lhs_hint = false} : vector<1024x16xf32>, vector<16x64xf32>, vector<1024x64xf32> -> vector<1024x64xf32>
    %slice3A_547 = vector.extract_strided_slice %get3A_6 {offsets = [16, 0], sizes = [16, 64], strides = [1, 1]} : vector<32x64xf32> to vector<16x64xf32>
    %dot_general3A_548 = arith.constant dense<0.000000e+00> : vector<1024x64xf32>
    %dot_general3A_549 = tpu.matmul %sub3A_543, %slice3A_547, %dot_general3A_548 {dimension_numbers = #tpu.dot_dimension_numbers<[1], [0], [0], [1], [0, 0, 1, 1], [], []>, transpose_lhs_hint = false} : vector<1024x16xf32>, vector<16x64xf32>, vector<1024x64xf32> -> vector<1024x64xf32>
    %add3A_550 = arith.addf %dot_general3A_546, %dot_general3A_549 : vector<1024x64xf32>
    %mul3A_551 = vector.broadcast %mul3A_26 : vector<1x64xf32> to vector<1024x64xf32>
    %mul3A_552 = arith.mulf %add3A_550, %mul3A_551 : vector<1024x64xf32>
    %add3A_553 = vector.broadcast %sub3A_31 : vector<1x64xf32> to vector<1024x64xf32>
    %add3A_554 = arith.addf %mul3A_552, %add3A_553 : vector<1024x64xf32>
    %mul3A_555 = arith.constant 5.000000e-01 : f32
    %mul3A_556 = vector.broadcast %mul3A_555 : f32 to vector<1024x64xf32>
    %mul3A_557 = arith.mulf %mul3A_556, %add3A_554 : vector<1024x64xf32>
    %mul3A_558 = arith.constant 0.707106769 : f32
    %mul3A_559 = vector.broadcast %mul3A_558 : f32 to vector<1024x64xf32>
    %mul3A_560 = arith.mulf %add3A_554, %mul3A_559 : vector<1024x64xf32>
    %erf3A_561 = math.erf %mul3A_560 : vector<1024x64xf32>
    %add3A_562 = arith.constant 1.000000e+00 : f32
    %add3A_563 = vector.broadcast %add3A_562 : f32 to vector<1024x64xf32>
    %add3A_564 = arith.addf %add3A_563, %erf3A_561 : vector<1024x64xf32>
    %mul3A_565 = arith.mulf %mul3A_557, %add3A_564 : vector<1024x64xf32>
    %dot_general3A_566 = arith.constant dense<0.000000e+00> : vector<1024x128xf32>
    %dot_general3A_567 = tpu.matmul %mul3A_565, %get3A_9, %dot_general3A_566 {dimension_numbers = #tpu.dot_dimension_numbers<[1], [0], [0], [1], [0, 0, 1, 1], [], []>, transpose_lhs_hint = false} : vector<1024x64xf32>, vector<64x128xf32>, vector<1024x128xf32> -> vector<1024x128xf32>
    %reduce_sum3A_568 = arith.constant dense<0.000000e+00> : vector<128xf32>
    %reduce_sum3A_569 = vector.multi_reduction <add>, %dot_general3A_567, %reduce_sum3A_568 [0] : vector<1024x128xf32> to vector<128xf32>
    %broadcast_in_dim3A_570 = vector.shape_cast %reduce_sum3A_569 : vector<128xf32> to vector<1x128xf32>
    %add3A_571 = arith.addf %add3A_532, %broadcast_in_dim3A_570 : vector<1x128xf32>
    %mul3A_572 = arith.mulf %dot_general3A_567, %dot_general3A_567 : vector<1024x128xf32>
    %reduce_sum3A_573 = arith.constant dense<0.000000e+00> : vector<128xf32>
    %reduce_sum3A_574 = vector.multi_reduction <add>, %mul3A_572, %reduce_sum3A_573 [0] : vector<1024x128xf32> to vector<128xf32>
    %broadcast_in_dim3A_575 = vector.shape_cast %reduce_sum3A_574 : vector<128xf32> to vector<1x128xf32>
    %add3A_576 = arith.addf %add3A_537, %broadcast_in_dim3A_575 : vector<1x128xf32>
    %get3A_577 = arith.constant 14 : index
    %get3A_578 = arith.constant 0 : index
    %get3A_579 = arith.constant 0 : index
    %get3A_580 = vector.load %arg2[%get3A_577, %get3A_578, %get3A_579] : memref<16x1024x16xf32, #tpu.memory_space<vmem>>, vector<1x1024x16xf32>
    %get3A_581 = vector.shape_cast %get3A_580 : vector<1x1024x16xf32> to vector<1024x16xf32>
    %sub3A_582 = arith.subf %get3A_581, %get3A_3 : vector<1024x16xf32>
    %slice3A_583 = vector.extract_strided_slice %get3A_6 {offsets = [0, 0], sizes = [16, 64], strides = [1, 1]} : vector<32x64xf32> to vector<16x64xf32>
    %dot_general3A_584 = arith.constant dense<0.000000e+00> : vector<1024x64xf32>
    %dot_general3A_585 = tpu.matmul %get3A_3, %slice3A_583, %dot_general3A_584 {dimension_numbers = #tpu.dot_dimension_numbers<[1], [0], [0], [1], [0, 0, 1, 1], [], []>, transpose_lhs_hint = false} : vector<1024x16xf32>, vector<16x64xf32>, vector<1024x64xf32> -> vector<1024x64xf32>
    %slice3A_586 = vector.extract_strided_slice %get3A_6 {offsets = [16, 0], sizes = [16, 64], strides = [1, 1]} : vector<32x64xf32> to vector<16x64xf32>
    %dot_general3A_587 = arith.constant dense<0.000000e+00> : vector<1024x64xf32>
    %dot_general3A_588 = tpu.matmul %sub3A_582, %slice3A_586, %dot_general3A_587 {dimension_numbers = #tpu.dot_dimension_numbers<[1], [0], [0], [1], [0, 0, 1, 1], [], []>, transpose_lhs_hint = false} : vector<1024x16xf32>, vector<16x64xf32>, vector<1024x64xf32> -> vector<1024x64xf32>
    %add3A_589 = arith.addf %dot_general3A_585, %dot_general3A_588 : vector<1024x64xf32>
    %mul3A_590 = vector.broadcast %mul3A_26 : vector<1x64xf32> to vector<1024x64xf32>
    %mul3A_591 = arith.mulf %add3A_589, %mul3A_590 : vector<1024x64xf32>
    %add3A_592 = vector.broadcast %sub3A_31 : vector<1x64xf32> to vector<1024x64xf32>
    %add3A_593 = arith.addf %mul3A_591, %add3A_592 : vector<1024x64xf32>
    %mul3A_594 = arith.constant 5.000000e-01 : f32
    %mul3A_595 = vector.broadcast %mul3A_594 : f32 to vector<1024x64xf32>
    %mul3A_596 = arith.mulf %mul3A_595, %add3A_593 : vector<1024x64xf32>
    %mul3A_597 = arith.constant 0.707106769 : f32
    %mul3A_598 = vector.broadcast %mul3A_597 : f32 to vector<1024x64xf32>
    %mul3A_599 = arith.mulf %add3A_593, %mul3A_598 : vector<1024x64xf32>
    %erf3A_600 = math.erf %mul3A_599 : vector<1024x64xf32>
    %add3A_601 = arith.constant 1.000000e+00 : f32
    %add3A_602 = vector.broadcast %add3A_601 : f32 to vector<1024x64xf32>
    %add3A_603 = arith.addf %add3A_602, %erf3A_600 : vector<1024x64xf32>
    %mul3A_604 = arith.mulf %mul3A_596, %add3A_603 : vector<1024x64xf32>
    %dot_general3A_605 = arith.constant dense<0.000000e+00> : vector<1024x128xf32>
    %dot_general3A_606 = tpu.matmul %mul3A_604, %get3A_9, %dot_general3A_605 {dimension_numbers = #tpu.dot_dimension_numbers<[1], [0], [0], [1], [0, 0, 1, 1], [], []>, transpose_lhs_hint = false} : vector<1024x64xf32>, vector<64x128xf32>, vector<1024x128xf32> -> vector<1024x128xf32>
    %reduce_sum3A_607 = arith.constant dense<0.000000e+00> : vector<128xf32>
    %reduce_sum3A_608 = vector.multi_reduction <add>, %dot_general3A_606, %reduce_sum3A_607 [0] : vector<1024x128xf32> to vector<128xf32>
    %broadcast_in_dim3A_609 = vector.shape_cast %reduce_sum3A_608 : vector<128xf32> to vector<1x128xf32>
    %add3A_610 = arith.addf %add3A_571, %broadcast_in_dim3A_609 : vector<1x128xf32>
    %mul3A_611 = arith.mulf %dot_general3A_606, %dot_general3A_606 : vector<1024x128xf32>
    %reduce_sum3A_612 = arith.constant dense<0.000000e+00> : vector<128xf32>
    %reduce_sum3A_613 = vector.multi_reduction <add>, %mul3A_611, %reduce_sum3A_612 [0] : vector<1024x128xf32> to vector<128xf32>
    %broadcast_in_dim3A_614 = vector.shape_cast %reduce_sum3A_613 : vector<128xf32> to vector<1x128xf32>
    %add3A_615 = arith.addf %add3A_576, %broadcast_in_dim3A_614 : vector<1x128xf32>
    %get3A_616 = arith.constant 15 : index
    %get3A_617 = arith.constant 0 : index
    %get3A_618 = arith.constant 0 : index
    %get3A_619 = vector.load %arg2[%get3A_616, %get3A_617, %get3A_618] : memref<16x1024x16xf32, #tpu.memory_space<vmem>>, vector<1x1024x16xf32>
    %get3A_620 = vector.shape_cast %get3A_619 : vector<1x1024x16xf32> to vector<1024x16xf32>
    %sub3A_621 = arith.subf %get3A_620, %get3A_3 : vector<1024x16xf32>
    %slice3A_622 = vector.extract_strided_slice %get3A_6 {offsets = [0, 0], sizes = [16, 64], strides = [1, 1]} : vector<32x64xf32> to vector<16x64xf32>
    %dot_general3A_623 = arith.constant dense<0.000000e+00> : vector<1024x64xf32>
    %dot_general3A_624 = tpu.matmul %get3A_3, %slice3A_622, %dot_general3A_623 {dimension_numbers = #tpu.dot_dimension_numbers<[1], [0], [0], [1], [0, 0, 1, 1], [], []>, transpose_lhs_hint = false} : vector<1024x16xf32>, vector<16x64xf32>, vector<1024x64xf32> -> vector<1024x64xf32>
    %slice3A_625 = vector.extract_strided_slice %get3A_6 {offsets = [16, 0], sizes = [16, 64], strides = [1, 1]} : vector<32x64xf32> to vector<16x64xf32>
    %dot_general3A_626 = arith.constant dense<0.000000e+00> : vector<1024x64xf32>
    %dot_general3A_627 = tpu.matmul %sub3A_621, %slice3A_625, %dot_general3A_626 {dimension_numbers = #tpu.dot_dimension_numbers<[1], [0], [0], [1], [0, 0, 1, 1], [], []>, transpose_lhs_hint = false} : vector<1024x16xf32>, vector<16x64xf32>, vector<1024x64xf32> -> vector<1024x64xf32>
    %add3A_628 = arith.addf %dot_general3A_624, %dot_general3A_627 : vector<1024x64xf32>
    %mul3A_629 = vector.broadcast %mul3A_26 : vector<1x64xf32> to vector<1024x64xf32>
    %mul3A_630 = arith.mulf %add3A_628, %mul3A_629 : vector<1024x64xf32>
    %add3A_631 = vector.broadcast %sub3A_31 : vector<1x64xf32> to vector<1024x64xf32>
    %add3A_632 = arith.addf %mul3A_630, %add3A_631 : vector<1024x64xf32>
    %mul3A_633 = arith.constant 5.000000e-01 : f32
    %mul3A_634 = vector.broadcast %mul3A_633 : f32 to vector<1024x64xf32>
    %mul3A_635 = arith.mulf %mul3A_634, %add3A_632 : vector<1024x64xf32>
    %mul3A_636 = arith.constant 0.707106769 : f32
    %mul3A_637 = vector.broadcast %mul3A_636 : f32 to vector<1024x64xf32>
    %mul3A_638 = arith.mulf %add3A_632, %mul3A_637 : vector<1024x64xf32>
    %erf3A_639 = math.erf %mul3A_638 : vector<1024x64xf32>
    %add3A_640 = arith.constant 1.000000e+00 : f32
    %add3A_641 = vector.broadcast %add3A_640 : f32 to vector<1024x64xf32>
    %add3A_642 = arith.addf %add3A_641, %erf3A_639 : vector<1024x64xf32>
    %mul3A_643 = arith.mulf %mul3A_635, %add3A_642 : vector<1024x64xf32>
    %dot_general3A_644 = arith.constant dense<0.000000e+00> : vector<1024x128xf32>
    %dot_general3A_645 = tpu.matmul %mul3A_643, %get3A_9, %dot_general3A_644 {dimension_numbers = #tpu.dot_dimension_numbers<[1], [0], [0], [1], [0, 0, 1, 1], [], []>, transpose_lhs_hint = false} : vector<1024x64xf32>, vector<64x128xf32>, vector<1024x128xf32> -> vector<1024x128xf32>
    %reduce_sum3A_646 = arith.constant dense<0.000000e+00> : vector<128xf32>
    %reduce_sum3A_647 = vector.multi_reduction <add>, %dot_general3A_645, %reduce_sum3A_646 [0] : vector<1024x128xf32> to vector<128xf32>
    %broadcast_in_dim3A_648 = vector.shape_cast %reduce_sum3A_647 : vector<128xf32> to vector<1x128xf32>
    %add3A_649 = arith.addf %add3A_610, %broadcast_in_dim3A_648 : vector<1x128xf32>
    %mul3A_650 = arith.mulf %dot_general3A_645, %dot_general3A_645 : vector<1024x128xf32>
    %reduce_sum3A_651 = arith.constant dense<0.000000e+00> : vector<128xf32>
    %reduce_sum3A_652 = vector.multi_reduction <add>, %mul3A_650, %reduce_sum3A_651 [0] : vector<1024x128xf32> to vector<128xf32>
    %broadcast_in_dim3A_653 = vector.shape_cast %reduce_sum3A_652 : vector<128xf32> to vector<1x128xf32>
    %add3A_654 = arith.addf %add3A_615, %broadcast_in_dim3A_653 : vector<1x128xf32>
    %get3A_655 = arith.constant 0 : index
    %get3A_656 = arith.constant 0 : index
    %get3A_657 = vector.load %arg9[%get3A_655, %get3A_656] : memref<1x128xf32, #tpu.memory_space<vmem>>, vector<1x128xf32>
    %add3A_658 = arith.addf %get3A_657, %add3A_649 : vector<1x128xf32>
    %swap3A = arith.constant 0 : index
    %swap3A_659 = arith.constant 0 : index
    %swap3A_660 = vector.load %arg9[%swap3A, %swap3A_659] : memref<1x128xf32, #tpu.memory_space<vmem>>, vector<1x128xf32>
    tpu.vector_store %arg9[%swap3A, %swap3A_659], %add3A_658 {strides = array<i32>} : memref<1x128xf32, #tpu.memory_space<vmem>>, vector<1x128xf32>,
    %get3A_661 = arith.constant 0 : index
    %get3A_662 = arith.constant 0 : index
    %get3A_663 = vector.load %arg10[%get3A_661, %get3A_662] : memref<1x128xf32, #tpu.memory_space<vmem>>, vector<1x128xf32>
    %add3A_664 = arith.addf %get3A_663, %add3A_654 : vector<1x128xf32>
    %swap3A_665 = arith.constant 0 : index
    %swap3A_666 = arith.constant 0 : index
    %swap3A_667 = vector.load %arg10[%swap3A_665, %swap3A_666] : memref<1x128xf32, #tpu.memory_space<vmem>>, vector<1x128xf32>
    tpu.vector_store %arg10[%swap3A_665, %swap3A_666], %add3A_664 {strides = array<i32>} : memref<1x128xf32, #tpu.memory_space<vmem>>, vector<1x128xf32>,
    return
  }
  func.func @transform_0(%arg0: i32) -> (i32, i32) {
    %c0_i32 = arith.constant 0 : i32
    %c0_i32_0 = arith.constant 0 : i32
    return %arg0, %c0_i32 : i32, i32
  }
  func.func @transform_1(%arg0: i32) -> (i32, i32, i32) {
    %c0_i32 = arith.constant 0 : i32
    %c0_i32_0 = arith.constant 0 : i32
    %c0_i32_1 = arith.constant 0 : i32
    return %c0_i32, %arg0, %c0_i32_0 : i32, i32, i32
  }
  func.func @transform_2(%arg0: i32) -> (i32, i32) {
    %c0_i32 = arith.constant 0 : i32
    %c0_i32_0 = arith.constant 0 : i32
    %c0_i32_1 = arith.constant 0 : i32
    return %c0_i32, %c0_i32_0 : i32, i32
  }
  func.func @transform_3(%arg0: i32) -> (i32, i32) {
    %c0_i32 = arith.constant 0 : i32
    %c0_i32_0 = arith.constant 0 : i32
    %c0_i32_1 = arith.constant 0 : i32
    return %c0_i32, %c0_i32_0 : i32, i32
  }
  func.func @transform_4(%arg0: i32) -> (i32, i32) {
    %c0_i32 = arith.constant 0 : i32
    %c0_i32_0 = arith.constant 0 : i32
    %c0_i32_1 = arith.constant 0 : i32
    return %c0_i32, %c0_i32_0 : i32, i32
  }
  func.func @transform_5(%arg0: i32) -> (i32, i32) {
    %c0_i32 = arith.constant 0 : i32
    %c0_i32_0 = arith.constant 0 : i32
    %c0_i32_1 = arith.constant 0 : i32
    return %c0_i32, %c0_i32_0 : i32, i32
  }
  func.func @transform_6(%arg0: i32) -> (i32, i32) {
    %c0_i32 = arith.constant 0 : i32
    %c0_i32_0 = arith.constant 0 : i32
    %c0_i32_1 = arith.constant 0 : i32
    return %c0_i32, %c0_i32_0 : i32, i32
  }
  func.func @transform_7(%arg0: i32) -> (i32, i32) {
    %c0_i32 = arith.constant 0 : i32
    %c0_i32_0 = arith.constant 0 : i32
    %c0_i32_1 = arith.constant 0 : i32
    return %c0_i32, %c0_i32_0 : i32, i32
  }
  func.func @transform_8(%arg0: i32) -> (i32, i32) {
    %c0_i32 = arith.constant 0 : i32
    %c0_i32_0 = arith.constant 0 : i32
    %c0_i32_1 = arith.constant 0 : i32
    return %c0_i32, %c0_i32_0 : i32, i32
  }
  func.func @transform_9(%arg0: i32) -> (i32, i32) {
    %c0_i32 = arith.constant 0 : i32
    %c0_i32_0 = arith.constant 0 : i32
    %c0_i32_1 = arith.constant 0 : i32
    return %c0_i32, %c0_i32_0 : i32, i32
  }
}

module attributes {stable_mosaic.version = 14 : i64} {
  func.func @_final_body(%arg0: i32, %arg1: memref<1024x16xf32, #tpu.memory_space<vmem>>, %arg2: memref<16x1024x16xf32, #tpu.memory_space<vmem>>, %arg3: memref<32x64xf32, #tpu.memory_space<vmem>>, %arg4: memref<64x128xf32, #tpu.memory_space<vmem>>, %arg5: memref<1x64xf32, #tpu.memory_space<vmem>>, %arg6: memref<1x64xf32, #tpu.memory_space<vmem>>, %arg7: memref<1x64xf32, #tpu.memory_space<vmem>>, %arg8: memref<1x64xf32, #tpu.memory_space<vmem>>, %arg9: memref<1x128xf32, #tpu.memory_space<vmem>>, %arg10: memref<1x128xf32, #tpu.memory_space<vmem>>, %arg11: memref<1x128xf32, #tpu.memory_space<vmem>>, %arg12: memref<1x128xf32, #tpu.memory_space<vmem>>, %arg13: memref<1024x128xf32, #tpu.memory_space<vmem>>) attributes {dimension_semantics = [#tpu.dimension_semantics<arbitrary>], iteration_bounds = array<i64: 8>, scalar_prefetch = 0 : i64, scratch_operands = 0 : i64, tpu.core_type = #tpu.core_type<tc>, window_params = [{transform_indices = @transform_0, window_bounds = array<i64: 1024, 16>}, {transform_indices = @transform_1, window_bounds = array<i64: 16, 1024, 16>}, {pipeline_mode = #tpu.pipeline_mode<synchronous>, transform_indices = @transform_2, window_bounds = array<i64: 32, 64>}, {pipeline_mode = #tpu.pipeline_mode<synchronous>, transform_indices = @transform_3, window_bounds = array<i64: 64, 128>}, {pipeline_mode = #tpu.pipeline_mode<synchronous>, transform_indices = @transform_4, window_bounds = array<i64: 1, 64>}, {pipeline_mode = #tpu.pipeline_mode<synchronous>, transform_indices = @transform_5, window_bounds = array<i64: 1, 64>}, {pipeline_mode = #tpu.pipeline_mode<synchronous>, transform_indices = @transform_6, window_bounds = array<i64: 1, 64>}, {pipeline_mode = #tpu.pipeline_mode<synchronous>, transform_indices = @transform_7, window_bounds = array<i64: 1, 64>}, {pipeline_mode = #tpu.pipeline_mode<synchronous>, transform_indices = @transform_8, window_bounds = array<i64: 1, 128>}, {pipeline_mode = #tpu.pipeline_mode<synchronous>, transform_indices = @transform_9, window_bounds = array<i64: 1, 128>}, {pipeline_mode = #tpu.pipeline_mode<synchronous>, transform_indices = @transform_10, window_bounds = array<i64: 1, 128>}, {pipeline_mode = #tpu.pipeline_mode<synchronous>, transform_indices = @transform_11, window_bounds = array<i64: 1, 128>}, {transform_indices = @transform_12, window_bounds = array<i64: 1024, 128>}]} {
    %get3A = arith.constant 0 : index
    %get3A_0 = arith.constant 0 : index
    %get3A_1 = vector.load %arg1[%get3A, %get3A_0] : memref<1024x16xf32, #tpu.memory_space<vmem>>, vector<1024x16xf32>
    %get3A_2 = arith.constant 0 : index
    %get3A_3 = arith.constant 0 : index
    %get3A_4 = vector.load %arg3[%get3A_2, %get3A_3] : memref<32x64xf32, #tpu.memory_space<vmem>>, vector<32x64xf32>
    %get3A_5 = arith.constant 0 : index
    %get3A_6 = arith.constant 0 : index
    %get3A_7 = vector.load %arg4[%get3A_5, %get3A_6] : memref<64x128xf32, #tpu.memory_space<vmem>>, vector<64x128xf32>
    %get3A_8 = arith.constant 0 : index
    %get3A_9 = arith.constant 0 : index
    %get3A_10 = vector.load %arg5[%get3A_8, %get3A_9] : memref<1x64xf32, #tpu.memory_space<vmem>>, vector<1x64xf32>
    %div3A = arith.constant 1.310720e+05 : f32
    %div3A_11 = vector.broadcast %div3A : f32 to vector<1x64xf32>
    %div3A_12 = arith.divf %get3A_10, %div3A_11 : vector<1x64xf32>
    %get3A_13 = arith.constant 0 : index
    %get3A_14 = arith.constant 0 : index
    %get3A_15 = vector.load %arg6[%get3A_13, %get3A_14] : memref<1x64xf32, #tpu.memory_space<vmem>>, vector<1x64xf32>
    %div3A_16 = arith.constant 1.310720e+05 : f32
    %div3A_17 = vector.broadcast %div3A_16 : f32 to vector<1x64xf32>
    %div3A_18 = arith.divf %get3A_15, %div3A_17 : vector<1x64xf32>
    %mul3A = arith.mulf %div3A_12, %div3A_12 : vector<1x64xf32>
    %sub3A = arith.subf %div3A_18, %mul3A : vector<1x64xf32>
    %get3A_19 = arith.constant 0 : index
    %get3A_20 = arith.constant 0 : index
    %get3A_21 = vector.load %arg7[%get3A_19, %get3A_20] : memref<1x64xf32, #tpu.memory_space<vmem>>, vector<1x64xf32>
    %add3A = arith.constant 9.99999974E-6 : f32
    %add3A_22 = vector.broadcast %add3A : f32 to vector<1x64xf32>
    %add3A_23 = arith.addf %sub3A, %add3A_22 : vector<1x64xf32>
    %rsqrt3A = math.rsqrt %add3A_23 : vector<1x64xf32>
    %mul3A_24 = arith.mulf %get3A_21, %rsqrt3A : vector<1x64xf32>
    %get3A_25 = arith.constant 0 : index
    %get3A_26 = arith.constant 0 : index
    %get3A_27 = vector.load %arg8[%get3A_25, %get3A_26] : memref<1x64xf32, #tpu.memory_space<vmem>>, vector<1x64xf32>
    %mul3A_28 = arith.mulf %div3A_12, %mul3A_24 : vector<1x64xf32>
    %sub3A_29 = arith.subf %get3A_27, %mul3A_28 : vector<1x64xf32>
    %get3A_30 = arith.constant 0 : index
    %get3A_31 = arith.constant 0 : index
    %get3A_32 = vector.load %arg9[%get3A_30, %get3A_31] : memref<1x128xf32, #tpu.memory_space<vmem>>, vector<1x128xf32>
    %div3A_33 = arith.constant 1.310720e+05 : f32
    %div3A_34 = vector.broadcast %div3A_33 : f32 to vector<1x128xf32>
    %div3A_35 = arith.divf %get3A_32, %div3A_34 : vector<1x128xf32>
    %get3A_36 = arith.constant 0 : index
    %get3A_37 = arith.constant 0 : index
    %get3A_38 = vector.load %arg10[%get3A_36, %get3A_37] : memref<1x128xf32, #tpu.memory_space<vmem>>, vector<1x128xf32>
    %div3A_39 = arith.constant 1.310720e+05 : f32
    %div3A_40 = vector.broadcast %div3A_39 : f32 to vector<1x128xf32>
    %div3A_41 = arith.divf %get3A_38, %div3A_40 : vector<1x128xf32>
    %mul3A_42 = arith.mulf %div3A_35, %div3A_35 : vector<1x128xf32>
    %sub3A_43 = arith.subf %div3A_41, %mul3A_42 : vector<1x128xf32>
    %get3A_44 = arith.constant 0 : index
    %get3A_45 = arith.constant 0 : index
    %get3A_46 = vector.load %arg11[%get3A_44, %get3A_45] : memref<1x128xf32, #tpu.memory_space<vmem>>, vector<1x128xf32>
    %add3A_47 = arith.constant 9.99999974E-6 : f32
    %add3A_48 = vector.broadcast %add3A_47 : f32 to vector<1x128xf32>
    %add3A_49 = arith.addf %sub3A_43, %add3A_48 : vector<1x128xf32>
    %rsqrt3A_50 = math.rsqrt %add3A_49 : vector<1x128xf32>
    %mul3A_51 = arith.mulf %get3A_46, %rsqrt3A_50 : vector<1x128xf32>
    %get3A_52 = arith.constant 0 : index
    %get3A_53 = arith.constant 0 : index
    %get3A_54 = vector.load %arg12[%get3A_52, %get3A_53] : memref<1x128xf32, #tpu.memory_space<vmem>>, vector<1x128xf32>
    %mul3A_55 = arith.mulf %div3A_35, %mul3A_51 : vector<1x128xf32>
    %sub3A_56 = arith.subf %get3A_54, %mul3A_55 : vector<1x128xf32>
    %broadcast_in_dim3A = arith.constant 0xFF800000 : f32
    %broadcast_in_dim3A_57 = vector.broadcast %broadcast_in_dim3A : f32 to vector<1024x128xf32>
    %get3A_58 = arith.constant 0 : index
    %get3A_59 = arith.constant 0 : index
    %get3A_60 = arith.constant 0 : index
    %get3A_61 = vector.load %arg2[%get3A_58, %get3A_59, %get3A_60] : memref<16x1024x16xf32, #tpu.memory_space<vmem>>, vector<1x1024x16xf32>
    %get3A_62 = vector.shape_cast %get3A_61 : vector<1x1024x16xf32> to vector<1024x16xf32>
    %sub3A_63 = arith.subf %get3A_62, %get3A_1 : vector<1024x16xf32>
    %slice3A = vector.extract_strided_slice %get3A_4 {offsets = [0, 0], sizes = [16, 64], strides = [1, 1]} : vector<32x64xf32> to vector<16x64xf32>
    %dot_general3A = arith.constant dense<0.000000e+00> : vector<1024x64xf32>
    %dot_general3A_64 = tpu.matmul %get3A_1, %slice3A, %dot_general3A {dimension_numbers = #tpu.dot_dimension_numbers<[1], [0], [0], [1], [0, 0, 1, 1], [], []>, transpose_lhs_hint = false} : vector<1024x16xf32>, vector<16x64xf32>, vector<1024x64xf32> -> vector<1024x64xf32>
    %slice3A_65 = vector.extract_strided_slice %get3A_4 {offsets = [16, 0], sizes = [16, 64], strides = [1, 1]} : vector<32x64xf32> to vector<16x64xf32>
    %dot_general3A_66 = arith.constant dense<0.000000e+00> : vector<1024x64xf32>
    %dot_general3A_67 = tpu.matmul %sub3A_63, %slice3A_65, %dot_general3A_66 {dimension_numbers = #tpu.dot_dimension_numbers<[1], [0], [0], [1], [0, 0, 1, 1], [], []>, transpose_lhs_hint = false} : vector<1024x16xf32>, vector<16x64xf32>, vector<1024x64xf32> -> vector<1024x64xf32>
    %add3A_68 = arith.addf %dot_general3A_64, %dot_general3A_67 : vector<1024x64xf32>
    %mul3A_69 = vector.broadcast %mul3A_24 : vector<1x64xf32> to vector<1024x64xf32>
    %mul3A_70 = arith.mulf %add3A_68, %mul3A_69 : vector<1024x64xf32>
    %add3A_71 = vector.broadcast %sub3A_29 : vector<1x64xf32> to vector<1024x64xf32>
    %add3A_72 = arith.addf %mul3A_70, %add3A_71 : vector<1024x64xf32>
    %mul3A_73 = arith.constant 5.000000e-01 : f32
    %mul3A_74 = vector.broadcast %mul3A_73 : f32 to vector<1024x64xf32>
    %mul3A_75 = arith.mulf %mul3A_74, %add3A_72 : vector<1024x64xf32>
    %mul3A_76 = arith.constant 0.707106769 : f32
    %mul3A_77 = vector.broadcast %mul3A_76 : f32 to vector<1024x64xf32>
    %mul3A_78 = arith.mulf %add3A_72, %mul3A_77 : vector<1024x64xf32>
    %erf3A = math.erf %mul3A_78 : vector<1024x64xf32>
    %add3A_79 = arith.constant 1.000000e+00 : f32
    %add3A_80 = vector.broadcast %add3A_79 : f32 to vector<1024x64xf32>
    %add3A_81 = arith.addf %add3A_80, %erf3A : vector<1024x64xf32>
    %mul3A_82 = arith.mulf %mul3A_75, %add3A_81 : vector<1024x64xf32>
    %dot_general3A_83 = arith.constant dense<0.000000e+00> : vector<1024x128xf32>
    %dot_general3A_84 = tpu.matmul %mul3A_82, %get3A_7, %dot_general3A_83 {dimension_numbers = #tpu.dot_dimension_numbers<[1], [0], [0], [1], [0, 0, 1, 1], [], []>, transpose_lhs_hint = false} : vector<1024x64xf32>, vector<64x128xf32>, vector<1024x128xf32> -> vector<1024x128xf32>
    %mul3A_85 = vector.broadcast %mul3A_51 : vector<1x128xf32> to vector<1024x128xf32>
    %mul3A_86 = arith.mulf %dot_general3A_84, %mul3A_85 : vector<1024x128xf32>
    %add3A_87 = vector.broadcast %sub3A_56 : vector<1x128xf32> to vector<1024x128xf32>
    %add3A_88 = arith.addf %mul3A_86, %add3A_87 : vector<1024x128xf32>
    %mul3A_89 = arith.constant 5.000000e-01 : f32
    %mul3A_90 = vector.broadcast %mul3A_89 : f32 to vector<1024x128xf32>
    %mul3A_91 = arith.mulf %mul3A_90, %add3A_88 : vector<1024x128xf32>
    %mul3A_92 = arith.constant 0.707106769 : f32
    %mul3A_93 = vector.broadcast %mul3A_92 : f32 to vector<1024x128xf32>
    %mul3A_94 = arith.mulf %add3A_88, %mul3A_93 : vector<1024x128xf32>
    %erf3A_95 = math.erf %mul3A_94 : vector<1024x128xf32>
    %add3A_96 = arith.constant 1.000000e+00 : f32
    %add3A_97 = vector.broadcast %add3A_96 : f32 to vector<1024x128xf32>
    %add3A_98 = arith.addf %add3A_97, %erf3A_95 : vector<1024x128xf32>
    %mul3A_99 = arith.mulf %mul3A_91, %add3A_98 : vector<1024x128xf32>
    %max3A = arith.maximumf %broadcast_in_dim3A_57, %mul3A_99 : vector<1024x128xf32>
    %get3A_100 = arith.constant 1 : index
    %get3A_101 = arith.constant 0 : index
    %get3A_102 = arith.constant 0 : index
    %get3A_103 = vector.load %arg2[%get3A_100, %get3A_101, %get3A_102] : memref<16x1024x16xf32, #tpu.memory_space<vmem>>, vector<1x1024x16xf32>
    %get3A_104 = vector.shape_cast %get3A_103 : vector<1x1024x16xf32> to vector<1024x16xf32>
    %sub3A_105 = arith.subf %get3A_104, %get3A_1 : vector<1024x16xf32>
    %slice3A_106 = vector.extract_strided_slice %get3A_4 {offsets = [0, 0], sizes = [16, 64], strides = [1, 1]} : vector<32x64xf32> to vector<16x64xf32>
    %dot_general3A_107 = arith.constant dense<0.000000e+00> : vector<1024x64xf32>
    %dot_general3A_108 = tpu.matmul %get3A_1, %slice3A_106, %dot_general3A_107 {dimension_numbers = #tpu.dot_dimension_numbers<[1], [0], [0], [1], [0, 0, 1, 1], [], []>, transpose_lhs_hint = false} : vector<1024x16xf32>, vector<16x64xf32>, vector<1024x64xf32> -> vector<1024x64xf32>
    %slice3A_109 = vector.extract_strided_slice %get3A_4 {offsets = [16, 0], sizes = [16, 64], strides = [1, 1]} : vector<32x64xf32> to vector<16x64xf32>
    %dot_general3A_110 = arith.constant dense<0.000000e+00> : vector<1024x64xf32>
    %dot_general3A_111 = tpu.matmul %sub3A_105, %slice3A_109, %dot_general3A_110 {dimension_numbers = #tpu.dot_dimension_numbers<[1], [0], [0], [1], [0, 0, 1, 1], [], []>, transpose_lhs_hint = false} : vector<1024x16xf32>, vector<16x64xf32>, vector<1024x64xf32> -> vector<1024x64xf32>
    %add3A_112 = arith.addf %dot_general3A_108, %dot_general3A_111 : vector<1024x64xf32>
    %mul3A_113 = vector.broadcast %mul3A_24 : vector<1x64xf32> to vector<1024x64xf32>
    %mul3A_114 = arith.mulf %add3A_112, %mul3A_113 : vector<1024x64xf32>
    %add3A_115 = vector.broadcast %sub3A_29 : vector<1x64xf32> to vector<1024x64xf32>
    %add3A_116 = arith.addf %mul3A_114, %add3A_115 : vector<1024x64xf32>
    %mul3A_117 = arith.constant 5.000000e-01 : f32
    %mul3A_118 = vector.broadcast %mul3A_117 : f32 to vector<1024x64xf32>
    %mul3A_119 = arith.mulf %mul3A_118, %add3A_116 : vector<1024x64xf32>
    %mul3A_120 = arith.constant 0.707106769 : f32
    %mul3A_121 = vector.broadcast %mul3A_120 : f32 to vector<1024x64xf32>
    %mul3A_122 = arith.mulf %add3A_116, %mul3A_121 : vector<1024x64xf32>
    %erf3A_123 = math.erf %mul3A_122 : vector<1024x64xf32>
    %add3A_124 = arith.constant 1.000000e+00 : f32
    %add3A_125 = vector.broadcast %add3A_124 : f32 to vector<1024x64xf32>
    %add3A_126 = arith.addf %add3A_125, %erf3A_123 : vector<1024x64xf32>
    %mul3A_127 = arith.mulf %mul3A_119, %add3A_126 : vector<1024x64xf32>
    %dot_general3A_128 = arith.constant dense<0.000000e+00> : vector<1024x128xf32>
    %dot_general3A_129 = tpu.matmul %mul3A_127, %get3A_7, %dot_general3A_128 {dimension_numbers = #tpu.dot_dimension_numbers<[1], [0], [0], [1], [0, 0, 1, 1], [], []>, transpose_lhs_hint = false} : vector<1024x64xf32>, vector<64x128xf32>, vector<1024x128xf32> -> vector<1024x128xf32>
    %mul3A_130 = vector.broadcast %mul3A_51 : vector<1x128xf32> to vector<1024x128xf32>
    %mul3A_131 = arith.mulf %dot_general3A_129, %mul3A_130 : vector<1024x128xf32>
    %add3A_132 = vector.broadcast %sub3A_56 : vector<1x128xf32> to vector<1024x128xf32>
    %add3A_133 = arith.addf %mul3A_131, %add3A_132 : vector<1024x128xf32>
    %mul3A_134 = arith.constant 5.000000e-01 : f32
    %mul3A_135 = vector.broadcast %mul3A_134 : f32 to vector<1024x128xf32>
    %mul3A_136 = arith.mulf %mul3A_135, %add3A_133 : vector<1024x128xf32>
    %mul3A_137 = arith.constant 0.707106769 : f32
    %mul3A_138 = vector.broadcast %mul3A_137 : f32 to vector<1024x128xf32>
    %mul3A_139 = arith.mulf %add3A_133, %mul3A_138 : vector<1024x128xf32>
    %erf3A_140 = math.erf %mul3A_139 : vector<1024x128xf32>
    %add3A_141 = arith.constant 1.000000e+00 : f32
    %add3A_142 = vector.broadcast %add3A_141 : f32 to vector<1024x128xf32>
    %add3A_143 = arith.addf %add3A_142, %erf3A_140 : vector<1024x128xf32>
    %mul3A_144 = arith.mulf %mul3A_136, %add3A_143 : vector<1024x128xf32>
    %max3A_145 = arith.maximumf %max3A, %mul3A_144 : vector<1024x128xf32>
    %get3A_146 = arith.constant 2 : index
    %get3A_147 = arith.constant 0 : index
    %get3A_148 = arith.constant 0 : index
    %get3A_149 = vector.load %arg2[%get3A_146, %get3A_147, %get3A_148] : memref<16x1024x16xf32, #tpu.memory_space<vmem>>, vector<1x1024x16xf32>
    %get3A_150 = vector.shape_cast %get3A_149 : vector<1x1024x16xf32> to vector<1024x16xf32>
    %sub3A_151 = arith.subf %get3A_150, %get3A_1 : vector<1024x16xf32>
    %slice3A_152 = vector.extract_strided_slice %get3A_4 {offsets = [0, 0], sizes = [16, 64], strides = [1, 1]} : vector<32x64xf32> to vector<16x64xf32>
    %dot_general3A_153 = arith.constant dense<0.000000e+00> : vector<1024x64xf32>
    %dot_general3A_154 = tpu.matmul %get3A_1, %slice3A_152, %dot_general3A_153 {dimension_numbers = #tpu.dot_dimension_numbers<[1], [0], [0], [1], [0, 0, 1, 1], [], []>, transpose_lhs_hint = false} : vector<1024x16xf32>, vector<16x64xf32>, vector<1024x64xf32> -> vector<1024x64xf32>
    %slice3A_155 = vector.extract_strided_slice %get3A_4 {offsets = [16, 0], sizes = [16, 64], strides = [1, 1]} : vector<32x64xf32> to vector<16x64xf32>
    %dot_general3A_156 = arith.constant dense<0.000000e+00> : vector<1024x64xf32>
    %dot_general3A_157 = tpu.matmul %sub3A_151, %slice3A_155, %dot_general3A_156 {dimension_numbers = #tpu.dot_dimension_numbers<[1], [0], [0], [1], [0, 0, 1, 1], [], []>, transpose_lhs_hint = false} : vector<1024x16xf32>, vector<16x64xf32>, vector<1024x64xf32> -> vector<1024x64xf32>
    %add3A_158 = arith.addf %dot_general3A_154, %dot_general3A_157 : vector<1024x64xf32>
    %mul3A_159 = vector.broadcast %mul3A_24 : vector<1x64xf32> to vector<1024x64xf32>
    %mul3A_160 = arith.mulf %add3A_158, %mul3A_159 : vector<1024x64xf32>
    %add3A_161 = vector.broadcast %sub3A_29 : vector<1x64xf32> to vector<1024x64xf32>
    %add3A_162 = arith.addf %mul3A_160, %add3A_161 : vector<1024x64xf32>
    %mul3A_163 = arith.constant 5.000000e-01 : f32
    %mul3A_164 = vector.broadcast %mul3A_163 : f32 to vector<1024x64xf32>
    %mul3A_165 = arith.mulf %mul3A_164, %add3A_162 : vector<1024x64xf32>
    %mul3A_166 = arith.constant 0.707106769 : f32
    %mul3A_167 = vector.broadcast %mul3A_166 : f32 to vector<1024x64xf32>
    %mul3A_168 = arith.mulf %add3A_162, %mul3A_167 : vector<1024x64xf32>
    %erf3A_169 = math.erf %mul3A_168 : vector<1024x64xf32>
    %add3A_170 = arith.constant 1.000000e+00 : f32
    %add3A_171 = vector.broadcast %add3A_170 : f32 to vector<1024x64xf32>
    %add3A_172 = arith.addf %add3A_171, %erf3A_169 : vector<1024x64xf32>
    %mul3A_173 = arith.mulf %mul3A_165, %add3A_172 : vector<1024x64xf32>
    %dot_general3A_174 = arith.constant dense<0.000000e+00> : vector<1024x128xf32>
    %dot_general3A_175 = tpu.matmul %mul3A_173, %get3A_7, %dot_general3A_174 {dimension_numbers = #tpu.dot_dimension_numbers<[1], [0], [0], [1], [0, 0, 1, 1], [], []>, transpose_lhs_hint = false} : vector<1024x64xf32>, vector<64x128xf32>, vector<1024x128xf32> -> vector<1024x128xf32>
    %mul3A_176 = vector.broadcast %mul3A_51 : vector<1x128xf32> to vector<1024x128xf32>
    %mul3A_177 = arith.mulf %dot_general3A_175, %mul3A_176 : vector<1024x128xf32>
    %add3A_178 = vector.broadcast %sub3A_56 : vector<1x128xf32> to vector<1024x128xf32>
    %add3A_179 = arith.addf %mul3A_177, %add3A_178 : vector<1024x128xf32>
    %mul3A_180 = arith.constant 5.000000e-01 : f32
    %mul3A_181 = vector.broadcast %mul3A_180 : f32 to vector<1024x128xf32>
    %mul3A_182 = arith.mulf %mul3A_181, %add3A_179 : vector<1024x128xf32>
    %mul3A_183 = arith.constant 0.707106769 : f32
    %mul3A_184 = vector.broadcast %mul3A_183 : f32 to vector<1024x128xf32>
    %mul3A_185 = arith.mulf %add3A_179, %mul3A_184 : vector<1024x128xf32>
    %erf3A_186 = math.erf %mul3A_185 : vector<1024x128xf32>
    %add3A_187 = arith.constant 1.000000e+00 : f32
    %add3A_188 = vector.broadcast %add3A_187 : f32 to vector<1024x128xf32>
    %add3A_189 = arith.addf %add3A_188, %erf3A_186 : vector<1024x128xf32>
    %mul3A_190 = arith.mulf %mul3A_182, %add3A_189 : vector<1024x128xf32>
    %max3A_191 = arith.maximumf %max3A_145, %mul3A_190 : vector<1024x128xf32>
    %get3A_192 = arith.constant 3 : index
    %get3A_193 = arith.constant 0 : index
    %get3A_194 = arith.constant 0 : index
    %get3A_195 = vector.load %arg2[%get3A_192, %get3A_193, %get3A_194] : memref<16x1024x16xf32, #tpu.memory_space<vmem>>, vector<1x1024x16xf32>
    %get3A_196 = vector.shape_cast %get3A_195 : vector<1x1024x16xf32> to vector<1024x16xf32>
    %sub3A_197 = arith.subf %get3A_196, %get3A_1 : vector<1024x16xf32>
    %slice3A_198 = vector.extract_strided_slice %get3A_4 {offsets = [0, 0], sizes = [16, 64], strides = [1, 1]} : vector<32x64xf32> to vector<16x64xf32>
    %dot_general3A_199 = arith.constant dense<0.000000e+00> : vector<1024x64xf32>
    %dot_general3A_200 = tpu.matmul %get3A_1, %slice3A_198, %dot_general3A_199 {dimension_numbers = #tpu.dot_dimension_numbers<[1], [0], [0], [1], [0, 0, 1, 1], [], []>, transpose_lhs_hint = false} : vector<1024x16xf32>, vector<16x64xf32>, vector<1024x64xf32> -> vector<1024x64xf32>
    %slice3A_201 = vector.extract_strided_slice %get3A_4 {offsets = [16, 0], sizes = [16, 64], strides = [1, 1]} : vector<32x64xf32> to vector<16x64xf32>
    %dot_general3A_202 = arith.constant dense<0.000000e+00> : vector<1024x64xf32>
    %dot_general3A_203 = tpu.matmul %sub3A_197, %slice3A_201, %dot_general3A_202 {dimension_numbers = #tpu.dot_dimension_numbers<[1], [0], [0], [1], [0, 0, 1, 1], [], []>, transpose_lhs_hint = false} : vector<1024x16xf32>, vector<16x64xf32>, vector<1024x64xf32> -> vector<1024x64xf32>
    %add3A_204 = arith.addf %dot_general3A_200, %dot_general3A_203 : vector<1024x64xf32>
    %mul3A_205 = vector.broadcast %mul3A_24 : vector<1x64xf32> to vector<1024x64xf32>
    %mul3A_206 = arith.mulf %add3A_204, %mul3A_205 : vector<1024x64xf32>
    %add3A_207 = vector.broadcast %sub3A_29 : vector<1x64xf32> to vector<1024x64xf32>
    %add3A_208 = arith.addf %mul3A_206, %add3A_207 : vector<1024x64xf32>
    %mul3A_209 = arith.constant 5.000000e-01 : f32
    %mul3A_210 = vector.broadcast %mul3A_209 : f32 to vector<1024x64xf32>
    %mul3A_211 = arith.mulf %mul3A_210, %add3A_208 : vector<1024x64xf32>
    %mul3A_212 = arith.constant 0.707106769 : f32
    %mul3A_213 = vector.broadcast %mul3A_212 : f32 to vector<1024x64xf32>
    %mul3A_214 = arith.mulf %add3A_208, %mul3A_213 : vector<1024x64xf32>
    %erf3A_215 = math.erf %mul3A_214 : vector<1024x64xf32>
    %add3A_216 = arith.constant 1.000000e+00 : f32
    %add3A_217 = vector.broadcast %add3A_216 : f32 to vector<1024x64xf32>
    %add3A_218 = arith.addf %add3A_217, %erf3A_215 : vector<1024x64xf32>
    %mul3A_219 = arith.mulf %mul3A_211, %add3A_218 : vector<1024x64xf32>
    %dot_general3A_220 = arith.constant dense<0.000000e+00> : vector<1024x128xf32>
    %dot_general3A_221 = tpu.matmul %mul3A_219, %get3A_7, %dot_general3A_220 {dimension_numbers = #tpu.dot_dimension_numbers<[1], [0], [0], [1], [0, 0, 1, 1], [], []>, transpose_lhs_hint = false} : vector<1024x64xf32>, vector<64x128xf32>, vector<1024x128xf32> -> vector<1024x128xf32>
    %mul3A_222 = vector.broadcast %mul3A_51 : vector<1x128xf32> to vector<1024x128xf32>
    %mul3A_223 = arith.mulf %dot_general3A_221, %mul3A_222 : vector<1024x128xf32>
    %add3A_224 = vector.broadcast %sub3A_56 : vector<1x128xf32> to vector<1024x128xf32>
    %add3A_225 = arith.addf %mul3A_223, %add3A_224 : vector<1024x128xf32>
    %mul3A_226 = arith.constant 5.000000e-01 : f32
    %mul3A_227 = vector.broadcast %mul3A_226 : f32 to vector<1024x128xf32>
    %mul3A_228 = arith.mulf %mul3A_227, %add3A_225 : vector<1024x128xf32>
    %mul3A_229 = arith.constant 0.707106769 : f32
    %mul3A_230 = vector.broadcast %mul3A_229 : f32 to vector<1024x128xf32>
    %mul3A_231 = arith.mulf %add3A_225, %mul3A_230 : vector<1024x128xf32>
    %erf3A_232 = math.erf %mul3A_231 : vector<1024x128xf32>
    %add3A_233 = arith.constant 1.000000e+00 : f32
    %add3A_234 = vector.broadcast %add3A_233 : f32 to vector<1024x128xf32>
    %add3A_235 = arith.addf %add3A_234, %erf3A_232 : vector<1024x128xf32>
    %mul3A_236 = arith.mulf %mul3A_228, %add3A_235 : vector<1024x128xf32>
    %max3A_237 = arith.maximumf %max3A_191, %mul3A_236 : vector<1024x128xf32>
    %get3A_238 = arith.constant 4 : index
    %get3A_239 = arith.constant 0 : index
    %get3A_240 = arith.constant 0 : index
    %get3A_241 = vector.load %arg2[%get3A_238, %get3A_239, %get3A_240] : memref<16x1024x16xf32, #tpu.memory_space<vmem>>, vector<1x1024x16xf32>
    %get3A_242 = vector.shape_cast %get3A_241 : vector<1x1024x16xf32> to vector<1024x16xf32>
    %sub3A_243 = arith.subf %get3A_242, %get3A_1 : vector<1024x16xf32>
    %slice3A_244 = vector.extract_strided_slice %get3A_4 {offsets = [0, 0], sizes = [16, 64], strides = [1, 1]} : vector<32x64xf32> to vector<16x64xf32>
    %dot_general3A_245 = arith.constant dense<0.000000e+00> : vector<1024x64xf32>
    %dot_general3A_246 = tpu.matmul %get3A_1, %slice3A_244, %dot_general3A_245 {dimension_numbers = #tpu.dot_dimension_numbers<[1], [0], [0], [1], [0, 0, 1, 1], [], []>, transpose_lhs_hint = false} : vector<1024x16xf32>, vector<16x64xf32>, vector<1024x64xf32> -> vector<1024x64xf32>
    %slice3A_247 = vector.extract_strided_slice %get3A_4 {offsets = [16, 0], sizes = [16, 64], strides = [1, 1]} : vector<32x64xf32> to vector<16x64xf32>
    %dot_general3A_248 = arith.constant dense<0.000000e+00> : vector<1024x64xf32>
    %dot_general3A_249 = tpu.matmul %sub3A_243, %slice3A_247, %dot_general3A_248 {dimension_numbers = #tpu.dot_dimension_numbers<[1], [0], [0], [1], [0, 0, 1, 1], [], []>, transpose_lhs_hint = false} : vector<1024x16xf32>, vector<16x64xf32>, vector<1024x64xf32> -> vector<1024x64xf32>
    %add3A_250 = arith.addf %dot_general3A_246, %dot_general3A_249 : vector<1024x64xf32>
    %mul3A_251 = vector.broadcast %mul3A_24 : vector<1x64xf32> to vector<1024x64xf32>
    %mul3A_252 = arith.mulf %add3A_250, %mul3A_251 : vector<1024x64xf32>
    %add3A_253 = vector.broadcast %sub3A_29 : vector<1x64xf32> to vector<1024x64xf32>
    %add3A_254 = arith.addf %mul3A_252, %add3A_253 : vector<1024x64xf32>
    %mul3A_255 = arith.constant 5.000000e-01 : f32
    %mul3A_256 = vector.broadcast %mul3A_255 : f32 to vector<1024x64xf32>
    %mul3A_257 = arith.mulf %mul3A_256, %add3A_254 : vector<1024x64xf32>
    %mul3A_258 = arith.constant 0.707106769 : f32
    %mul3A_259 = vector.broadcast %mul3A_258 : f32 to vector<1024x64xf32>
    %mul3A_260 = arith.mulf %add3A_254, %mul3A_259 : vector<1024x64xf32>
    %erf3A_261 = math.erf %mul3A_260 : vector<1024x64xf32>
    %add3A_262 = arith.constant 1.000000e+00 : f32
    %add3A_263 = vector.broadcast %add3A_262 : f32 to vector<1024x64xf32>
    %add3A_264 = arith.addf %add3A_263, %erf3A_261 : vector<1024x64xf32>
    %mul3A_265 = arith.mulf %mul3A_257, %add3A_264 : vector<1024x64xf32>
    %dot_general3A_266 = arith.constant dense<0.000000e+00> : vector<1024x128xf32>
    %dot_general3A_267 = tpu.matmul %mul3A_265, %get3A_7, %dot_general3A_266 {dimension_numbers = #tpu.dot_dimension_numbers<[1], [0], [0], [1], [0, 0, 1, 1], [], []>, transpose_lhs_hint = false} : vector<1024x64xf32>, vector<64x128xf32>, vector<1024x128xf32> -> vector<1024x128xf32>
    %mul3A_268 = vector.broadcast %mul3A_51 : vector<1x128xf32> to vector<1024x128xf32>
    %mul3A_269 = arith.mulf %dot_general3A_267, %mul3A_268 : vector<1024x128xf32>
    %add3A_270 = vector.broadcast %sub3A_56 : vector<1x128xf32> to vector<1024x128xf32>
    %add3A_271 = arith.addf %mul3A_269, %add3A_270 : vector<1024x128xf32>
    %mul3A_272 = arith.constant 5.000000e-01 : f32
    %mul3A_273 = vector.broadcast %mul3A_272 : f32 to vector<1024x128xf32>
    %mul3A_274 = arith.mulf %mul3A_273, %add3A_271 : vector<1024x128xf32>
    %mul3A_275 = arith.constant 0.707106769 : f32
    %mul3A_276 = vector.broadcast %mul3A_275 : f32 to vector<1024x128xf32>
    %mul3A_277 = arith.mulf %add3A_271, %mul3A_276 : vector<1024x128xf32>
    %erf3A_278 = math.erf %mul3A_277 : vector<1024x128xf32>
    %add3A_279 = arith.constant 1.000000e+00 : f32
    %add3A_280 = vector.broadcast %add3A_279 : f32 to vector<1024x128xf32>
    %add3A_281 = arith.addf %add3A_280, %erf3A_278 : vector<1024x128xf32>
    %mul3A_282 = arith.mulf %mul3A_274, %add3A_281 : vector<1024x128xf32>
    %max3A_283 = arith.maximumf %max3A_237, %mul3A_282 : vector<1024x128xf32>
    %get3A_284 = arith.constant 5 : index
    %get3A_285 = arith.constant 0 : index
    %get3A_286 = arith.constant 0 : index
    %get3A_287 = vector.load %arg2[%get3A_284, %get3A_285, %get3A_286] : memref<16x1024x16xf32, #tpu.memory_space<vmem>>, vector<1x1024x16xf32>
    %get3A_288 = vector.shape_cast %get3A_287 : vector<1x1024x16xf32> to vector<1024x16xf32>
    %sub3A_289 = arith.subf %get3A_288, %get3A_1 : vector<1024x16xf32>
    %slice3A_290 = vector.extract_strided_slice %get3A_4 {offsets = [0, 0], sizes = [16, 64], strides = [1, 1]} : vector<32x64xf32> to vector<16x64xf32>
    %dot_general3A_291 = arith.constant dense<0.000000e+00> : vector<1024x64xf32>
    %dot_general3A_292 = tpu.matmul %get3A_1, %slice3A_290, %dot_general3A_291 {dimension_numbers = #tpu.dot_dimension_numbers<[1], [0], [0], [1], [0, 0, 1, 1], [], []>, transpose_lhs_hint = false} : vector<1024x16xf32>, vector<16x64xf32>, vector<1024x64xf32> -> vector<1024x64xf32>
    %slice3A_293 = vector.extract_strided_slice %get3A_4 {offsets = [16, 0], sizes = [16, 64], strides = [1, 1]} : vector<32x64xf32> to vector<16x64xf32>
    %dot_general3A_294 = arith.constant dense<0.000000e+00> : vector<1024x64xf32>
    %dot_general3A_295 = tpu.matmul %sub3A_289, %slice3A_293, %dot_general3A_294 {dimension_numbers = #tpu.dot_dimension_numbers<[1], [0], [0], [1], [0, 0, 1, 1], [], []>, transpose_lhs_hint = false} : vector<1024x16xf32>, vector<16x64xf32>, vector<1024x64xf32> -> vector<1024x64xf32>
    %add3A_296 = arith.addf %dot_general3A_292, %dot_general3A_295 : vector<1024x64xf32>
    %mul3A_297 = vector.broadcast %mul3A_24 : vector<1x64xf32> to vector<1024x64xf32>
    %mul3A_298 = arith.mulf %add3A_296, %mul3A_297 : vector<1024x64xf32>
    %add3A_299 = vector.broadcast %sub3A_29 : vector<1x64xf32> to vector<1024x64xf32>
    %add3A_300 = arith.addf %mul3A_298, %add3A_299 : vector<1024x64xf32>
    %mul3A_301 = arith.constant 5.000000e-01 : f32
    %mul3A_302 = vector.broadcast %mul3A_301 : f32 to vector<1024x64xf32>
    %mul3A_303 = arith.mulf %mul3A_302, %add3A_300 : vector<1024x64xf32>
    %mul3A_304 = arith.constant 0.707106769 : f32
    %mul3A_305 = vector.broadcast %mul3A_304 : f32 to vector<1024x64xf32>
    %mul3A_306 = arith.mulf %add3A_300, %mul3A_305 : vector<1024x64xf32>
    %erf3A_307 = math.erf %mul3A_306 : vector<1024x64xf32>
    %add3A_308 = arith.constant 1.000000e+00 : f32
    %add3A_309 = vector.broadcast %add3A_308 : f32 to vector<1024x64xf32>
    %add3A_310 = arith.addf %add3A_309, %erf3A_307 : vector<1024x64xf32>
    %mul3A_311 = arith.mulf %mul3A_303, %add3A_310 : vector<1024x64xf32>
    %dot_general3A_312 = arith.constant dense<0.000000e+00> : vector<1024x128xf32>
    %dot_general3A_313 = tpu.matmul %mul3A_311, %get3A_7, %dot_general3A_312 {dimension_numbers = #tpu.dot_dimension_numbers<[1], [0], [0], [1], [0, 0, 1, 1], [], []>, transpose_lhs_hint = false} : vector<1024x64xf32>, vector<64x128xf32>, vector<1024x128xf32> -> vector<1024x128xf32>
    %mul3A_314 = vector.broadcast %mul3A_51 : vector<1x128xf32> to vector<1024x128xf32>
    %mul3A_315 = arith.mulf %dot_general3A_313, %mul3A_314 : vector<1024x128xf32>
    %add3A_316 = vector.broadcast %sub3A_56 : vector<1x128xf32> to vector<1024x128xf32>
    %add3A_317 = arith.addf %mul3A_315, %add3A_316 : vector<1024x128xf32>
    %mul3A_318 = arith.constant 5.000000e-01 : f32
    %mul3A_319 = vector.broadcast %mul3A_318 : f32 to vector<1024x128xf32>
    %mul3A_320 = arith.mulf %mul3A_319, %add3A_317 : vector<1024x128xf32>
    %mul3A_321 = arith.constant 0.707106769 : f32
    %mul3A_322 = vector.broadcast %mul3A_321 : f32 to vector<1024x128xf32>
    %mul3A_323 = arith.mulf %add3A_317, %mul3A_322 : vector<1024x128xf32>
    %erf3A_324 = math.erf %mul3A_323 : vector<1024x128xf32>
    %add3A_325 = arith.constant 1.000000e+00 : f32
    %add3A_326 = vector.broadcast %add3A_325 : f32 to vector<1024x128xf32>
    %add3A_327 = arith.addf %add3A_326, %erf3A_324 : vector<1024x128xf32>
    %mul3A_328 = arith.mulf %mul3A_320, %add3A_327 : vector<1024x128xf32>
    %max3A_329 = arith.maximumf %max3A_283, %mul3A_328 : vector<1024x128xf32>
    %get3A_330 = arith.constant 6 : index
    %get3A_331 = arith.constant 0 : index
    %get3A_332 = arith.constant 0 : index
    %get3A_333 = vector.load %arg2[%get3A_330, %get3A_331, %get3A_332] : memref<16x1024x16xf32, #tpu.memory_space<vmem>>, vector<1x1024x16xf32>
    %get3A_334 = vector.shape_cast %get3A_333 : vector<1x1024x16xf32> to vector<1024x16xf32>
    %sub3A_335 = arith.subf %get3A_334, %get3A_1 : vector<1024x16xf32>
    %slice3A_336 = vector.extract_strided_slice %get3A_4 {offsets = [0, 0], sizes = [16, 64], strides = [1, 1]} : vector<32x64xf32> to vector<16x64xf32>
    %dot_general3A_337 = arith.constant dense<0.000000e+00> : vector<1024x64xf32>
    %dot_general3A_338 = tpu.matmul %get3A_1, %slice3A_336, %dot_general3A_337 {dimension_numbers = #tpu.dot_dimension_numbers<[1], [0], [0], [1], [0, 0, 1, 1], [], []>, transpose_lhs_hint = false} : vector<1024x16xf32>, vector<16x64xf32>, vector<1024x64xf32> -> vector<1024x64xf32>
    %slice3A_339 = vector.extract_strided_slice %get3A_4 {offsets = [16, 0], sizes = [16, 64], strides = [1, 1]} : vector<32x64xf32> to vector<16x64xf32>
    %dot_general3A_340 = arith.constant dense<0.000000e+00> : vector<1024x64xf32>
    %dot_general3A_341 = tpu.matmul %sub3A_335, %slice3A_339, %dot_general3A_340 {dimension_numbers = #tpu.dot_dimension_numbers<[1], [0], [0], [1], [0, 0, 1, 1], [], []>, transpose_lhs_hint = false} : vector<1024x16xf32>, vector<16x64xf32>, vector<1024x64xf32> -> vector<1024x64xf32>
    %add3A_342 = arith.addf %dot_general3A_338, %dot_general3A_341 : vector<1024x64xf32>
    %mul3A_343 = vector.broadcast %mul3A_24 : vector<1x64xf32> to vector<1024x64xf32>
    %mul3A_344 = arith.mulf %add3A_342, %mul3A_343 : vector<1024x64xf32>
    %add3A_345 = vector.broadcast %sub3A_29 : vector<1x64xf32> to vector<1024x64xf32>
    %add3A_346 = arith.addf %mul3A_344, %add3A_345 : vector<1024x64xf32>
    %mul3A_347 = arith.constant 5.000000e-01 : f32
    %mul3A_348 = vector.broadcast %mul3A_347 : f32 to vector<1024x64xf32>
    %mul3A_349 = arith.mulf %mul3A_348, %add3A_346 : vector<1024x64xf32>
    %mul3A_350 = arith.constant 0.707106769 : f32
    %mul3A_351 = vector.broadcast %mul3A_350 : f32 to vector<1024x64xf32>
    %mul3A_352 = arith.mulf %add3A_346, %mul3A_351 : vector<1024x64xf32>
    %erf3A_353 = math.erf %mul3A_352 : vector<1024x64xf32>
    %add3A_354 = arith.constant 1.000000e+00 : f32
    %add3A_355 = vector.broadcast %add3A_354 : f32 to vector<1024x64xf32>
    %add3A_356 = arith.addf %add3A_355, %erf3A_353 : vector<1024x64xf32>
    %mul3A_357 = arith.mulf %mul3A_349, %add3A_356 : vector<1024x64xf32>
    %dot_general3A_358 = arith.constant dense<0.000000e+00> : vector<1024x128xf32>
    %dot_general3A_359 = tpu.matmul %mul3A_357, %get3A_7, %dot_general3A_358 {dimension_numbers = #tpu.dot_dimension_numbers<[1], [0], [0], [1], [0, 0, 1, 1], [], []>, transpose_lhs_hint = false} : vector<1024x64xf32>, vector<64x128xf32>, vector<1024x128xf32> -> vector<1024x128xf32>
    %mul3A_360 = vector.broadcast %mul3A_51 : vector<1x128xf32> to vector<1024x128xf32>
    %mul3A_361 = arith.mulf %dot_general3A_359, %mul3A_360 : vector<1024x128xf32>
    %add3A_362 = vector.broadcast %sub3A_56 : vector<1x128xf32> to vector<1024x128xf32>
    %add3A_363 = arith.addf %mul3A_361, %add3A_362 : vector<1024x128xf32>
    %mul3A_364 = arith.constant 5.000000e-01 : f32
    %mul3A_365 = vector.broadcast %mul3A_364 : f32 to vector<1024x128xf32>
    %mul3A_366 = arith.mulf %mul3A_365, %add3A_363 : vector<1024x128xf32>
    %mul3A_367 = arith.constant 0.707106769 : f32
    %mul3A_368 = vector.broadcast %mul3A_367 : f32 to vector<1024x128xf32>
    %mul3A_369 = arith.mulf %add3A_363, %mul3A_368 : vector<1024x128xf32>
    %erf3A_370 = math.erf %mul3A_369 : vector<1024x128xf32>
    %add3A_371 = arith.constant 1.000000e+00 : f32
    %add3A_372 = vector.broadcast %add3A_371 : f32 to vector<1024x128xf32>
    %add3A_373 = arith.addf %add3A_372, %erf3A_370 : vector<1024x128xf32>
    %mul3A_374 = arith.mulf %mul3A_366, %add3A_373 : vector<1024x128xf32>
    %max3A_375 = arith.maximumf %max3A_329, %mul3A_374 : vector<1024x128xf32>
    %get3A_376 = arith.constant 7 : index
    %get3A_377 = arith.constant 0 : index
    %get3A_378 = arith.constant 0 : index
    %get3A_379 = vector.load %arg2[%get3A_376, %get3A_377, %get3A_378] : memref<16x1024x16xf32, #tpu.memory_space<vmem>>, vector<1x1024x16xf32>
    %get3A_380 = vector.shape_cast %get3A_379 : vector<1x1024x16xf32> to vector<1024x16xf32>
    %sub3A_381 = arith.subf %get3A_380, %get3A_1 : vector<1024x16xf32>
    %slice3A_382 = vector.extract_strided_slice %get3A_4 {offsets = [0, 0], sizes = [16, 64], strides = [1, 1]} : vector<32x64xf32> to vector<16x64xf32>
    %dot_general3A_383 = arith.constant dense<0.000000e+00> : vector<1024x64xf32>
    %dot_general3A_384 = tpu.matmul %get3A_1, %slice3A_382, %dot_general3A_383 {dimension_numbers = #tpu.dot_dimension_numbers<[1], [0], [0], [1], [0, 0, 1, 1], [], []>, transpose_lhs_hint = false} : vector<1024x16xf32>, vector<16x64xf32>, vector<1024x64xf32> -> vector<1024x64xf32>
    %slice3A_385 = vector.extract_strided_slice %get3A_4 {offsets = [16, 0], sizes = [16, 64], strides = [1, 1]} : vector<32x64xf32> to vector<16x64xf32>
    %dot_general3A_386 = arith.constant dense<0.000000e+00> : vector<1024x64xf32>
    %dot_general3A_387 = tpu.matmul %sub3A_381, %slice3A_385, %dot_general3A_386 {dimension_numbers = #tpu.dot_dimension_numbers<[1], [0], [0], [1], [0, 0, 1, 1], [], []>, transpose_lhs_hint = false} : vector<1024x16xf32>, vector<16x64xf32>, vector<1024x64xf32> -> vector<1024x64xf32>
    %add3A_388 = arith.addf %dot_general3A_384, %dot_general3A_387 : vector<1024x64xf32>
    %mul3A_389 = vector.broadcast %mul3A_24 : vector<1x64xf32> to vector<1024x64xf32>
    %mul3A_390 = arith.mulf %add3A_388, %mul3A_389 : vector<1024x64xf32>
    %add3A_391 = vector.broadcast %sub3A_29 : vector<1x64xf32> to vector<1024x64xf32>
    %add3A_392 = arith.addf %mul3A_390, %add3A_391 : vector<1024x64xf32>
    %mul3A_393 = arith.constant 5.000000e-01 : f32
    %mul3A_394 = vector.broadcast %mul3A_393 : f32 to vector<1024x64xf32>
    %mul3A_395 = arith.mulf %mul3A_394, %add3A_392 : vector<1024x64xf32>
    %mul3A_396 = arith.constant 0.707106769 : f32
    %mul3A_397 = vector.broadcast %mul3A_396 : f32 to vector<1024x64xf32>
    %mul3A_398 = arith.mulf %add3A_392, %mul3A_397 : vector<1024x64xf32>
    %erf3A_399 = math.erf %mul3A_398 : vector<1024x64xf32>
    %add3A_400 = arith.constant 1.000000e+00 : f32
    %add3A_401 = vector.broadcast %add3A_400 : f32 to vector<1024x64xf32>
    %add3A_402 = arith.addf %add3A_401, %erf3A_399 : vector<1024x64xf32>
    %mul3A_403 = arith.mulf %mul3A_395, %add3A_402 : vector<1024x64xf32>
    %dot_general3A_404 = arith.constant dense<0.000000e+00> : vector<1024x128xf32>
    %dot_general3A_405 = tpu.matmul %mul3A_403, %get3A_7, %dot_general3A_404 {dimension_numbers = #tpu.dot_dimension_numbers<[1], [0], [0], [1], [0, 0, 1, 1], [], []>, transpose_lhs_hint = false} : vector<1024x64xf32>, vector<64x128xf32>, vector<1024x128xf32> -> vector<1024x128xf32>
    %mul3A_406 = vector.broadcast %mul3A_51 : vector<1x128xf32> to vector<1024x128xf32>
    %mul3A_407 = arith.mulf %dot_general3A_405, %mul3A_406 : vector<1024x128xf32>
    %add3A_408 = vector.broadcast %sub3A_56 : vector<1x128xf32> to vector<1024x128xf32>
    %add3A_409 = arith.addf %mul3A_407, %add3A_408 : vector<1024x128xf32>
    %mul3A_410 = arith.constant 5.000000e-01 : f32
    %mul3A_411 = vector.broadcast %mul3A_410 : f32 to vector<1024x128xf32>
    %mul3A_412 = arith.mulf %mul3A_411, %add3A_409 : vector<1024x128xf32>
    %mul3A_413 = arith.constant 0.707106769 : f32
    %mul3A_414 = vector.broadcast %mul3A_413 : f32 to vector<1024x128xf32>
    %mul3A_415 = arith.mulf %add3A_409, %mul3A_414 : vector<1024x128xf32>
    %erf3A_416 = math.erf %mul3A_415 : vector<1024x128xf32>
    %add3A_417 = arith.constant 1.000000e+00 : f32
    %add3A_418 = vector.broadcast %add3A_417 : f32 to vector<1024x128xf32>
    %add3A_419 = arith.addf %add3A_418, %erf3A_416 : vector<1024x128xf32>
    %mul3A_420 = arith.mulf %mul3A_412, %add3A_419 : vector<1024x128xf32>
    %max3A_421 = arith.maximumf %max3A_375, %mul3A_420 : vector<1024x128xf32>
    %get3A_422 = arith.constant 8 : index
    %get3A_423 = arith.constant 0 : index
    %get3A_424 = arith.constant 0 : index
    %get3A_425 = vector.load %arg2[%get3A_422, %get3A_423, %get3A_424] : memref<16x1024x16xf32, #tpu.memory_space<vmem>>, vector<1x1024x16xf32>
    %get3A_426 = vector.shape_cast %get3A_425 : vector<1x1024x16xf32> to vector<1024x16xf32>
    %sub3A_427 = arith.subf %get3A_426, %get3A_1 : vector<1024x16xf32>
    %slice3A_428 = vector.extract_strided_slice %get3A_4 {offsets = [0, 0], sizes = [16, 64], strides = [1, 1]} : vector<32x64xf32> to vector<16x64xf32>
    %dot_general3A_429 = arith.constant dense<0.000000e+00> : vector<1024x64xf32>
    %dot_general3A_430 = tpu.matmul %get3A_1, %slice3A_428, %dot_general3A_429 {dimension_numbers = #tpu.dot_dimension_numbers<[1], [0], [0], [1], [0, 0, 1, 1], [], []>, transpose_lhs_hint = false} : vector<1024x16xf32>, vector<16x64xf32>, vector<1024x64xf32> -> vector<1024x64xf32>
    %slice3A_431 = vector.extract_strided_slice %get3A_4 {offsets = [16, 0], sizes = [16, 64], strides = [1, 1]} : vector<32x64xf32> to vector<16x64xf32>
    %dot_general3A_432 = arith.constant dense<0.000000e+00> : vector<1024x64xf32>
    %dot_general3A_433 = tpu.matmul %sub3A_427, %slice3A_431, %dot_general3A_432 {dimension_numbers = #tpu.dot_dimension_numbers<[1], [0], [0], [1], [0, 0, 1, 1], [], []>, transpose_lhs_hint = false} : vector<1024x16xf32>, vector<16x64xf32>, vector<1024x64xf32> -> vector<1024x64xf32>
    %add3A_434 = arith.addf %dot_general3A_430, %dot_general3A_433 : vector<1024x64xf32>
    %mul3A_435 = vector.broadcast %mul3A_24 : vector<1x64xf32> to vector<1024x64xf32>
    %mul3A_436 = arith.mulf %add3A_434, %mul3A_435 : vector<1024x64xf32>
    %add3A_437 = vector.broadcast %sub3A_29 : vector<1x64xf32> to vector<1024x64xf32>
    %add3A_438 = arith.addf %mul3A_436, %add3A_437 : vector<1024x64xf32>
    %mul3A_439 = arith.constant 5.000000e-01 : f32
    %mul3A_440 = vector.broadcast %mul3A_439 : f32 to vector<1024x64xf32>
    %mul3A_441 = arith.mulf %mul3A_440, %add3A_438 : vector<1024x64xf32>
    %mul3A_442 = arith.constant 0.707106769 : f32
    %mul3A_443 = vector.broadcast %mul3A_442 : f32 to vector<1024x64xf32>
    %mul3A_444 = arith.mulf %add3A_438, %mul3A_443 : vector<1024x64xf32>
    %erf3A_445 = math.erf %mul3A_444 : vector<1024x64xf32>
    %add3A_446 = arith.constant 1.000000e+00 : f32
    %add3A_447 = vector.broadcast %add3A_446 : f32 to vector<1024x64xf32>
    %add3A_448 = arith.addf %add3A_447, %erf3A_445 : vector<1024x64xf32>
    %mul3A_449 = arith.mulf %mul3A_441, %add3A_448 : vector<1024x64xf32>
    %dot_general3A_450 = arith.constant dense<0.000000e+00> : vector<1024x128xf32>
    %dot_general3A_451 = tpu.matmul %mul3A_449, %get3A_7, %dot_general3A_450 {dimension_numbers = #tpu.dot_dimension_numbers<[1], [0], [0], [1], [0, 0, 1, 1], [], []>, transpose_lhs_hint = false} : vector<1024x64xf32>, vector<64x128xf32>, vector<1024x128xf32> -> vector<1024x128xf32>
    %mul3A_452 = vector.broadcast %mul3A_51 : vector<1x128xf32> to vector<1024x128xf32>
    %mul3A_453 = arith.mulf %dot_general3A_451, %mul3A_452 : vector<1024x128xf32>
    %add3A_454 = vector.broadcast %sub3A_56 : vector<1x128xf32> to vector<1024x128xf32>
    %add3A_455 = arith.addf %mul3A_453, %add3A_454 : vector<1024x128xf32>
    %mul3A_456 = arith.constant 5.000000e-01 : f32
    %mul3A_457 = vector.broadcast %mul3A_456 : f32 to vector<1024x128xf32>
    %mul3A_458 = arith.mulf %mul3A_457, %add3A_455 : vector<1024x128xf32>
    %mul3A_459 = arith.constant 0.707106769 : f32
    %mul3A_460 = vector.broadcast %mul3A_459 : f32 to vector<1024x128xf32>
    %mul3A_461 = arith.mulf %add3A_455, %mul3A_460 : vector<1024x128xf32>
    %erf3A_462 = math.erf %mul3A_461 : vector<1024x128xf32>
    %add3A_463 = arith.constant 1.000000e+00 : f32
    %add3A_464 = vector.broadcast %add3A_463 : f32 to vector<1024x128xf32>
    %add3A_465 = arith.addf %add3A_464, %erf3A_462 : vector<1024x128xf32>
    %mul3A_466 = arith.mulf %mul3A_458, %add3A_465 : vector<1024x128xf32>
    %max3A_467 = arith.maximumf %max3A_421, %mul3A_466 : vector<1024x128xf32>
    %get3A_468 = arith.constant 9 : index
    %get3A_469 = arith.constant 0 : index
    %get3A_470 = arith.constant 0 : index
    %get3A_471 = vector.load %arg2[%get3A_468, %get3A_469, %get3A_470] : memref<16x1024x16xf32, #tpu.memory_space<vmem>>, vector<1x1024x16xf32>
    %get3A_472 = vector.shape_cast %get3A_471 : vector<1x1024x16xf32> to vector<1024x16xf32>
    %sub3A_473 = arith.subf %get3A_472, %get3A_1 : vector<1024x16xf32>
    %slice3A_474 = vector.extract_strided_slice %get3A_4 {offsets = [0, 0], sizes = [16, 64], strides = [1, 1]} : vector<32x64xf32> to vector<16x64xf32>
    %dot_general3A_475 = arith.constant dense<0.000000e+00> : vector<1024x64xf32>
    %dot_general3A_476 = tpu.matmul %get3A_1, %slice3A_474, %dot_general3A_475 {dimension_numbers = #tpu.dot_dimension_numbers<[1], [0], [0], [1], [0, 0, 1, 1], [], []>, transpose_lhs_hint = false} : vector<1024x16xf32>, vector<16x64xf32>, vector<1024x64xf32> -> vector<1024x64xf32>
    %slice3A_477 = vector.extract_strided_slice %get3A_4 {offsets = [16, 0], sizes = [16, 64], strides = [1, 1]} : vector<32x64xf32> to vector<16x64xf32>
    %dot_general3A_478 = arith.constant dense<0.000000e+00> : vector<1024x64xf32>
    %dot_general3A_479 = tpu.matmul %sub3A_473, %slice3A_477, %dot_general3A_478 {dimension_numbers = #tpu.dot_dimension_numbers<[1], [0], [0], [1], [0, 0, 1, 1], [], []>, transpose_lhs_hint = false} : vector<1024x16xf32>, vector<16x64xf32>, vector<1024x64xf32> -> vector<1024x64xf32>
    %add3A_480 = arith.addf %dot_general3A_476, %dot_general3A_479 : vector<1024x64xf32>
    %mul3A_481 = vector.broadcast %mul3A_24 : vector<1x64xf32> to vector<1024x64xf32>
    %mul3A_482 = arith.mulf %add3A_480, %mul3A_481 : vector<1024x64xf32>
    %add3A_483 = vector.broadcast %sub3A_29 : vector<1x64xf32> to vector<1024x64xf32>
    %add3A_484 = arith.addf %mul3A_482, %add3A_483 : vector<1024x64xf32>
    %mul3A_485 = arith.constant 5.000000e-01 : f32
    %mul3A_486 = vector.broadcast %mul3A_485 : f32 to vector<1024x64xf32>
    %mul3A_487 = arith.mulf %mul3A_486, %add3A_484 : vector<1024x64xf32>
    %mul3A_488 = arith.constant 0.707106769 : f32
    %mul3A_489 = vector.broadcast %mul3A_488 : f32 to vector<1024x64xf32>
    %mul3A_490 = arith.mulf %add3A_484, %mul3A_489 : vector<1024x64xf32>
    %erf3A_491 = math.erf %mul3A_490 : vector<1024x64xf32>
    %add3A_492 = arith.constant 1.000000e+00 : f32
    %add3A_493 = vector.broadcast %add3A_492 : f32 to vector<1024x64xf32>
    %add3A_494 = arith.addf %add3A_493, %erf3A_491 : vector<1024x64xf32>
    %mul3A_495 = arith.mulf %mul3A_487, %add3A_494 : vector<1024x64xf32>
    %dot_general3A_496 = arith.constant dense<0.000000e+00> : vector<1024x128xf32>
    %dot_general3A_497 = tpu.matmul %mul3A_495, %get3A_7, %dot_general3A_496 {dimension_numbers = #tpu.dot_dimension_numbers<[1], [0], [0], [1], [0, 0, 1, 1], [], []>, transpose_lhs_hint = false} : vector<1024x64xf32>, vector<64x128xf32>, vector<1024x128xf32> -> vector<1024x128xf32>
    %mul3A_498 = vector.broadcast %mul3A_51 : vector<1x128xf32> to vector<1024x128xf32>
    %mul3A_499 = arith.mulf %dot_general3A_497, %mul3A_498 : vector<1024x128xf32>
    %add3A_500 = vector.broadcast %sub3A_56 : vector<1x128xf32> to vector<1024x128xf32>
    %add3A_501 = arith.addf %mul3A_499, %add3A_500 : vector<1024x128xf32>
    %mul3A_502 = arith.constant 5.000000e-01 : f32
    %mul3A_503 = vector.broadcast %mul3A_502 : f32 to vector<1024x128xf32>
    %mul3A_504 = arith.mulf %mul3A_503, %add3A_501 : vector<1024x128xf32>
    %mul3A_505 = arith.constant 0.707106769 : f32
    %mul3A_506 = vector.broadcast %mul3A_505 : f32 to vector<1024x128xf32>
    %mul3A_507 = arith.mulf %add3A_501, %mul3A_506 : vector<1024x128xf32>
    %erf3A_508 = math.erf %mul3A_507 : vector<1024x128xf32>
    %add3A_509 = arith.constant 1.000000e+00 : f32
    %add3A_510 = vector.broadcast %add3A_509 : f32 to vector<1024x128xf32>
    %add3A_511 = arith.addf %add3A_510, %erf3A_508 : vector<1024x128xf32>
    %mul3A_512 = arith.mulf %mul3A_504, %add3A_511 : vector<1024x128xf32>
    %max3A_513 = arith.maximumf %max3A_467, %mul3A_512 : vector<1024x128xf32>
    %get3A_514 = arith.constant 10 : index
    %get3A_515 = arith.constant 0 : index
    %get3A_516 = arith.constant 0 : index
    %get3A_517 = vector.load %arg2[%get3A_514, %get3A_515, %get3A_516] : memref<16x1024x16xf32, #tpu.memory_space<vmem>>, vector<1x1024x16xf32>
    %get3A_518 = vector.shape_cast %get3A_517 : vector<1x1024x16xf32> to vector<1024x16xf32>
    %sub3A_519 = arith.subf %get3A_518, %get3A_1 : vector<1024x16xf32>
    %slice3A_520 = vector.extract_strided_slice %get3A_4 {offsets = [0, 0], sizes = [16, 64], strides = [1, 1]} : vector<32x64xf32> to vector<16x64xf32>
    %dot_general3A_521 = arith.constant dense<0.000000e+00> : vector<1024x64xf32>
    %dot_general3A_522 = tpu.matmul %get3A_1, %slice3A_520, %dot_general3A_521 {dimension_numbers = #tpu.dot_dimension_numbers<[1], [0], [0], [1], [0, 0, 1, 1], [], []>, transpose_lhs_hint = false} : vector<1024x16xf32>, vector<16x64xf32>, vector<1024x64xf32> -> vector<1024x64xf32>
    %slice3A_523 = vector.extract_strided_slice %get3A_4 {offsets = [16, 0], sizes = [16, 64], strides = [1, 1]} : vector<32x64xf32> to vector<16x64xf32>
    %dot_general3A_524 = arith.constant dense<0.000000e+00> : vector<1024x64xf32>
    %dot_general3A_525 = tpu.matmul %sub3A_519, %slice3A_523, %dot_general3A_524 {dimension_numbers = #tpu.dot_dimension_numbers<[1], [0], [0], [1], [0, 0, 1, 1], [], []>, transpose_lhs_hint = false} : vector<1024x16xf32>, vector<16x64xf32>, vector<1024x64xf32> -> vector<1024x64xf32>
    %add3A_526 = arith.addf %dot_general3A_522, %dot_general3A_525 : vector<1024x64xf32>
    %mul3A_527 = vector.broadcast %mul3A_24 : vector<1x64xf32> to vector<1024x64xf32>
    %mul3A_528 = arith.mulf %add3A_526, %mul3A_527 : vector<1024x64xf32>
    %add3A_529 = vector.broadcast %sub3A_29 : vector<1x64xf32> to vector<1024x64xf32>
    %add3A_530 = arith.addf %mul3A_528, %add3A_529 : vector<1024x64xf32>
    %mul3A_531 = arith.constant 5.000000e-01 : f32
    %mul3A_532 = vector.broadcast %mul3A_531 : f32 to vector<1024x64xf32>
    %mul3A_533 = arith.mulf %mul3A_532, %add3A_530 : vector<1024x64xf32>
    %mul3A_534 = arith.constant 0.707106769 : f32
    %mul3A_535 = vector.broadcast %mul3A_534 : f32 to vector<1024x64xf32>
    %mul3A_536 = arith.mulf %add3A_530, %mul3A_535 : vector<1024x64xf32>
    %erf3A_537 = math.erf %mul3A_536 : vector<1024x64xf32>
    %add3A_538 = arith.constant 1.000000e+00 : f32
    %add3A_539 = vector.broadcast %add3A_538 : f32 to vector<1024x64xf32>
    %add3A_540 = arith.addf %add3A_539, %erf3A_537 : vector<1024x64xf32>
    %mul3A_541 = arith.mulf %mul3A_533, %add3A_540 : vector<1024x64xf32>
    %dot_general3A_542 = arith.constant dense<0.000000e+00> : vector<1024x128xf32>
    %dot_general3A_543 = tpu.matmul %mul3A_541, %get3A_7, %dot_general3A_542 {dimension_numbers = #tpu.dot_dimension_numbers<[1], [0], [0], [1], [0, 0, 1, 1], [], []>, transpose_lhs_hint = false} : vector<1024x64xf32>, vector<64x128xf32>, vector<1024x128xf32> -> vector<1024x128xf32>
    %mul3A_544 = vector.broadcast %mul3A_51 : vector<1x128xf32> to vector<1024x128xf32>
    %mul3A_545 = arith.mulf %dot_general3A_543, %mul3A_544 : vector<1024x128xf32>
    %add3A_546 = vector.broadcast %sub3A_56 : vector<1x128xf32> to vector<1024x128xf32>
    %add3A_547 = arith.addf %mul3A_545, %add3A_546 : vector<1024x128xf32>
    %mul3A_548 = arith.constant 5.000000e-01 : f32
    %mul3A_549 = vector.broadcast %mul3A_548 : f32 to vector<1024x128xf32>
    %mul3A_550 = arith.mulf %mul3A_549, %add3A_547 : vector<1024x128xf32>
    %mul3A_551 = arith.constant 0.707106769 : f32
    %mul3A_552 = vector.broadcast %mul3A_551 : f32 to vector<1024x128xf32>
    %mul3A_553 = arith.mulf %add3A_547, %mul3A_552 : vector<1024x128xf32>
    %erf3A_554 = math.erf %mul3A_553 : vector<1024x128xf32>
    %add3A_555 = arith.constant 1.000000e+00 : f32
    %add3A_556 = vector.broadcast %add3A_555 : f32 to vector<1024x128xf32>
    %add3A_557 = arith.addf %add3A_556, %erf3A_554 : vector<1024x128xf32>
    %mul3A_558 = arith.mulf %mul3A_550, %add3A_557 : vector<1024x128xf32>
    %max3A_559 = arith.maximumf %max3A_513, %mul3A_558 : vector<1024x128xf32>
    %get3A_560 = arith.constant 11 : index
    %get3A_561 = arith.constant 0 : index
    %get3A_562 = arith.constant 0 : index
    %get3A_563 = vector.load %arg2[%get3A_560, %get3A_561, %get3A_562] : memref<16x1024x16xf32, #tpu.memory_space<vmem>>, vector<1x1024x16xf32>
    %get3A_564 = vector.shape_cast %get3A_563 : vector<1x1024x16xf32> to vector<1024x16xf32>
    %sub3A_565 = arith.subf %get3A_564, %get3A_1 : vector<1024x16xf32>
    %slice3A_566 = vector.extract_strided_slice %get3A_4 {offsets = [0, 0], sizes = [16, 64], strides = [1, 1]} : vector<32x64xf32> to vector<16x64xf32>
    %dot_general3A_567 = arith.constant dense<0.000000e+00> : vector<1024x64xf32>
    %dot_general3A_568 = tpu.matmul %get3A_1, %slice3A_566, %dot_general3A_567 {dimension_numbers = #tpu.dot_dimension_numbers<[1], [0], [0], [1], [0, 0, 1, 1], [], []>, transpose_lhs_hint = false} : vector<1024x16xf32>, vector<16x64xf32>, vector<1024x64xf32> -> vector<1024x64xf32>
    %slice3A_569 = vector.extract_strided_slice %get3A_4 {offsets = [16, 0], sizes = [16, 64], strides = [1, 1]} : vector<32x64xf32> to vector<16x64xf32>
    %dot_general3A_570 = arith.constant dense<0.000000e+00> : vector<1024x64xf32>
    %dot_general3A_571 = tpu.matmul %sub3A_565, %slice3A_569, %dot_general3A_570 {dimension_numbers = #tpu.dot_dimension_numbers<[1], [0], [0], [1], [0, 0, 1, 1], [], []>, transpose_lhs_hint = false} : vector<1024x16xf32>, vector<16x64xf32>, vector<1024x64xf32> -> vector<1024x64xf32>
    %add3A_572 = arith.addf %dot_general3A_568, %dot_general3A_571 : vector<1024x64xf32>
    %mul3A_573 = vector.broadcast %mul3A_24 : vector<1x64xf32> to vector<1024x64xf32>
    %mul3A_574 = arith.mulf %add3A_572, %mul3A_573 : vector<1024x64xf32>
    %add3A_575 = vector.broadcast %sub3A_29 : vector<1x64xf32> to vector<1024x64xf32>
    %add3A_576 = arith.addf %mul3A_574, %add3A_575 : vector<1024x64xf32>
    %mul3A_577 = arith.constant 5.000000e-01 : f32
    %mul3A_578 = vector.broadcast %mul3A_577 : f32 to vector<1024x64xf32>
    %mul3A_579 = arith.mulf %mul3A_578, %add3A_576 : vector<1024x64xf32>
    %mul3A_580 = arith.constant 0.707106769 : f32
    %mul3A_581 = vector.broadcast %mul3A_580 : f32 to vector<1024x64xf32>
    %mul3A_582 = arith.mulf %add3A_576, %mul3A_581 : vector<1024x64xf32>
    %erf3A_583 = math.erf %mul3A_582 : vector<1024x64xf32>
    %add3A_584 = arith.constant 1.000000e+00 : f32
    %add3A_585 = vector.broadcast %add3A_584 : f32 to vector<1024x64xf32>
    %add3A_586 = arith.addf %add3A_585, %erf3A_583 : vector<1024x64xf32>
    %mul3A_587 = arith.mulf %mul3A_579, %add3A_586 : vector<1024x64xf32>
    %dot_general3A_588 = arith.constant dense<0.000000e+00> : vector<1024x128xf32>
    %dot_general3A_589 = tpu.matmul %mul3A_587, %get3A_7, %dot_general3A_588 {dimension_numbers = #tpu.dot_dimension_numbers<[1], [0], [0], [1], [0, 0, 1, 1], [], []>, transpose_lhs_hint = false} : vector<1024x64xf32>, vector<64x128xf32>, vector<1024x128xf32> -> vector<1024x128xf32>
    %mul3A_590 = vector.broadcast %mul3A_51 : vector<1x128xf32> to vector<1024x128xf32>
    %mul3A_591 = arith.mulf %dot_general3A_589, %mul3A_590 : vector<1024x128xf32>
    %add3A_592 = vector.broadcast %sub3A_56 : vector<1x128xf32> to vector<1024x128xf32>
    %add3A_593 = arith.addf %mul3A_591, %add3A_592 : vector<1024x128xf32>
    %mul3A_594 = arith.constant 5.000000e-01 : f32
    %mul3A_595 = vector.broadcast %mul3A_594 : f32 to vector<1024x128xf32>
    %mul3A_596 = arith.mulf %mul3A_595, %add3A_593 : vector<1024x128xf32>
    %mul3A_597 = arith.constant 0.707106769 : f32
    %mul3A_598 = vector.broadcast %mul3A_597 : f32 to vector<1024x128xf32>
    %mul3A_599 = arith.mulf %add3A_593, %mul3A_598 : vector<1024x128xf32>
    %erf3A_600 = math.erf %mul3A_599 : vector<1024x128xf32>
    %add3A_601 = arith.constant 1.000000e+00 : f32
    %add3A_602 = vector.broadcast %add3A_601 : f32 to vector<1024x128xf32>
    %add3A_603 = arith.addf %add3A_602, %erf3A_600 : vector<1024x128xf32>
    %mul3A_604 = arith.mulf %mul3A_596, %add3A_603 : vector<1024x128xf32>
    %max3A_605 = arith.maximumf %max3A_559, %mul3A_604 : vector<1024x128xf32>
    %get3A_606 = arith.constant 12 : index
    %get3A_607 = arith.constant 0 : index
    %get3A_608 = arith.constant 0 : index
    %get3A_609 = vector.load %arg2[%get3A_606, %get3A_607, %get3A_608] : memref<16x1024x16xf32, #tpu.memory_space<vmem>>, vector<1x1024x16xf32>
    %get3A_610 = vector.shape_cast %get3A_609 : vector<1x1024x16xf32> to vector<1024x16xf32>
    %sub3A_611 = arith.subf %get3A_610, %get3A_1 : vector<1024x16xf32>
    %slice3A_612 = vector.extract_strided_slice %get3A_4 {offsets = [0, 0], sizes = [16, 64], strides = [1, 1]} : vector<32x64xf32> to vector<16x64xf32>
    %dot_general3A_613 = arith.constant dense<0.000000e+00> : vector<1024x64xf32>
    %dot_general3A_614 = tpu.matmul %get3A_1, %slice3A_612, %dot_general3A_613 {dimension_numbers = #tpu.dot_dimension_numbers<[1], [0], [0], [1], [0, 0, 1, 1], [], []>, transpose_lhs_hint = false} : vector<1024x16xf32>, vector<16x64xf32>, vector<1024x64xf32> -> vector<1024x64xf32>
    %slice3A_615 = vector.extract_strided_slice %get3A_4 {offsets = [16, 0], sizes = [16, 64], strides = [1, 1]} : vector<32x64xf32> to vector<16x64xf32>
    %dot_general3A_616 = arith.constant dense<0.000000e+00> : vector<1024x64xf32>
    %dot_general3A_617 = tpu.matmul %sub3A_611, %slice3A_615, %dot_general3A_616 {dimension_numbers = #tpu.dot_dimension_numbers<[1], [0], [0], [1], [0, 0, 1, 1], [], []>, transpose_lhs_hint = false} : vector<1024x16xf32>, vector<16x64xf32>, vector<1024x64xf32> -> vector<1024x64xf32>
    %add3A_618 = arith.addf %dot_general3A_614, %dot_general3A_617 : vector<1024x64xf32>
    %mul3A_619 = vector.broadcast %mul3A_24 : vector<1x64xf32> to vector<1024x64xf32>
    %mul3A_620 = arith.mulf %add3A_618, %mul3A_619 : vector<1024x64xf32>
    %add3A_621 = vector.broadcast %sub3A_29 : vector<1x64xf32> to vector<1024x64xf32>
    %add3A_622 = arith.addf %mul3A_620, %add3A_621 : vector<1024x64xf32>
    %mul3A_623 = arith.constant 5.000000e-01 : f32
    %mul3A_624 = vector.broadcast %mul3A_623 : f32 to vector<1024x64xf32>
    %mul3A_625 = arith.mulf %mul3A_624, %add3A_622 : vector<1024x64xf32>
    %mul3A_626 = arith.constant 0.707106769 : f32
    %mul3A_627 = vector.broadcast %mul3A_626 : f32 to vector<1024x64xf32>
    %mul3A_628 = arith.mulf %add3A_622, %mul3A_627 : vector<1024x64xf32>
    %erf3A_629 = math.erf %mul3A_628 : vector<1024x64xf32>
    %add3A_630 = arith.constant 1.000000e+00 : f32
    %add3A_631 = vector.broadcast %add3A_630 : f32 to vector<1024x64xf32>
    %add3A_632 = arith.addf %add3A_631, %erf3A_629 : vector<1024x64xf32>
    %mul3A_633 = arith.mulf %mul3A_625, %add3A_632 : vector<1024x64xf32>
    %dot_general3A_634 = arith.constant dense<0.000000e+00> : vector<1024x128xf32>
    %dot_general3A_635 = tpu.matmul %mul3A_633, %get3A_7, %dot_general3A_634 {dimension_numbers = #tpu.dot_dimension_numbers<[1], [0], [0], [1], [0, 0, 1, 1], [], []>, transpose_lhs_hint = false} : vector<1024x64xf32>, vector<64x128xf32>, vector<1024x128xf32> -> vector<1024x128xf32>
    %mul3A_636 = vector.broadcast %mul3A_51 : vector<1x128xf32> to vector<1024x128xf32>
    %mul3A_637 = arith.mulf %dot_general3A_635, %mul3A_636 : vector<1024x128xf32>
    %add3A_638 = vector.broadcast %sub3A_56 : vector<1x128xf32> to vector<1024x128xf32>
    %add3A_639 = arith.addf %mul3A_637, %add3A_638 : vector<1024x128xf32>
    %mul3A_640 = arith.constant 5.000000e-01 : f32
    %mul3A_641 = vector.broadcast %mul3A_640 : f32 to vector<1024x128xf32>
    %mul3A_642 = arith.mulf %mul3A_641, %add3A_639 : vector<1024x128xf32>
    %mul3A_643 = arith.constant 0.707106769 : f32
    %mul3A_644 = vector.broadcast %mul3A_643 : f32 to vector<1024x128xf32>
    %mul3A_645 = arith.mulf %add3A_639, %mul3A_644 : vector<1024x128xf32>
    %erf3A_646 = math.erf %mul3A_645 : vector<1024x128xf32>
    %add3A_647 = arith.constant 1.000000e+00 : f32
    %add3A_648 = vector.broadcast %add3A_647 : f32 to vector<1024x128xf32>
    %add3A_649 = arith.addf %add3A_648, %erf3A_646 : vector<1024x128xf32>
    %mul3A_650 = arith.mulf %mul3A_642, %add3A_649 : vector<1024x128xf32>
    %max3A_651 = arith.maximumf %max3A_605, %mul3A_650 : vector<1024x128xf32>
    %get3A_652 = arith.constant 13 : index
    %get3A_653 = arith.constant 0 : index
    %get3A_654 = arith.constant 0 : index
    %get3A_655 = vector.load %arg2[%get3A_652, %get3A_653, %get3A_654] : memref<16x1024x16xf32, #tpu.memory_space<vmem>>, vector<1x1024x16xf32>
    %get3A_656 = vector.shape_cast %get3A_655 : vector<1x1024x16xf32> to vector<1024x16xf32>
    %sub3A_657 = arith.subf %get3A_656, %get3A_1 : vector<1024x16xf32>
    %slice3A_658 = vector.extract_strided_slice %get3A_4 {offsets = [0, 0], sizes = [16, 64], strides = [1, 1]} : vector<32x64xf32> to vector<16x64xf32>
    %dot_general3A_659 = arith.constant dense<0.000000e+00> : vector<1024x64xf32>
    %dot_general3A_660 = tpu.matmul %get3A_1, %slice3A_658, %dot_general3A_659 {dimension_numbers = #tpu.dot_dimension_numbers<[1], [0], [0], [1], [0, 0, 1, 1], [], []>, transpose_lhs_hint = false} : vector<1024x16xf32>, vector<16x64xf32>, vector<1024x64xf32> -> vector<1024x64xf32>
    %slice3A_661 = vector.extract_strided_slice %get3A_4 {offsets = [16, 0], sizes = [16, 64], strides = [1, 1]} : vector<32x64xf32> to vector<16x64xf32>
    %dot_general3A_662 = arith.constant dense<0.000000e+00> : vector<1024x64xf32>
    %dot_general3A_663 = tpu.matmul %sub3A_657, %slice3A_661, %dot_general3A_662 {dimension_numbers = #tpu.dot_dimension_numbers<[1], [0], [0], [1], [0, 0, 1, 1], [], []>, transpose_lhs_hint = false} : vector<1024x16xf32>, vector<16x64xf32>, vector<1024x64xf32> -> vector<1024x64xf32>
    %add3A_664 = arith.addf %dot_general3A_660, %dot_general3A_663 : vector<1024x64xf32>
    %mul3A_665 = vector.broadcast %mul3A_24 : vector<1x64xf32> to vector<1024x64xf32>
    %mul3A_666 = arith.mulf %add3A_664, %mul3A_665 : vector<1024x64xf32>
    %add3A_667 = vector.broadcast %sub3A_29 : vector<1x64xf32> to vector<1024x64xf32>
    %add3A_668 = arith.addf %mul3A_666, %add3A_667 : vector<1024x64xf32>
    %mul3A_669 = arith.constant 5.000000e-01 : f32
    %mul3A_670 = vector.broadcast %mul3A_669 : f32 to vector<1024x64xf32>
    %mul3A_671 = arith.mulf %mul3A_670, %add3A_668 : vector<1024x64xf32>
    %mul3A_672 = arith.constant 0.707106769 : f32
    %mul3A_673 = vector.broadcast %mul3A_672 : f32 to vector<1024x64xf32>
    %mul3A_674 = arith.mulf %add3A_668, %mul3A_673 : vector<1024x64xf32>
    %erf3A_675 = math.erf %mul3A_674 : vector<1024x64xf32>
    %add3A_676 = arith.constant 1.000000e+00 : f32
    %add3A_677 = vector.broadcast %add3A_676 : f32 to vector<1024x64xf32>
    %add3A_678 = arith.addf %add3A_677, %erf3A_675 : vector<1024x64xf32>
    %mul3A_679 = arith.mulf %mul3A_671, %add3A_678 : vector<1024x64xf32>
    %dot_general3A_680 = arith.constant dense<0.000000e+00> : vector<1024x128xf32>
    %dot_general3A_681 = tpu.matmul %mul3A_679, %get3A_7, %dot_general3A_680 {dimension_numbers = #tpu.dot_dimension_numbers<[1], [0], [0], [1], [0, 0, 1, 1], [], []>, transpose_lhs_hint = false} : vector<1024x64xf32>, vector<64x128xf32>, vector<1024x128xf32> -> vector<1024x128xf32>
    %mul3A_682 = vector.broadcast %mul3A_51 : vector<1x128xf32> to vector<1024x128xf32>
    %mul3A_683 = arith.mulf %dot_general3A_681, %mul3A_682 : vector<1024x128xf32>
    %add3A_684 = vector.broadcast %sub3A_56 : vector<1x128xf32> to vector<1024x128xf32>
    %add3A_685 = arith.addf %mul3A_683, %add3A_684 : vector<1024x128xf32>
    %mul3A_686 = arith.constant 5.000000e-01 : f32
    %mul3A_687 = vector.broadcast %mul3A_686 : f32 to vector<1024x128xf32>
    %mul3A_688 = arith.mulf %mul3A_687, %add3A_685 : vector<1024x128xf32>
    %mul3A_689 = arith.constant 0.707106769 : f32
    %mul3A_690 = vector.broadcast %mul3A_689 : f32 to vector<1024x128xf32>
    %mul3A_691 = arith.mulf %add3A_685, %mul3A_690 : vector<1024x128xf32>
    %erf3A_692 = math.erf %mul3A_691 : vector<1024x128xf32>
    %add3A_693 = arith.constant 1.000000e+00 : f32
    %add3A_694 = vector.broadcast %add3A_693 : f32 to vector<1024x128xf32>
    %add3A_695 = arith.addf %add3A_694, %erf3A_692 : vector<1024x128xf32>
    %mul3A_696 = arith.mulf %mul3A_688, %add3A_695 : vector<1024x128xf32>
    %max3A_697 = arith.maximumf %max3A_651, %mul3A_696 : vector<1024x128xf32>
    %get3A_698 = arith.constant 14 : index
    %get3A_699 = arith.constant 0 : index
    %get3A_700 = arith.constant 0 : index
    %get3A_701 = vector.load %arg2[%get3A_698, %get3A_699, %get3A_700] : memref<16x1024x16xf32, #tpu.memory_space<vmem>>, vector<1x1024x16xf32>
    %get3A_702 = vector.shape_cast %get3A_701 : vector<1x1024x16xf32> to vector<1024x16xf32>
    %sub3A_703 = arith.subf %get3A_702, %get3A_1 : vector<1024x16xf32>
    %slice3A_704 = vector.extract_strided_slice %get3A_4 {offsets = [0, 0], sizes = [16, 64], strides = [1, 1]} : vector<32x64xf32> to vector<16x64xf32>
    %dot_general3A_705 = arith.constant dense<0.000000e+00> : vector<1024x64xf32>
    %dot_general3A_706 = tpu.matmul %get3A_1, %slice3A_704, %dot_general3A_705 {dimension_numbers = #tpu.dot_dimension_numbers<[1], [0], [0], [1], [0, 0, 1, 1], [], []>, transpose_lhs_hint = false} : vector<1024x16xf32>, vector<16x64xf32>, vector<1024x64xf32> -> vector<1024x64xf32>
    %slice3A_707 = vector.extract_strided_slice %get3A_4 {offsets = [16, 0], sizes = [16, 64], strides = [1, 1]} : vector<32x64xf32> to vector<16x64xf32>
    %dot_general3A_708 = arith.constant dense<0.000000e+00> : vector<1024x64xf32>
    %dot_general3A_709 = tpu.matmul %sub3A_703, %slice3A_707, %dot_general3A_708 {dimension_numbers = #tpu.dot_dimension_numbers<[1], [0], [0], [1], [0, 0, 1, 1], [], []>, transpose_lhs_hint = false} : vector<1024x16xf32>, vector<16x64xf32>, vector<1024x64xf32> -> vector<1024x64xf32>
    %add3A_710 = arith.addf %dot_general3A_706, %dot_general3A_709 : vector<1024x64xf32>
    %mul3A_711 = vector.broadcast %mul3A_24 : vector<1x64xf32> to vector<1024x64xf32>
    %mul3A_712 = arith.mulf %add3A_710, %mul3A_711 : vector<1024x64xf32>
    %add3A_713 = vector.broadcast %sub3A_29 : vector<1x64xf32> to vector<1024x64xf32>
    %add3A_714 = arith.addf %mul3A_712, %add3A_713 : vector<1024x64xf32>
    %mul3A_715 = arith.constant 5.000000e-01 : f32
    %mul3A_716 = vector.broadcast %mul3A_715 : f32 to vector<1024x64xf32>
    %mul3A_717 = arith.mulf %mul3A_716, %add3A_714 : vector<1024x64xf32>
    %mul3A_718 = arith.constant 0.707106769 : f32
    %mul3A_719 = vector.broadcast %mul3A_718 : f32 to vector<1024x64xf32>
    %mul3A_720 = arith.mulf %add3A_714, %mul3A_719 : vector<1024x64xf32>
    %erf3A_721 = math.erf %mul3A_720 : vector<1024x64xf32>
    %add3A_722 = arith.constant 1.000000e+00 : f32
    %add3A_723 = vector.broadcast %add3A_722 : f32 to vector<1024x64xf32>
    %add3A_724 = arith.addf %add3A_723, %erf3A_721 : vector<1024x64xf32>
    %mul3A_725 = arith.mulf %mul3A_717, %add3A_724 : vector<1024x64xf32>
    %dot_general3A_726 = arith.constant dense<0.000000e+00> : vector<1024x128xf32>
    %dot_general3A_727 = tpu.matmul %mul3A_725, %get3A_7, %dot_general3A_726 {dimension_numbers = #tpu.dot_dimension_numbers<[1], [0], [0], [1], [0, 0, 1, 1], [], []>, transpose_lhs_hint = false} : vector<1024x64xf32>, vector<64x128xf32>, vector<1024x128xf32> -> vector<1024x128xf32>
    %mul3A_728 = vector.broadcast %mul3A_51 : vector<1x128xf32> to vector<1024x128xf32>
    %mul3A_729 = arith.mulf %dot_general3A_727, %mul3A_728 : vector<1024x128xf32>
    %add3A_730 = vector.broadcast %sub3A_56 : vector<1x128xf32> to vector<1024x128xf32>
    %add3A_731 = arith.addf %mul3A_729, %add3A_730 : vector<1024x128xf32>
    %mul3A_732 = arith.constant 5.000000e-01 : f32
    %mul3A_733 = vector.broadcast %mul3A_732 : f32 to vector<1024x128xf32>
    %mul3A_734 = arith.mulf %mul3A_733, %add3A_731 : vector<1024x128xf32>
    %mul3A_735 = arith.constant 0.707106769 : f32
    %mul3A_736 = vector.broadcast %mul3A_735 : f32 to vector<1024x128xf32>
    %mul3A_737 = arith.mulf %add3A_731, %mul3A_736 : vector<1024x128xf32>
    %erf3A_738 = math.erf %mul3A_737 : vector<1024x128xf32>
    %add3A_739 = arith.constant 1.000000e+00 : f32
    %add3A_740 = vector.broadcast %add3A_739 : f32 to vector<1024x128xf32>
    %add3A_741 = arith.addf %add3A_740, %erf3A_738 : vector<1024x128xf32>
    %mul3A_742 = arith.mulf %mul3A_734, %add3A_741 : vector<1024x128xf32>
    %max3A_743 = arith.maximumf %max3A_697, %mul3A_742 : vector<1024x128xf32>
    %get3A_744 = arith.constant 15 : index
    %get3A_745 = arith.constant 0 : index
    %get3A_746 = arith.constant 0 : index
    %get3A_747 = vector.load %arg2[%get3A_744, %get3A_745, %get3A_746] : memref<16x1024x16xf32, #tpu.memory_space<vmem>>, vector<1x1024x16xf32>
    %get3A_748 = vector.shape_cast %get3A_747 : vector<1x1024x16xf32> to vector<1024x16xf32>
    %sub3A_749 = arith.subf %get3A_748, %get3A_1 : vector<1024x16xf32>
    %slice3A_750 = vector.extract_strided_slice %get3A_4 {offsets = [0, 0], sizes = [16, 64], strides = [1, 1]} : vector<32x64xf32> to vector<16x64xf32>
    %dot_general3A_751 = arith.constant dense<0.000000e+00> : vector<1024x64xf32>
    %dot_general3A_752 = tpu.matmul %get3A_1, %slice3A_750, %dot_general3A_751 {dimension_numbers = #tpu.dot_dimension_numbers<[1], [0], [0], [1], [0, 0, 1, 1], [], []>, transpose_lhs_hint = false} : vector<1024x16xf32>, vector<16x64xf32>, vector<1024x64xf32> -> vector<1024x64xf32>
    %slice3A_753 = vector.extract_strided_slice %get3A_4 {offsets = [16, 0], sizes = [16, 64], strides = [1, 1]} : vector<32x64xf32> to vector<16x64xf32>
    %dot_general3A_754 = arith.constant dense<0.000000e+00> : vector<1024x64xf32>
    %dot_general3A_755 = tpu.matmul %sub3A_749, %slice3A_753, %dot_general3A_754 {dimension_numbers = #tpu.dot_dimension_numbers<[1], [0], [0], [1], [0, 0, 1, 1], [], []>, transpose_lhs_hint = false} : vector<1024x16xf32>, vector<16x64xf32>, vector<1024x64xf32> -> vector<1024x64xf32>
    %add3A_756 = arith.addf %dot_general3A_752, %dot_general3A_755 : vector<1024x64xf32>
    %mul3A_757 = vector.broadcast %mul3A_24 : vector<1x64xf32> to vector<1024x64xf32>
    %mul3A_758 = arith.mulf %add3A_756, %mul3A_757 : vector<1024x64xf32>
    %add3A_759 = vector.broadcast %sub3A_29 : vector<1x64xf32> to vector<1024x64xf32>
    %add3A_760 = arith.addf %mul3A_758, %add3A_759 : vector<1024x64xf32>
    %mul3A_761 = arith.constant 5.000000e-01 : f32
    %mul3A_762 = vector.broadcast %mul3A_761 : f32 to vector<1024x64xf32>
    %mul3A_763 = arith.mulf %mul3A_762, %add3A_760 : vector<1024x64xf32>
    %mul3A_764 = arith.constant 0.707106769 : f32
    %mul3A_765 = vector.broadcast %mul3A_764 : f32 to vector<1024x64xf32>
    %mul3A_766 = arith.mulf %add3A_760, %mul3A_765 : vector<1024x64xf32>
    %erf3A_767 = math.erf %mul3A_766 : vector<1024x64xf32>
    %add3A_768 = arith.constant 1.000000e+00 : f32
    %add3A_769 = vector.broadcast %add3A_768 : f32 to vector<1024x64xf32>
    %add3A_770 = arith.addf %add3A_769, %erf3A_767 : vector<1024x64xf32>
    %mul3A_771 = arith.mulf %mul3A_763, %add3A_770 : vector<1024x64xf32>
    %dot_general3A_772 = arith.constant dense<0.000000e+00> : vector<1024x128xf32>
    %dot_general3A_773 = tpu.matmul %mul3A_771, %get3A_7, %dot_general3A_772 {dimension_numbers = #tpu.dot_dimension_numbers<[1], [0], [0], [1], [0, 0, 1, 1], [], []>, transpose_lhs_hint = false} : vector<1024x64xf32>, vector<64x128xf32>, vector<1024x128xf32> -> vector<1024x128xf32>
    %mul3A_774 = vector.broadcast %mul3A_51 : vector<1x128xf32> to vector<1024x128xf32>
    %mul3A_775 = arith.mulf %dot_general3A_773, %mul3A_774 : vector<1024x128xf32>
    %add3A_776 = vector.broadcast %sub3A_56 : vector<1x128xf32> to vector<1024x128xf32>
    %add3A_777 = arith.addf %mul3A_775, %add3A_776 : vector<1024x128xf32>
    %mul3A_778 = arith.constant 5.000000e-01 : f32
    %mul3A_779 = vector.broadcast %mul3A_778 : f32 to vector<1024x128xf32>
    %mul3A_780 = arith.mulf %mul3A_779, %add3A_777 : vector<1024x128xf32>
    %mul3A_781 = arith.constant 0.707106769 : f32
    %mul3A_782 = vector.broadcast %mul3A_781 : f32 to vector<1024x128xf32>
    %mul3A_783 = arith.mulf %add3A_777, %mul3A_782 : vector<1024x128xf32>
    %erf3A_784 = math.erf %mul3A_783 : vector<1024x128xf32>
    %add3A_785 = arith.constant 1.000000e+00 : f32
    %add3A_786 = vector.broadcast %add3A_785 : f32 to vector<1024x128xf32>
    %add3A_787 = arith.addf %add3A_786, %erf3A_784 : vector<1024x128xf32>
    %mul3A_788 = arith.mulf %mul3A_780, %add3A_787 : vector<1024x128xf32>
    %max3A_789 = arith.maximumf %max3A_743, %mul3A_788 : vector<1024x128xf32>
    %swap3A = arith.constant 0 : index
    %swap3A_790 = arith.constant 0 : index
    %swap3A_791 = vector.load %arg13[%swap3A, %swap3A_790] : memref<1024x128xf32, #tpu.memory_space<vmem>>, vector<1024x128xf32>
    tpu.vector_store %arg13[%swap3A, %swap3A_790], %max3A_789 {strides = array<i32>} : memref<1024x128xf32, #tpu.memory_space<vmem>>, vector<1024x128xf32>,
    return
  }
  func.func @transform_0(%arg0: i32) -> (i32, i32) {
    %c0_i32 = arith.constant 0 : i32
    %c0_i32_0 = arith.constant 0 : i32
    return %arg0, %c0_i32 : i32, i32
  }
  func.func @transform_1(%arg0: i32) -> (i32, i32, i32) {
    %c0_i32 = arith.constant 0 : i32
    %c0_i32_0 = arith.constant 0 : i32
    %c0_i32_1 = arith.constant 0 : i32
    return %c0_i32, %arg0, %c0_i32_0 : i32, i32, i32
  }
  func.func @transform_2(%arg0: i32) -> (i32, i32) {
    %c0_i32 = arith.constant 0 : i32
    %c0_i32_0 = arith.constant 0 : i32
    %c0_i32_1 = arith.constant 0 : i32
    return %c0_i32, %c0_i32_0 : i32, i32
  }
  func.func @transform_3(%arg0: i32) -> (i32, i32) {
    %c0_i32 = arith.constant 0 : i32
    %c0_i32_0 = arith.constant 0 : i32
    %c0_i32_1 = arith.constant 0 : i32
    return %c0_i32, %c0_i32_0 : i32, i32
  }
  func.func @transform_4(%arg0: i32) -> (i32, i32) {
    %c0_i32 = arith.constant 0 : i32
    %c0_i32_0 = arith.constant 0 : i32
    %c0_i32_1 = arith.constant 0 : i32
    return %c0_i32, %c0_i32_0 : i32, i32
  }
  func.func @transform_5(%arg0: i32) -> (i32, i32) {
    %c0_i32 = arith.constant 0 : i32
    %c0_i32_0 = arith.constant 0 : i32
    %c0_i32_1 = arith.constant 0 : i32
    return %c0_i32, %c0_i32_0 : i32, i32
  }
  func.func @transform_6(%arg0: i32) -> (i32, i32) {
    %c0_i32 = arith.constant 0 : i32
    %c0_i32_0 = arith.constant 0 : i32
    %c0_i32_1 = arith.constant 0 : i32
    return %c0_i32, %c0_i32_0 : i32, i32
  }
  func.func @transform_7(%arg0: i32) -> (i32, i32) {
    %c0_i32 = arith.constant 0 : i32
    %c0_i32_0 = arith.constant 0 : i32
    %c0_i32_1 = arith.constant 0 : i32
    return %c0_i32, %c0_i32_0 : i32, i32
  }
  func.func @transform_8(%arg0: i32) -> (i32, i32) {
    %c0_i32 = arith.constant 0 : i32
    %c0_i32_0 = arith.constant 0 : i32
    %c0_i32_1 = arith.constant 0 : i32
    return %c0_i32, %c0_i32_0 : i32, i32
  }
  func.func @transform_9(%arg0: i32) -> (i32, i32) {
    %c0_i32 = arith.constant 0 : i32
    %c0_i32_0 = arith.constant 0 : i32
    %c0_i32_1 = arith.constant 0 : i32
    return %c0_i32, %c0_i32_0 : i32, i32
  }
  func.func @transform_10(%arg0: i32) -> (i32, i32) {
    %c0_i32 = arith.constant 0 : i32
    %c0_i32_0 = arith.constant 0 : i32
    %c0_i32_1 = arith.constant 0 : i32
    return %c0_i32, %c0_i32_0 : i32, i32
  }
  func.func @transform_11(%arg0: i32) -> (i32, i32) {
    %c0_i32 = arith.constant 0 : i32
    %c0_i32_0 = arith.constant 0 : i32
    %c0_i32_1 = arith.constant 0 : i32
    return %c0_i32, %c0_i32_0 : i32, i32
  }
  func.func @transform_12(%arg0: i32) -> (i32, i32) {
    %c0_i32 = arith.constant 0 : i32
    %c0_i32_0 = arith.constant 0 : i32
    return %arg0, %c0_i32 : i32, i32
  }
}

</mosaic_0001>

<sc_bundles>
// kernel: kernel.7.cloned.1.call-start
scs
__scs_entry_jumppad:
0x0: {  	(pc) =	sbr.rel $0x88, $3  }
0x1: {  	(tag) =	ssettag $0x0;
	lr =	simm.s32 $0x1  }
0x2: {  	[smem:$0x3F9A] =	sst lr;
	_ =	strace $0xD0000000  }
0x3: {  	_ = 	snop  }
0x4: {  	_ = 	snop  }
0x5: {  	_ = 	snop  }
0x6: {  	_ = 	snop  }
0x7: {  	_ = 	snop  }
__scs_overlays_trampoline_lowered:
0x8: {  	[smem:$0x3FA9] =	sst s0  }
0x9: {  	[smem:$0x3FAA] =	sst s1  }
0xa: {  	[smem:$0x3FAB] =	sst s2  }
0xb: {  	[smem:$0x3FAC] =	sst s3  }
0xc: {  	[smem:$0x3FAD] =	sst s4  }
0xd: {  	[smem:$0x3FAE] =	sst s5  }
0xe: {  	[smem:$0x3FAF] =	sst s6  }
0xf: {  	[smem:$0x3FB0] =	sst s7  }
0x10: {  	[smem:$0x3FB1] =	sst s8  }
0x11: {  	[smem:$0x3FB2] =	sst s9;
	s0 =	simm.s32 @!p0 $0x0  }
0x12: {  	s1 =	sld [smem:$0x3F98];
	s0 =	simm.s32 @p0 $0x1  }
0x13: {  	[smem:$0x3FB3] =	sst s0;
	s0 =	simm.s32 @!p1 $0x0  }
0x14: {  	s2 =	sld [smem:$0x3F97];
	s0 =	simm.s32 @p1 $0x1  }
0x15: {  	[smem:$0x3FB4] =	sst s0;
	s0 =	simm.s32 @!p2 $0x0  }
0x16: {  	s3 =	sld [smem:$0x3FDB];
	s0 =	simm.s32 @p2 $0x1  }
0x17: {  	s4 =	simm.s32 $0x1BF5;
	[smem:$0x3FB6] =	sst s0  }
0x18: {  	s0 =	sld [smem:$0x3F99];
	_ =	swait.ge [sflag:s4], $0x0  }
0x19: {  	s7 =	sld [smem:$0x3F9A]  }
0x1a: {  	s8 =	sadd.s32 $0xFFFFE003, lr  }
0x1b: {  	s9 =	sadd.s32 $0xFFFFFEF7, lr;
	s5 =	simm.s32 $0xFFFFFFFF;
	p2 =	slt.u32 s8, $0xFFFFF086  }
0x1c: {  	p1 =	slt.u32 s9, $0xF7A;
	s5 =	simm.s32 @!p2 $0x0  }
0x1d: {  	s5 =	simm.s32 @p1 $0x1;
	p0 =	seq.s32 s7, s2  }
0x1e: {  	s7 =	smul.u32 @!p0 $0xF7A, s2;
	p2 =	seq.s32 @!p0 s5, $0x0  }
0x1f: {  	s9 =	smul.u32 $0xF7A, s1;
	s8 =	simm.s32 @!p0 $0x1BF5;
	p2 =	por !p2, p0  }
0x20: {  	[sflag:s8] =	ssyncset.s32 @!p0 $0xFFFFF086;
	s6 =	sadd.s32 @!p0 s3, s7;
	s7 =	simm.s32 @!p0 $0x108  }
0x21: {  	s3 =	sadd.s32 s3, s9;
	s6 =	sadd.s32 @!p0 $0x88, s6;
	s7 =	simm.s32 @p2 $0x1082  }
0x22: {  	[simem:s7], [sflag:s8] =	dma.local @!p0 [hbm:s6], $0xF7A  }
0x23: {  	s9 =	sor.u32 $0xD0000000, s2;
	s6 =	simm.s32 $0x108;
	_ =	swait.ge @!p0 [sflag:s8], $0x0  }
0x24: {  	s3 =	sadd.s32 $0x88, s3;
	s6 =	simm.s32 @!p1 $0x1082;
	[sflag:s4] =	ssyncset.s32 $0xFFFFF086  }
0x25: {  	[simem:s6], [sflag:s4] =	dma.local [hbm:s3], $0xF7A  }
0x26: {  	[smem:$0x3F9A] =	sst s1;
	(tag) =	ssettag s2;
	_ =	strace s9  }
0x27: {  	s1 =	sld [smem:$0x3FAA]  }
0x28: {  	s2 =	sld [smem:$0x3FAB]  }
0x29: {  	s4 =	sld [smem:$0x3FAD]  }
0x2a: {  	p0 =	seq.s32 s5, $0x0;
	s5 =	sld [smem:$0x3FAE]  }
0x2b: {  	s6 =	sld [smem:$0x3FAF]  }
0x2c: {  	s7 =	sld [smem:$0x3FB0]  }
0x2d: {  	s3 =	simm.s32 $0x108;
	s8 =	sld [smem:$0x3FB1]  }
0x2e: {  	s3 =	simm.s32 @!p0 $0x1082;
	s9 =	sld [smem:$0x3FB2]  }
0x2f: {  	lr =	sadd.s32 s0, s3;
	s0 =	sld [smem:$0x3FA9]  }
0x30: {  	s3 =	sld [smem:$0x3FAC]  }
0x31: {  	[smem:$0x3FB5] =	sst s10  }
0x32: {  	s10 =	sld [smem:$0x3FB3];
	_ =	sdelay $0x3  }
0x33: {  	p0 =	seq.s32 s10, $0x1;
	s10 =	sld [smem:$0x3FB5];
	_ =	sdelay $0x3  }
0x34: {  	[smem:$0x3FB5] =	sst s10  }
0x35: {  	s10 =	sld [smem:$0x3FB4];
	_ =	sdelay $0x3  }
0x36: {  	p1 =	seq.s32 s10, $0x1;
	s10 =	sld [smem:$0x3FB5];
	_ =	sdelay $0x3  }
0x37: {  	[smem:$0x3FB5] =	sst s10  }
0x38: {  	s10 =	sld [smem:$0x3FB6]  }
0x39: {  	_ = 	snop;
	(pc) =	sbr.ind lr, $3  }
0x3a: {  	_ = 	snop  }
0x3b: {  	_ = 	snop  }
0x3c: {  	p2 =	seq.s32 s10, $0x1;
	s10 =	sld [smem:$0x3FB5]  }
0x3d: {  	_ =	shalt  }
0x3e: {  	_ =	shalt  }
0x3f: {  	_ =	shalt  }
0x40: {  	_ =	shalt  }
0x41: {  	_ =	shalt  }
0x42: {  	_ =	shalt  }
0x43: {  	_ =	shalt  }
0x44: {  	_ =	shalt  }
0x45: {  	_ =	shalt  }
0x46: {  	_ =	shalt  }
0x47: {  	_ =	shalt  }
0x48: {  	_ =	shalt  }
0x49: {  	_ =	shalt  }
0x4a: {  	_ =	shalt  }
0x4b: {  	_ =	shalt  }
0x4c: {  	_ =	shalt  }
0x4d: {  	_ =	shalt  }
0x4e: {  	_ =	shalt  }
0x4f: {  	_ =	shalt  }
0x50: {  	_ =	shalt  }
0x51: {  	_ =	shalt  }
0x52: {  	_ =	shalt  }
0x53: {  	_ =	shalt  }
0x54: {  	_ =	shalt  }
0x55: {  	_ =	shalt  }
0x56: {  	_ =	shalt  }
0x57: {  	_ =	shalt  }
0x58: {  	_ =	shalt  }
0x59: {  	_ =	shalt  }
0x5a: {  	_ =	shalt  }
0x5b: {  	_ =	shalt  }
0x5c: {  	_ =	shalt  }
0x5d: {  	_ =	shalt  }
0x5e: {  	_ =	shalt  }
0x5f: {  	_ =	shalt  }
0x60: {  	_ =	shalt  }
0x61: {  	_ =	shalt  }
0x62: {  	_ =	shalt  }
0x63: {  	_ =	shalt  }
0x64: {  	_ =	shalt  }
0x65: {  	_ =	shalt  }
0x66: {  	_ =	shalt  }
0x67: {  	_ =	shalt  }
0x68: {  	_ =	shalt  }
0x69: {  	_ =	shalt  }
0x6a: {  	_ =	shalt  }
0x6b: {  	_ =	shalt  }
0x6c: {  	_ =	shalt  }
0x6d: {  	_ =	shalt  }
0x6e: {  	_ =	shalt  }
0x6f: {  	_ =	shalt  }
0x70: {  	_ =	shalt  }
0x71: {  	_ =	shalt  }
0x72: {  	_ =	shalt  }
0x73: {  	_ =	shalt  }
0x74: {  	_ =	shalt  }
0x75: {  	_ =	shalt  }
0x76: {  	_ =	shalt  }
0x77: {  	_ =	shalt  }
0x78: {  	_ =	shalt  }
0x79: {  	_ =	shalt  }
0x7a: {  	_ =	shalt  }
0x7b: {  	_ =	shalt  }
0x7c: {  	_ =	shalt  }
0x7d: {  	_ =	shalt  }
0x7e: {  	_ =	shalt  }
0x7f: {  	_ =	shalt  }
0x80: {  	_ =	shalt  }
0x81: {  	_ =	shalt  }
0x82: {  	_ =	shalt  }
0x83: {  	_ =	shalt  }
0x84: {  	_ =	shalt  }
0x85: {  	_ =	shalt  }
0x86: {  	_ =	shalt  }
0x87: {  	_ =	shalt  }
.Lfunc_end0:
.L_simem_size_0:
called_computation_lowered:
.L_overlay_start_0:
0x88: {  	s2 =	sld [smem:$0x3FD9]  }
0x89: {  	s3 =	sld [smem:$0x3FFE];
	_ =	sdelay $0x1  }
0x8a: {  	s1 =	srdreg.scid  }
0x8b: {  	s0 =	sand.u32 $0x1, s1  }
0x8c: {  	s17 =	sshll.u32 s0, $0xA;
	s2 =	sadd.s32 s3, s2  }
0x8d: {  	s2 =	sadd.s32 s2, s17  }
0x8e: {  	[smem:$0x3FC1] =	sst s2  }
0x8f: {  	_ = 	snop  }
0x90: {  	s2 =	sld [smem:$0x3FD0];
	(tm) =	ssettm $0x1  }
0x91: {  	s18 =	sld [smem:$0x3FFB];
	_ =	sdelay $0x3  }
0x92: {  	_ =	strace s18  }
0x93: {  	s3 =	sld [smem:$0x3FFC];
	_ =	sdelay $0x3  }
0x94: {  	_ =	strace s3  }
0x95: {  	s3 =	sld [smem:$0x3FFD];
	_ =	sdelay $0x3  }
0x96: {  	_ =	strace s3  }
0x97: {  	_ =	strace $0x8FFFFFFF  }
0x98: {  	s19 =	sld [smem:$0x3FDB];
	_ =	sdelay $0x1  }
0x99: {  	s4 =	simm.s32 $_scs_section_size  }
0x9a: {  	s5 =	simm.s32 $_size__tile_overlayer_lowered;
	s6 =	simm.s32 $_tile_overlayer_lowered  }
0x9b: {  	s22 =	simm.s32 $0x1BFF;
	s21 =	sshll.u32 s6, $0x1;
	s3 =	sadd.s32 s4, s19  }
0x9c: {  	s7 =	simm.s32 $0x0;
	s20 =	sshll.u32 s5, $0x1;
	s5 =	sadd.s32 s21, s3  }
0x9d: {  	[timem:s7], [sflag:s22] =	dma.local [hbm:s5], s20  }
0x9e: {  	_ =	swait.ge [sflag:s22], s20  }
0x9f: {  	s4 =	ssub.s32 $0x0, s20;
	[sflag:s22] =	ssyncset.done $0x0  }
0xa0: {  	[sflag:s22] =	ssyncadd.s32 s4;
	_ =	sdelay $0x1  }
0xa1: {  	s23 =	simm.s32 $0x1B8B  }
0xa2: {  	_ =	swait.ge [sflag:s23], $0x1  }
0xa3: {  	[sflag:s23] =	ssyncset.done $0x0  }
0xa4: {  	s25 =	simm.s32 $0x1B8E;
	s24 =	sld [smem:$0x3FFE];
	[sflag:s23] =	ssyncadd.s32 $0xFFFFFFFF  }
0xa5: {  	s26 =	simm.s32 $execute0_lowered;
	[smem:$0x3FD2] =	sst s25  }
0xa6: {  	s5 =	sshll.u32 s26, $0x1;
	_ =	strace $0x80000046;
	[dreg:$0x1] =	wrdreg $0xFFFFFFFF  }
0xa7: {  	s28 =	simm.s32 $_size_execute0_lowered;
	s3 =	sadd.s32 s3, s5;
	[dreg:$0x0] =	wrdreg $0x0  }
0xa8: {  	s5 =	sshll.u32 s28, $0x1;
	[dreg:$0x2] =	wrdreg s3  }
0xa9: {  	[dreg:$0x3] =	wrdreg s5  }
0xaa: {  	[dreg:$0x4] =	wrdreg $0xC0  }
0xab: {  	_ =	task [dreg:s7], $0x5FFFF  }
0xac: {  	[dreg:$0x1] =	wrdreg $0xFFFFFFFF  }
0xad: {  	[dreg:$0x0] =	wrdreg $0x60  }
0xae: {  	[dreg:$0x2] =	wrdreg s2  }
0xaf: {  	[dreg:$0x3] =	wrdreg s24  }
0xb0: {  	[dreg:$0x4] =	wrdreg $0x9  }
0xb1: {  	_ =	task.clear_ibuf [dreg:s7], $0x5FFFF;
	_ =	strace $0x90000046  }
0xb2: {  	s29 =	simm.s32 $0x9;
	_ =	strace $0x80000048  }
0xb3: {  	_ =	swait.ge [sflag:s29], $0x1  }
0xb4: {  	[sflag:s29] =	ssyncadd.s32 $0xFFFFFFFF  }
0xb5: {  	_ =	strace $0x90000048  }
0xb6: {  	_ =	sfence  }
0xb7: {  	s30 =	sld [smem:$0x0];
	_ =	sdelay $0x2  }
0xb8: {  	s31 =	sshll.u32 s1, $0xD;
	s1 =	sshrl.u32 s1, $0x2  }
0xb9: {  	s3 =	sand.u32 $0x4000, s31;
	s1 =	sadd.s32 s1, s30  }
0xba: {  	s0 =	sor.u32 s3, s0;
	s1 =	sshll.u32 s1, $0x11  }
0xbb: {  	s0 =	sor.u32 s1, s0  }
0xbc: {  	s0 =	sadd.s32 $0x8F2B, s0  }
0xbd: {  	[sflag:s0] =	ssyncadd.remote.s32 $0x1  }
0xbe: {  	_ =	sfence.sel $0xFFFF  }
0xbf: {  	[dreg:$0x0] =	wrdreg $0xFFFFFFFF;
	(pc) =	sbr.abs _section_cstart, $3  }
0xc0: {  	[dreg:$0x1] =	wrdreg $0xFFFFFFFF  }
0xc1: {  	_ =	task.clear_ibuf [dreg:s7], $0x2FFFF;
	_ =	strace $0x9FFFFFFF  }
0xc2: {  	(tm) =	ssettm $0x7FFFFFFF  }
0xc3: {  	_ =	shalt  }
tec
execute0_lowered:
.L_overlay_start_1:
0x0: {  	(tag) =	ssettag $0x1  }
0x1: {  	s1 =	rddreg [dreg:$0x0]  }
0x2: {  	s4 =	rddreg [dreg:$0x1]  }
0x3: {  	s0 =	rddreg [dreg:$0x2]  }
0x4: {  	s5 =	srdreg.scid;
	s3 =	simm.s32 $0x0;
	s2 =	stileid.u32  }
0x5: {  	s10 =	simm.s32 $0xC00;
	s11 =	simm.s32 $0x100;
	s12 =	simm.s32 $0x1400  }
0x6: {  	s13 =	simm.s32 $0x180;
	s14 =	simm.s32 $0x1C00;
	s15 =	simm.s32 $0x200  }
0x7: {  	s16 =	simm.s32 $0x2400;
	s17 =	simm.s32 $0x280;
	s18 =	simm.s32 $0x2C00  }
0x8: {  	s19 =	simm.s32 $0x300;
	s20 =	simm.s32 $0x3400;
	s21 =	simm.s32 $0x380  }
0x9: {  	s22 =	simm.s32 $0x3C00;
	s23 =	simm.s32 $0x1;
	s24 =	simm.s32 $0x0  }
0xa: {  	s5 =	sand.u32 $0x1, s5;
	[smem:$0x7FF] =	sst s3;
	s6 =	sshll.u32 s2, $0xD  }
0xb: {  	s30 =	sshll.u32 s2, $0xE;
	s7 =	sshll.u32 s5, $0xC;
	_ =	strace $0x80000047  }
0xc: {  	s8 =	ssub.s32 $0x2, s5;
	s5 =	sshll.u32 s5, $0xD;
	s6 =	sor.u32 s7, s6  }
0xd: {  	s7 =	sadd.s32 s30, s4;
	s9 =	sshrl.u32 s8, $0x1;
	s6 =	sshrl.u32 s6, $0x3  }
0xe: {  	s31 =	ssub.s32 s8, s9;
	s5 =	sadd.s32 s5, s7;
	s7 =	simm.s32 $0x2  }
0xf: {  	s8 =	simm.s32 $0x80;
	s9 =	simm.s32 $0x400;
	s6 =	sadd.s32 s6, s4  }
0x10: {  	s4 =	smax.u32 s31, $0x1;
	s5 =	sadd.s32 $0x5A00, s5;
	s6 =	sadd.s32 $0x1A00, s6  }
.LBB2_1:
0x11: {  	s25 =	sadd.s32 $0x0, s6  }
0x12: {  	[tilespmem:s3], [sflag:$0x2] =	stream.linear.gather [hbm4b:s25+s3], $0x400, $0x38;
	[tilespmem:$0x4400] =	vst v63  }
0x13: {  	_ =	swait.ge [sflag:s7], $0x400  }
0x14: {  	[sflag:s7] =	ssyncset.done $0x0  }
0x15: {  	[sflag:s7] =	ssyncadd.s32 $0xFFFFFC00  }
0x16: {  	[tilespmem:s9], [sflag:$0x1] =	stream.indirect.gather [hbm4b:s1+s8], $0x10, s3, s8, $0xb8;
	[tilespmem:$0x4400] =	vst v63  }
0x17: {  	_ = 	snop  }
0x18: {  	[tilespmem:s10], [sflag:$0x1] =	stream.indirect.gather [hbm4b:s1+s8], $0x10, s8, s8, $0xb8;
	[tilespmem:$0x4400] =	vst v63  }
0x19: {  	_ = 	snop  }
0x1a: {  	[tilespmem:s12], [sflag:$0x1] =	stream.indirect.gather [hbm4b:s1+s8], $0x10, s11, s8, $0xb8;
	[tilespmem:$0x4400] =	vst v63  }
0x1b: {  	_ = 	snop  }
0x1c: {  	[tilespmem:s14], [sflag:$0x1] =	stream.indirect.gather [hbm4b:s1+s8], $0x10, s13, s8, $0xb8;
	[tilespmem:$0x4400] =	vst v63  }
0x1d: {  	_ = 	snop  }
0x1e: {  	[tilespmem:s16], [sflag:$0x1] =	stream.indirect.gather [hbm4b:s1+s8], $0x10, s15, s8, $0xb8;
	[tilespmem:$0x4400] =	vst v63  }
0x1f: {  	_ = 	snop  }
0x20: {  	[tilespmem:s18], [sflag:$0x1] =	stream.indirect.gather [hbm4b:s1+s8], $0x10, s17, s8, $0xb8;
	[tilespmem:$0x4400] =	vst v63  }
0x21: {  	_ = 	snop  }
0x22: {  	[tilespmem:s20], [sflag:$0x1] =	stream.indirect.gather [hbm4b:s1+s8], $0x10, s19, s8, $0xb8;
	[tilespmem:$0x4400] =	vst v63  }
0x23: {  	_ = 	snop  }
0x24: {  	[tilespmem:s22], [sflag:$0x1] =	stream.indirect.gather [hbm4b:s1+s8], $0x10, s21, s8, $0xb8;
	[tilespmem:$0x4400] =	vst v63  }
0x25: {  	_ =	swait.ge [sflag:s23], $0x800  }
0x26: {  	[sflag:s23] =	ssyncset.done $0x0  }
0x27: {  	[sflag:s23] =	ssyncadd.s32 $0xFFFFF800  }
0x28: {  	_ =	swait.ge [sflag:s23], $0x800  }
0x29: {  	[sflag:s23] =	ssyncset.done $0x0  }
0x2a: {  	[sflag:s23] =	ssyncadd.s32 $0xFFFFF800  }
0x2b: {  	_ =	swait.ge [sflag:s23], $0x800  }
0x2c: {  	[sflag:s23] =	ssyncset.done $0x0  }
0x2d: {  	[sflag:s23] =	ssyncadd.s32 $0xFFFFF800  }
0x2e: {  	_ =	swait.ge [sflag:s23], $0x800  }
0x2f: {  	[sflag:s23] =	ssyncset.done $0x0  }
0x30: {  	[sflag:s23] =	ssyncadd.s32 $0xFFFFF800  }
0x31: {  	_ =	swait.ge [sflag:s23], $0x800  }
0x32: {  	[sflag:s23] =	ssyncset.done $0x0  }
0x33: {  	[sflag:s23] =	ssyncadd.s32 $0xFFFFF800  }
0x34: {  	_ =	swait.ge [sflag:s23], $0x800  }
0x35: {  	[sflag:s23] =	ssyncset.done $0x0  }
0x36: {  	[sflag:s23] =	ssyncadd.s32 $0xFFFFF800  }
0x37: {  	_ =	swait.ge [sflag:s23], $0x800  }
0x38: {  	[sflag:s23] =	ssyncset.done $0x0  }
0x39: {  	[sflag:s23] =	ssyncadd.s32 $0xFFFFF800  }
0x3a: {  	_ =	swait.ge [sflag:s23], $0x800  }
0x3b: {  	[sflag:s23] =	ssyncset.done $0x0  }
0x3c: {  	[sflag:s23] =	ssyncadd.s32 $0xFFFFF800  }
0x3d: {  	[hbm4b:s5+s3] =	stream.linear.scatter [tilespmem:s9], [sflag:$0x2], $0x4000, $0x38;
	[tilespmem:$0x4400] =	vst v63  }
0x3e: {  	s26 =	simm.s32 $0x80;
	_ =	swait.ge [sflag:s7], $0x4000  }
0x3f: {  	s29 =	simm.s32 $0x100;
	s25 =	sadd.s32 $0x800, s5;
	[sflag:s7] =	ssyncset.done $0x0  }
.LBB2_2:
0x40: {  	s30 =	sadd.s32 s26, s6  }
0x41: {  	[sflag:s7] =	ssyncadd.s32 $0xFFFFC000;
	s26 =	smov.u32 s29;
	s28 =	sadd.s32 $0x80, s29  }
0x42: {  	[tilespmem:s3], [sflag:$0x2] =	stream.linear.gather [hbm4b:s30+s3], $0x400, $0x38;
	[tilespmem:$0x4400] =	vst v63  }
0x43: {  	p0 =	sne.s32 s29, $0x180;
	_ =	swait.ge [sflag:s7], $0x400  }
0x44: {  	[sflag:s7] =	ssyncset.done $0x0  }
0x45: {  	[sflag:s7] =	ssyncadd.s32 $0xFFFFFC00  }
0x46: {  	[tilespmem:s9], [sflag:$0x1] =	stream.indirect.gather [hbm4b:s1+s8], $0x10, s3, s8, $0xb8;
	[tilespmem:$0x4400] =	vst v63  }
0x47: {  	_ = 	snop  }
0x48: {  	[tilespmem:s10], [sflag:$0x1] =	stream.indirect.gather [hbm4b:s1+s8], $0x10, s8, s8, $0xb8;
	[tilespmem:$0x4400] =	vst v63  }
0x49: {  	_ = 	snop  }
0x4a: {  	[tilespmem:s12], [sflag:$0x1] =	stream.indirect.gather [hbm4b:s1+s8], $0x10, s11, s8, $0xb8;
	[tilespmem:$0x4400] =	vst v63  }
0x4b: {  	_ = 	snop  }
0x4c: {  	[tilespmem:s14], [sflag:$0x1] =	stream.indirect.gather [hbm4b:s1+s8], $0x10, s13, s8, $0xb8;
	[tilespmem:$0x4400] =	vst v63  }
0x4d: {  	_ = 	snop  }
0x4e: {  	[tilespmem:s16], [sflag:$0x1] =	stream.indirect.gather [hbm4b:s1+s8], $0x10, s15, s8, $0xb8;
	[tilespmem:$0x4400] =	vst v63  }
0x4f: {  	_ = 	snop  }
0x50: {  	[tilespmem:s18], [sflag:$0x1] =	stream.indirect.gather [hbm4b:s1+s8], $0x10, s17, s8, $0xb8;
	[tilespmem:$0x4400] =	vst v63  }
0x51: {  	_ = 	snop  }
0x52: {  	[tilespmem:s20], [sflag:$0x1] =	stream.indirect.gather [hbm4b:s1+s8], $0x10, s19, s8, $0xb8;
	[tilespmem:$0x4400] =	vst v63  }
0x53: {  	_ = 	snop  }
0x54: {  	[tilespmem:s22], [sflag:$0x1] =	stream.indirect.gather [hbm4b:s1+s8], $0x10, s21, s8, $0xb8;
	[tilespmem:$0x4400] =	vst v63  }
0x55: {  	_ =	swait.ge [sflag:s23], $0x800  }
0x56: {  	[sflag:s23] =	ssyncset.done $0x0  }
0x57: {  	[sflag:s23] =	ssyncadd.s32 $0xFFFFF800  }
0x58: {  	_ =	swait.ge [sflag:s23], $0x800  }
0x59: {  	[sflag:s23] =	ssyncset.done $0x0  }
0x5a: {  	[sflag:s23] =	ssyncadd.s32 $0xFFFFF800  }
0x5b: {  	_ =	swait.ge [sflag:s23], $0x800  }
0x5c: {  	[sflag:s23] =	ssyncset.done $0x0  }
0x5d: {  	[sflag:s23] =	ssyncadd.s32 $0xFFFFF800  }
0x5e: {  	_ =	swait.ge [sflag:s23], $0x800  }
0x5f: {  	[sflag:s23] =	ssyncset.done $0x0  }
0x60: {  	[sflag:s23] =	ssyncadd.s32 $0xFFFFF800  }
0x61: {  	_ =	swait.ge [sflag:s23], $0x800  }
0x62: {  	[sflag:s23] =	ssyncset.done $0x0  }
0x63: {  	[sflag:s23] =	ssyncadd.s32 $0xFFFFF800  }
0x64: {  	_ =	swait.ge [sflag:s23], $0x800  }
0x65: {  	[sflag:s23] =	ssyncset.done $0x0  }
0x66: {  	[sflag:s23] =	ssyncadd.s32 $0xFFFFF800  }
0x67: {  	_ =	swait.ge [sflag:s23], $0x800  }
0x68: {  	[sflag:s23] =	ssyncset.done $0x0  }
0x69: {  	[sflag:s23] =	ssyncadd.s32 $0xFFFFF800  }
0x6a: {  	_ =	swait.ge [sflag:s23], $0x800  }
.Ltmp0:
0x6b: {  	[sflag:s23] =	ssyncset.done $0x0;
	(pc) =	sbr.rel @p0 .LBB2_2-.Ltmp0, $4  }
0x6c: {  	[sflag:s23] =	ssyncadd.s32 $0xFFFFF800  }
0x6d: {  	[hbm4b:s25+s3] =	stream.linear.scatter [tilespmem:s9], [sflag:$0x2], $0x4000, $0x38;
	[tilespmem:$0x4400] =	vst v63  }
0x6e: {  	_ =	swait.ge [sflag:s7], $0x4000  }
0x6f: {  	s29 =	smov.u32 s28;
	s25 =	sadd.s32 $0x800, s25;
	[sflag:s7] =	ssyncset.done $0x0  }
0x70: {  	s26 =	sadd.s32 s26, s6;
	[sflag:s7] =	ssyncadd.s32 $0xFFFFC000  }
0x71: {  	[tilespmem:s3], [sflag:$0x2] =	stream.linear.gather [hbm4b:s26+s3], $0x400, $0x38;
	[tilespmem:$0x4400] =	vst v63  }
0x72: {  	_ =	swait.ge [sflag:s7], $0x400  }
0x73: {  	[sflag:s7] =	ssyncset.done $0x0  }
0x74: {  	[sflag:s7] =	ssyncadd.s32 $0xFFFFFC00  }
0x75: {  	[tilespmem:s9], [sflag:$0x1] =	stream.indirect.gather [hbm4b:s1+s8], $0x10, s3, s8, $0xb8;
	[tilespmem:$0x4400] =	vst v63  }
0x76: {  	_ = 	snop  }
0x77: {  	[tilespmem:s10], [sflag:$0x1] =	stream.indirect.gather [hbm4b:s1+s8], $0x10, s8, s8, $0xb8;
	[tilespmem:$0x4400] =	vst v63  }
0x78: {  	_ = 	snop  }
0x79: {  	[tilespmem:s12], [sflag:$0x1] =	stream.indirect.gather [hbm4b:s1+s8], $0x10, s11, s8, $0xb8;
	[tilespmem:$0x4400] =	vst v63  }
0x7a: {  	_ = 	snop  }
0x7b: {  	[tilespmem:s14], [sflag:$0x1] =	stream.indirect.gather [hbm4b:s1+s8], $0x10, s13, s8, $0xb8;
	[tilespmem:$0x4400] =	vst v63  }
0x7c: {  	_ = 	snop  }
0x7d: {  	[tilespmem:s16], [sflag:$0x1] =	stream.indirect.gather [hbm4b:s1+s8], $0x10, s15, s8, $0xb8;
	[tilespmem:$0x4400] =	vst v63  }
0x7e: {  	_ = 	snop  }
0x7f: {  	[tilespmem:s18], [sflag:$0x1] =	stream.indirect.gather [hbm4b:s1+s8], $0x10, s17, s8, $0xb8;
	[tilespmem:$0x4400] =	vst v63  }
0x80: {  	_ = 	snop  }
0x81: {  	[tilespmem:s20], [sflag:$0x1] =	stream.indirect.gather [hbm4b:s1+s8], $0x10, s19, s8, $0xb8;
	[tilespmem:$0x4400] =	vst v63  }
0x82: {  	_ = 	snop  }
0x83: {  	[tilespmem:s22], [sflag:$0x1] =	stream.indirect.gather [hbm4b:s1+s8], $0x10, s21, s8, $0xb8;
	[tilespmem:$0x4400] =	vst v63  }
0x84: {  	_ =	swait.ge [sflag:s23], $0x800  }
0x85: {  	[sflag:s23] =	ssyncset.done $0x0  }
0x86: {  	[sflag:s23] =	ssyncadd.s32 $0xFFFFF800  }
0x87: {  	_ =	swait.ge [sflag:s23], $0x800  }
0x88: {  	[sflag:s23] =	ssyncset.done $0x0  }
0x89: {  	[sflag:s23] =	ssyncadd.s32 $0xFFFFF800  }
0x8a: {  	_ =	swait.ge [sflag:s23], $0x800  }
0x8b: {  	[sflag:s23] =	ssyncset.done $0x0  }
0x8c: {  	[sflag:s23] =	ssyncadd.s32 $0xFFFFF800  }
0x8d: {  	_ =	swait.ge [sflag:s23], $0x800  }
0x8e: {  	[sflag:s23] =	ssyncset.done $0x0  }
0x8f: {  	[sflag:s23] =	ssyncadd.s32 $0xFFFFF800  }
0x90: {  	_ =	swait.ge [sflag:s23], $0x800  }
0x91: {  	[sflag:s23] =	ssyncset.done $0x0  }
0x92: {  	[sflag:s23] =	ssyncadd.s32 $0xFFFFF800  }
0x93: {  	_ =	swait.ge [sflag:s23], $0x800  }
0x94: {  	[sflag:s23] =	ssyncset.done $0x0  }
0x95: {  	[sflag:s23] =	ssyncadd.s32 $0xFFFFF800  }
0x96: {  	_ =	swait.ge [sflag:s23], $0x800  }
0x97: {  	[sflag:s23] =	ssyncset.done $0x0  }
0x98: {  	[sflag:s23] =	ssyncadd.s32 $0xFFFFF800  }
0x99: {  	s24 =	sadd.s32 $0x1, s24;
	_ =	swait.ge [sflag:s23], $0x800  }
0x9a: {  	p0 =	sne.s32 s24, s4;
	[sflag:s23] =	ssyncset.done $0x0  }
.Ltmp1:
0x9b: {  	[sflag:s23] =	ssyncadd.s32 $0xFFFFF800;
	(pc) =	sbr.rel @p0 .LBB2_1-.Ltmp1, $4  }
0x9c: {  	[hbm4b:s25+s3] =	stream.linear.scatter [tilespmem:s9], [sflag:$0x2], $0x4000, $0x38;
	[tilespmem:$0x4400] =	vst v63  }
0x9d: {  	_ =	swait.ge [sflag:s7], $0x4000  }
0x9e: {  	[sflag:s7] =	ssyncset.done $0x0  }
0x9f: {  	[sflag:s7] =	ssyncadd.s32 $0xFFFFC000  }
0xa0: {  	_ =	sfence.sel $0x180000  }
0xa1: {  	[bflag:$0x0] =	sbarrier.arrive $0xFFFF  }
0xa2: {  	p0 =	sne.s32 s2, $0x0;
	_ =	strace $0x90000047  }
0xa3: {  	s0 =	sadd.s32 @!p0 $0x100000, s0;
	[bflag:$0x2] =	sbarrier.arrive $0xFFFF  }
0xa4: {  	[sflag:s0] =	ssyncadd.tile.s32 @!p0 $0x1;
	_ =	shalt  }
.Lfunc_end2:
_tile_overlayer_lowered:
.L_overlay_start_2:
0xa5: {  	(tag) =	ssettag $0x2  }
0xa6: {  	s0 =	rddreg [dreg:$0x0];
	s2 =	stileid.u32  }
0xa7: {  	s1 =	rddreg [dreg:$0x1];
	p0 =	sne.s32 s2, $0x0  }
0xa8: {  	s3 =	rddreg [dreg:$0x2];
	[bflag:$0x3] =	sbarrier.arrive $0xFFFF;
	s2 =	simm.s32 @!p0 $0x1C02  }
0xa9: {  	[timem:s3], [sflag:s2] =	dma.local @!p0 [hbm:s0], s1  }
0xaa: {  	s0 =	simm.s32 @!p0 $0x2  }
0xab: {  	_ =	swait.ge @!p0 [sflag:s0], s1  }
0xac: {  	s1 =	ssub.s32 @!p0 $0x0, s1;
	[sflag:s0] =	ssyncset.done @!p0 $0x0  }
0xad: {  	[sflag:s0] =	ssyncadd.s32 @!p0 s1  }
0xae: {  	[bflag:$0x3] =	sbarrier.arrive $0xFFFF  }
0xaf: {  	_ =	shalt  }

</sc_bundles>
